<compile_context>
chip_gen: v7x
topology: tpu7x:2x2x1
jax: 0.10.2.dev20260603
libtpu: 0.0.44.dev20260713+nightly
codegen_flags: <defaults>
</compile_context>

<pallas_src>
import functools

import jax
import jax.numpy as jnp
from jax import lax
from jax.experimental import pallas as pl
from jax.experimental.pallas import tpu as pltpu
from jax.experimental.pallas import tpu_sc as plsc

N = 16384
E = 32768
NG = 512
D = 64
DHE = 128

NC = 2
NS = 16
NW = NC * NS
EW = E // NW
CHUNK = 128
NCHUNK = EW // CHUNK

@functools.cache
def _sc_kernels():
    mesh = plsc.VectorSubcoreMesh(
        core_axis_name="c", subcore_axis_name="s", num_cores=NC, num_subcores=NS
    )

    @functools.partial(
        pl.kernel,
        out_type=jax.ShapeDtypeStruct((E, D), jnp.float32),
        mesh=mesh,
        scratch_types=[
            pltpu.VMEM((NCHUNK, CHUNK), jnp.int32),
            pltpu.VMEM((EW, D), jnp.float32),
            pltpu.SemaphoreType.DMA,
        ],
        compiler_params=pltpu.CompilerParams(use_tc_tiling_on_sc=False),
    )
    def sc_gather(table_hbm, idx_hbm, out_hbm, idx_v, rows_v, sem):
        cid = lax.axis_index("c")
        sid = lax.axis_index("s")
        wid = sid * NC + cid
        pltpu.sync_copy(idx_hbm.at[wid], idx_v)
        cps = []
        for j in range(NCHUNK):
            cps.append(
                pltpu.async_copy(
                    table_hbm.at[idx_v.at[j]],
                    rows_v.at[pl.ds(j * CHUNK, CHUNK)],
                    sem,
                )
            )
        for c in cps:
            c.wait()
        pltpu.sync_copy(rows_v, out_hbm.at[pl.ds(wid * EW, EW)])

    RPT = N // NS

    @functools.partial(
        pl.kernel,
        out_type=jax.ShapeDtypeStruct((NC, N, D), jnp.bfloat16),
        mesh=mesh,
        scratch_types=[
            pltpu.VMEM((NCHUNK, CHUNK), jnp.int32),
            pltpu.VMEM((EW, D), jnp.bfloat16),
            pltpu.VMEM_SHARED((N, D), jnp.bfloat16),
            pltpu.SemaphoreType.DMA,
            pltpu.SemaphoreType.DMA,
        ],
        compiler_params=pltpu.CompilerParams(use_tc_tiling_on_sc=False),
    )
    def sc_scatter_add(msg_hbm, idx_hbm, zeros_hbm, out_hbm,
                       idx_v, rows_v, acc_sh, sem, sem_s):
        cid = lax.axis_index("c")
        sid = lax.axis_index("s")
        wid = sid * NC + cid
        cp_m = pltpu.async_copy(msg_hbm.at[pl.ds(wid * EW, EW)], rows_v, sem)
        pltpu.sync_copy(idx_hbm.at[wid], idx_v)
        pltpu.sync_copy(zeros_hbm.at[pl.ds(0, RPT)],
                        acc_sh.at[pl.ds(sid * RPT, RPT)])
        plsc.subcore_barrier()
        cp_m.wait()
        scat = [
            pltpu.async_copy(
                rows_v.at[pl.ds(j * CHUNK, CHUNK)],
                acc_sh.at[idx_v.at[j]],
                sem_s,
                add=True,
            )
            for j in range(NCHUNK)
        ]
        for c in scat:
            c.wait()
        plsc.subcore_barrier()
        pltpu.sync_copy(
            acc_sh.at[pl.ds(sid * RPT, RPT)],
            out_hbm.at[cid, pl.ds(sid * RPT, RPT)],
        )

    return sc_gather, sc_scatter_add


TE = 2048


def _edge_body(eaT_ref, xs_ref, w1T_ref, b1_ref, w2T_ref, B2T_ref, out_ref):
    eaT = eaT_ref[...]
    xsT = xs_ref[...].T
    h_eT = jnp.maximum(
        jnp.dot(w1T_ref[...], eaT, preferred_element_type=jnp.float32)
        + b1_ref[...],
        0.0,
    )
    WT = jnp.dot(
        w2T_ref[...],
        h_eT.astype(jnp.bfloat16),
        preferred_element_type=jnp.float32,
    )
    accT = jnp.dot(B2T_ref[...], xsT, preferred_element_type=jnp.float32)
    accT2 = jnp.zeros_like(accT)
    for i in range(0, D, 2):
        accT = accT + xsT[i : i + 1, :] * WT[i * D : (i + 1) * D, :]
        accT2 = accT2 + xsT[i + 1 : i + 2, :] * WT[(i + 1) * D : (i + 2) * D, :]
    out_ref[...] = (accT + accT2).astype(jnp.bfloat16).T


_edge_call = pl.pallas_call(
    _edge_body,
    grid=(E // TE,),
    in_specs=[
        pl.BlockSpec((16, TE), lambda i: (0, i)),
        pl.BlockSpec((TE, D), lambda i: (i, 0)),
        pl.BlockSpec((DHE, 16), lambda i: (0, 0)),
        pl.BlockSpec((DHE, 1), lambda i: (0, 0)),
        pl.BlockSpec((D * D, DHE), lambda i: (0, 0)),
        pl.BlockSpec((D, D), lambda i: (0, 0)),
    ],
    out_specs=pl.BlockSpec((TE, D), lambda i: (i, 0)),
    out_shape=jax.ShapeDtypeStruct((E, D), jnp.bfloat16),
    compiler_params=pltpu.CompilerParams(
        dimension_semantics=("parallel",),
    ),
)


TN = 2048


def _node_body(agg_ref, h_ref, root_ref, bias_ref, batch_ref,
               h_out_ref, pool_ref):
    step = pl.program_id(0)
    h_new = jnp.maximum(
        agg_ref[0].astype(jnp.float32)
        + agg_ref[1].astype(jnp.float32)
        + jnp.dot(h_ref[...], root_ref[...], preferred_element_type=jnp.float32)
        + bias_ref[...],
        0.0,
    )
    h_out_ref[...] = h_new
    bid = batch_ref[0]
    gids = lax.broadcasted_iota(jnp.int32, (NG, TN), 0)
    mask = (bid == gids).astype(jnp.float32)
    part = jnp.dot(mask, h_new, preferred_element_type=jnp.float32)

    @pl.when(step == 0)
    def _():
        pool_ref[...] = jnp.zeros_like(pool_ref)

    pool_ref[...] += part


_node_call = pl.pallas_call(
    _node_body,
    grid=(N // TN,),
    in_specs=[
        pl.BlockSpec((2, TN, D), lambda i: (0, i, 0)),
        pl.BlockSpec((TN, D), lambda i: (i, 0)),
        pl.BlockSpec((D, D), lambda i: (0, 0)),
        pl.BlockSpec((1, D), lambda i: (0, 0)),
        pl.BlockSpec((1, 1, TN), lambda i: (i, 0, 0)),
    ],
    out_specs=[
        pl.BlockSpec((TN, D), lambda i: (i, 0)),
        pl.BlockSpec((NG, D), lambda i: (0, 0)),
    ],
    out_shape=[
        jax.ShapeDtypeStruct((N, D), jnp.float32),
        jax.ShapeDtypeStruct((NG, D), jnp.float32),
    ],
    compiler_params=pltpu.CompilerParams(
        dimension_semantics=("arbitrary",),
    ),
)


def _final_body(pc_ref, lw_ref, lb_ref, out_ref):
    out_ref[...] = (
        jnp.dot(pc_ref[...], lw_ref[...], preferred_element_type=jnp.float32)
        + lb_ref[...]
    )


_final_call = pl.pallas_call(
    _final_body,
    out_shape=jax.ShapeDtypeStruct((NG, 256), jnp.float32),
)


def kernel(x, edge_index, edge_attr, batch,
           mlp_w1_0, mlp_b1_0, mlp_w2_0, mlp_b2_0, root_0, bias_0,
           mlp_w1_1, mlp_b1_1, mlp_w2_1, mlp_b2_1, root_1, bias_1,
           lin_w, lin_b):
    src = edge_index[0].reshape(NW, NCHUNK, CHUNK)
    dst = edge_index[1].reshape(NW, NCHUNK, CHUNK)
    zeros = jnp.zeros((N // NS, D), jnp.bfloat16)
    batch_r = batch.reshape(N // TN, 1, TN)

    layers = [
        (mlp_w1_0, mlp_b1_0, mlp_w2_0, mlp_b2_0, root_0, bias_0),
        (mlp_w1_1, mlp_b1_1, mlp_w2_1, mlp_b2_1, root_1, bias_1),
    ]
    sc_gather, sc_scatter_add = _sc_kernels()
    h = x
    pools = []
    for (w1, b1, w2, b2, root, bias) in layers:
        xs = sc_gather(h, src)
        msg = _edge_call(edge_attr.T, xs, w1.T, b1.reshape(DHE, 1),
                         w2.T.astype(jnp.bfloat16), b2.reshape(D, D).T)
        agg = sc_scatter_add(msg, dst, zeros)
        h, pool = _node_call(agg, h, root, bias.reshape(1, D), batch_r)
        pools.append(pool)
    pc = jnp.concatenate(pools, axis=1)
    return _final_call(pc, lin_w, lin_b.reshape(1, 256))

# --- scband reference (transcript-rebuilt; emitter-appended) ---
"""Pipeline reference for scband-gnn-37228776522276 (READ-ONLY COPY).

The authoritative reference and input builder live on the scoring server;
editing this copy changes nothing except your own understanding.
"""

import jax, jax.numpy as jnp
import numpy as np

N = 16384
E = 32768
ATOM_FDIM = 64
BOND_FDIM = 16
DH = 64
DHE = 128
DEMB = 256
NG = 512
NL = 2


def setup_inputs(seed: int = 0):
    key = jax.random.key(seed)
    ks = jax.random.split(key, 24)
    inp = {}
    inp["x"] = jax.random.normal(ks[0], (N, ATOM_FDIM), dtype=jnp.float32)
    inp["edge_index"] = jax.random.randint(ks[1], (2, E), 0, N, dtype=jnp.int32)
    inp["edge_attr"] = jax.random.normal(ks[2], (E, BOND_FDIM), dtype=jnp.float32)
    inp["batch"] = jnp.sort(jax.random.randint(ks[3], (N,), 0, NG, dtype=jnp.int32))
    i = 4
    for l in range(NL):
        in_c = ATOM_FDIM if l == 0 else DH
        inp["mlp_w1_%d" % l] = jax.random.normal(ks[i], (BOND_FDIM, DHE), dtype=jnp.float32) * 0.1; i += 1
        inp["mlp_b1_%d" % l] = jnp.zeros((DHE,), dtype=jnp.float32)
        inp["mlp_w2_%d" % l] = jax.random.normal(ks[i], (DHE, in_c * DH), dtype=jnp.float32) * 0.05; i += 1
        inp["mlp_b2_%d" % l] = jnp.zeros((in_c * DH,), dtype=jnp.float32)
        inp["root_%d" % l] = jax.random.normal(ks[i], (in_c, DH), dtype=jnp.float32) * 0.1; i += 1
        inp["bias_%d" % l] = jnp.zeros((DH,), dtype=jnp.float32)
    inp["lin_w"] = jax.random.normal(ks[i], (DH * NL, DEMB), dtype=jnp.float32) * 0.1
    inp["lin_b"] = jnp.zeros((DEMB,), dtype=jnp.float32)
    return inp


def _nnconv(x, edge_index, edge_attr, w1, b1, w2, b2, root, bias):
    # PyG NNConv with aggr='add' and root weight + bias
    src = edge_index[0]
    dst = edge_index[1]
    in_c = x.shape[1]
    out_c = root.shape[1]
    h = jax.nn.relu(edge_attr @ w1 + b1)          # edge MLP hidden
    W = (h @ w2 + b2).reshape(E, in_c, out_c)      # per-edge weight matrices
    msg = jnp.einsum('ei,eio->eo', x[src], W)      # per-edge message x_j @ W_e
    agg = jax.ops.segment_sum(msg, dst, num_segments=x.shape[0])  # scatter-add to dst
    return agg + x @ root + bias


def reference(x, edge_index, edge_attr, batch,
              mlp_w1_0, mlp_b1_0, mlp_w2_0, mlp_b2_0, root_0, bias_0,
              mlp_w1_1, mlp_b1_1, mlp_w2_1, mlp_b2_1, root_1, bias_1,
              lin_w, lin_b):
    layers = [
        (mlp_w1_0, mlp_b1_0, mlp_w2_0, mlp_b2_0, root_0, bias_0),
        (mlp_w1_1, mlp_b1_1, mlp_w2_1, mlp_b2_1, root_1, bias_1),
    ]
    pools = []
    h = x
    for (w1, b1, w2, b2, root, bias) in layers:
        h = jax.nn.relu(_nnconv(h, edge_index, edge_attr, w1, b1, w2, b2, root, bias))
        pools.append(jax.ops.segment_sum(h, batch, num_segments=NG))  # global_add_pool
    out = jnp.concatenate(pools, axis=1) @ lin_w + lin_b
    return out

if __name__ == "__main__":
    import jax
    _d = setup_inputs()
    print(jax.jit(kernel)(*tuple(_d.values())))

</pallas_src>

<mosaic_0001>
#map = affine_map<(d0, d1) -> (0, 0)>
#map1 = affine_map<(d0, d1) -> (0, 0, 0)>
module attributes {stable_mosaic.version = 14 : i64} {
  func.func @sc_gather(%arg0: i32, %arg1: i32, %arg2: memref<16384x64xf32, #tpu.memory_space<hbm>>, %arg3: memref<32x8x128xi32, #tpu.memory_space<hbm>>, %arg4: memref<32768x64xf32, #tpu.memory_space<hbm>>, %arg5: memref<8x128xi32, #tpu.memory_space<vmem>>, %arg6: memref<1024x64xf32, #tpu.memory_space<vmem>>, %arg7: memref<!tpu.dma_semaphore, #tpu.memory_space<semaphore_mem>>) attributes {dimension_semantics = [#tpu.dimension_semantics<core_parallel>, #tpu.dimension_semantics<subcore_parallel>], iteration_bounds = array<i64: 2, 16>, scalar_prefetch = 0 : i64, scratch_operands = 3 : i64, tpu.core_type = #tpu.core_type<sc_vector_subcore>, window_params = [{transform_indices = #map}, {transform_indices = #map1}, {transform_indices = #map}]} {
    %mul3A = arith.constant 2 : i32
    %mul3A_0 = arith.muli %arg1, %mul3A : i32
    %add3A = arith.addi %mul3A_0, %arg0 : i32
    "tpu.region"() ({
      %run_scoped3A = tpu.sem_alloc : memref<!tpu.dma_semaphore, #tpu.memory_space<semaphore_mem>>
      %dma_start3A_161 = arith.constant 0 : i32
      %dma_start3A_162 = arith.constant 0 : i32
      %dma_start3A_163 = tpu.memref_slice %arg3[%add3A, %dma_start3A_161, %dma_start3A_162] : memref<32x8x128xi32, #tpu.memory_space<hbm>> -> memref<1x8x128xi32, #tpu.memory_space<hbm>>
      %dma_start3A_164 = tpu.memref_squeeze %dma_start3A_163 : memref<1x8x128xi32, #tpu.memory_space<hbm>> -> memref<8x128xi32, #tpu.memory_space<hbm>>
      %dma_start3A_165 = arith.constant 0 : i32
      %dma_start3A_166 = arith.constant 0 : i32
      %dma_start3A_167 = tpu.memref_slice %arg3[%add3A, %dma_start3A_165, %dma_start3A_166] : memref<32x8x128xi32, #tpu.memory_space<hbm>> -> memref<1x8x128xi32, #tpu.memory_space<hbm>>
      %dma_start3A_168 = tpu.memref_squeeze %dma_start3A_167 : memref<1x8x128xi32, #tpu.memory_space<hbm>> -> memref<8x128xi32, #tpu.memory_space<hbm>>
      tpu.enqueue_dma source(%dma_start3A_168 : memref<8x128xi32, #tpu.memory_space<hbm>>) target(%arg5 : memref<8x128xi32, #tpu.memory_space<vmem>>) target_semaphore(%run_scoped3A : memref<!tpu.dma_semaphore, #tpu.memory_space<semaphore_mem>>)
      %dma_wait3A_169 = arith.constant 0 : i32
      %dma_wait3A_170 = arith.constant 0 : i32
      %dma_wait3A_171 = tpu.memref_slice %arg3[%add3A, %dma_wait3A_169, %dma_wait3A_170] : memref<32x8x128xi32, #tpu.memory_space<hbm>> -> memref<1x8x128xi32, #tpu.memory_space<hbm>>
      %dma_wait3A_172 = tpu.memref_squeeze %dma_wait3A_171 : memref<1x8x128xi32, #tpu.memory_space<hbm>> -> memref<8x128xi32, #tpu.memory_space<hbm>>
      %dma_wait3A_173 = arith.constant 0 : i32
      %dma_wait3A_174 = arith.constant 0 : i32
      %dma_wait3A_175 = tpu.memref_slice %arg3[%add3A, %dma_wait3A_173, %dma_wait3A_174] : memref<32x8x128xi32, #tpu.memory_space<hbm>> -> memref<1x8x128xi32, #tpu.memory_space<hbm>>
      %dma_wait3A_176 = tpu.memref_squeeze %dma_wait3A_175 : memref<1x8x128xi32, #tpu.memory_space<hbm>> -> memref<8x128xi32, #tpu.memory_space<hbm>>
      tpu.wait_dma2 semaphore(%run_scoped3A : memref<!tpu.dma_semaphore, #tpu.memory_space<semaphore_mem>>) src(%dma_wait3A_176 : memref<8x128xi32, #tpu.memory_space<hbm>>) dst(%arg5 : memref<8x128xi32, #tpu.memory_space<vmem>>)
      tpu.yield
    }) : () -> ()
    %dma_start3A = arith.constant 0 : i32
    %dma_start3A_1 = arith.constant 0 : i32
    %dma_start3A_2 = arith.constant 0 : i32
    %dma_start3A_3 = tpu.memref_slice %arg6[%dma_start3A_1, %dma_start3A_2] : memref<1024x64xf32, #tpu.memory_space<vmem>> -> memref<128x64xf32, #tpu.memory_space<vmem>>
    %dma_start3A_4 = arith.constant 0 : i32
    %dma_start3A_5 = tpu.memref_slice %arg5[%dma_start3A, %dma_start3A_4] : memref<8x128xi32, #tpu.memory_space<vmem>> -> memref<1x128xi32, #tpu.memory_space<vmem>>
    %dma_start3A_6 = tpu.memref_squeeze %dma_start3A_5 : memref<1x128xi32, #tpu.memory_space<vmem>> -> memref<128xi32, #tpu.memory_space<vmem>>
    %dma_start3A_7 = arith.constant 0 : i32
    %dma_start3A_8 = arith.constant 0 : i32
    %dma_start3A_9 = tpu.memref_slice %arg2[%dma_start3A_7, %dma_start3A_8] : memref<16384x64xf32, #tpu.memory_space<hbm>> -> memref<16384x64xf32, #tpu.memory_space<hbm>>
    tpu.enqueue_indirect_dma source(%dma_start3A_9 : memref<16384x64xf32, #tpu.memory_space<hbm>>) target(%dma_start3A_3 : memref<128x64xf32, #tpu.memory_space<vmem>>) offsets(%dma_start3A_6 : memref<128xi32, #tpu.memory_space<vmem>>) semaphore(%arg7 : memref<!tpu.dma_semaphore, #tpu.memory_space<semaphore_mem>>)
    %dma_start3A_10 = arith.constant 1 : i32
    %dma_start3A_11 = arith.constant 128 : i32
    %dma_start3A_12 = arith.constant 0 : i32
    %dma_start3A_13 = tpu.memref_slice %arg6[%dma_start3A_11, %dma_start3A_12] : memref<1024x64xf32, #tpu.memory_space<vmem>> -> memref<128x64xf32, #tpu.memory_space<vmem>>
    %dma_start3A_14 = arith.constant 0 : i32
    %dma_start3A_15 = tpu.memref_slice %arg5[%dma_start3A_10, %dma_start3A_14] : memref<8x128xi32, #tpu.memory_space<vmem>> -> memref<1x128xi32, #tpu.memory_space<vmem>>
    %dma_start3A_16 = tpu.memref_squeeze %dma_start3A_15 : memref<1x128xi32, #tpu.memory_space<vmem>> -> memref<128xi32, #tpu.memory_space<vmem>>
    %dma_start3A_17 = arith.constant 0 : i32
    %dma_start3A_18 = arith.constant 0 : i32
    %dma_start3A_19 = tpu.memref_slice %arg2[%dma_start3A_17, %dma_start3A_18] : memref<16384x64xf32, #tpu.memory_space<hbm>> -> memref<16384x64xf32, #tpu.memory_space<hbm>>
    tpu.enqueue_indirect_dma source(%dma_start3A_19 : memref<16384x64xf32, #tpu.memory_space<hbm>>) target(%dma_start3A_13 : memref<128x64xf32, #tpu.memory_space<vmem>>) offsets(%dma_start3A_16 : memref<128xi32, #tpu.memory_space<vmem>>) semaphore(%arg7 : memref<!tpu.dma_semaphore, #tpu.memory_space<semaphore_mem>>)
    %dma_start3A_20 = arith.constant 2 : i32
    %dma_start3A_21 = arith.constant 256 : i32
    %dma_start3A_22 = arith.constant 0 : i32
    %dma_start3A_23 = tpu.memref_slice %arg6[%dma_start3A_21, %dma_start3A_22] : memref<1024x64xf32, #tpu.memory_space<vmem>> -> memref<128x64xf32, #tpu.memory_space<vmem>>
    %dma_start3A_24 = arith.constant 0 : i32
    %dma_start3A_25 = tpu.memref_slice %arg5[%dma_start3A_20, %dma_start3A_24] : memref<8x128xi32, #tpu.memory_space<vmem>> -> memref<1x128xi32, #tpu.memory_space<vmem>>
    %dma_start3A_26 = tpu.memref_squeeze %dma_start3A_25 : memref<1x128xi32, #tpu.memory_space<vmem>> -> memref<128xi32, #tpu.memory_space<vmem>>
    %dma_start3A_27 = arith.constant 0 : i32
    %dma_start3A_28 = arith.constant 0 : i32
    %dma_start3A_29 = tpu.memref_slice %arg2[%dma_start3A_27, %dma_start3A_28] : memref<16384x64xf32, #tpu.memory_space<hbm>> -> memref<16384x64xf32, #tpu.memory_space<hbm>>
    tpu.enqueue_indirect_dma source(%dma_start3A_29 : memref<16384x64xf32, #tpu.memory_space<hbm>>) target(%dma_start3A_23 : memref<128x64xf32, #tpu.memory_space<vmem>>) offsets(%dma_start3A_26 : memref<128xi32, #tpu.memory_space<vmem>>) semaphore(%arg7 : memref<!tpu.dma_semaphore, #tpu.memory_space<semaphore_mem>>)
    %dma_start3A_30 = arith.constant 3 : i32
    %dma_start3A_31 = arith.constant 384 : i32
    %dma_start3A_32 = arith.constant 0 : i32
    %dma_start3A_33 = tpu.memref_slice %arg6[%dma_start3A_31, %dma_start3A_32] : memref<1024x64xf32, #tpu.memory_space<vmem>> -> memref<128x64xf32, #tpu.memory_space<vmem>>
    %dma_start3A_34 = arith.constant 0 : i32
    %dma_start3A_35 = tpu.memref_slice %arg5[%dma_start3A_30, %dma_start3A_34] : memref<8x128xi32, #tpu.memory_space<vmem>> -> memref<1x128xi32, #tpu.memory_space<vmem>>
    %dma_start3A_36 = tpu.memref_squeeze %dma_start3A_35 : memref<1x128xi32, #tpu.memory_space<vmem>> -> memref<128xi32, #tpu.memory_space<vmem>>
    %dma_start3A_37 = arith.constant 0 : i32
    %dma_start3A_38 = arith.constant 0 : i32
    %dma_start3A_39 = tpu.memref_slice %arg2[%dma_start3A_37, %dma_start3A_38] : memref<16384x64xf32, #tpu.memory_space<hbm>> -> memref<16384x64xf32, #tpu.memory_space<hbm>>
    tpu.enqueue_indirect_dma source(%dma_start3A_39 : memref<16384x64xf32, #tpu.memory_space<hbm>>) target(%dma_start3A_33 : memref<128x64xf32, #tpu.memory_space<vmem>>) offsets(%dma_start3A_36 : memref<128xi32, #tpu.memory_space<vmem>>) semaphore(%arg7 : memref<!tpu.dma_semaphore, #tpu.memory_space<semaphore_mem>>)
    %dma_start3A_40 = arith.constant 4 : i32
    %dma_start3A_41 = arith.constant 512 : i32
    %dma_start3A_42 = arith.constant 0 : i32
    %dma_start3A_43 = tpu.memref_slice %arg6[%dma_start3A_41, %dma_start3A_42] : memref<1024x64xf32, #tpu.memory_space<vmem>> -> memref<128x64xf32, #tpu.memory_space<vmem>>
    %dma_start3A_44 = arith.constant 0 : i32
    %dma_start3A_45 = tpu.memref_slice %arg5[%dma_start3A_40, %dma_start3A_44] : memref<8x128xi32, #tpu.memory_space<vmem>> -> memref<1x128xi32, #tpu.memory_space<vmem>>
    %dma_start3A_46 = tpu.memref_squeeze %dma_start3A_45 : memref<1x128xi32, #tpu.memory_space<vmem>> -> memref<128xi32, #tpu.memory_space<vmem>>
    %dma_start3A_47 = arith.constant 0 : i32
    %dma_start3A_48 = arith.constant 0 : i32
    %dma_start3A_49 = tpu.memref_slice %arg2[%dma_start3A_47, %dma_start3A_48] : memref<16384x64xf32, #tpu.memory_space<hbm>> -> memref<16384x64xf32, #tpu.memory_space<hbm>>
    tpu.enqueue_indirect_dma source(%dma_start3A_49 : memref<16384x64xf32, #tpu.memory_space<hbm>>) target(%dma_start3A_43 : memref<128x64xf32, #tpu.memory_space<vmem>>) offsets(%dma_start3A_46 : memref<128xi32, #tpu.memory_space<vmem>>) semaphore(%arg7 : memref<!tpu.dma_semaphore, #tpu.memory_space<semaphore_mem>>)
    %dma_start3A_50 = arith.constant 5 : i32
    %dma_start3A_51 = arith.constant 640 : i32
    %dma_start3A_52 = arith.constant 0 : i32
    %dma_start3A_53 = tpu.memref_slice %arg6[%dma_start3A_51, %dma_start3A_52] : memref<1024x64xf32, #tpu.memory_space<vmem>> -> memref<128x64xf32, #tpu.memory_space<vmem>>
    %dma_start3A_54 = arith.constant 0 : i32
    %dma_start3A_55 = tpu.memref_slice %arg5[%dma_start3A_50, %dma_start3A_54] : memref<8x128xi32, #tpu.memory_space<vmem>> -> memref<1x128xi32, #tpu.memory_space<vmem>>
    %dma_start3A_56 = tpu.memref_squeeze %dma_start3A_55 : memref<1x128xi32, #tpu.memory_space<vmem>> -> memref<128xi32, #tpu.memory_space<vmem>>
    %dma_start3A_57 = arith.constant 0 : i32
    %dma_start3A_58 = arith.constant 0 : i32
    %dma_start3A_59 = tpu.memref_slice %arg2[%dma_start3A_57, %dma_start3A_58] : memref<16384x64xf32, #tpu.memory_space<hbm>> -> memref<16384x64xf32, #tpu.memory_space<hbm>>
    tpu.enqueue_indirect_dma source(%dma_start3A_59 : memref<16384x64xf32, #tpu.memory_space<hbm>>) target(%dma_start3A_53 : memref<128x64xf32, #tpu.memory_space<vmem>>) offsets(%dma_start3A_56 : memref<128xi32, #tpu.memory_space<vmem>>) semaphore(%arg7 : memref<!tpu.dma_semaphore, #tpu.memory_space<semaphore_mem>>)
    %dma_start3A_60 = arith.constant 6 : i32
    %dma_start3A_61 = arith.constant 768 : i32
    %dma_start3A_62 = arith.constant 0 : i32
    %dma_start3A_63 = tpu.memref_slice %arg6[%dma_start3A_61, %dma_start3A_62] : memref<1024x64xf32, #tpu.memory_space<vmem>> -> memref<128x64xf32, #tpu.memory_space<vmem>>
    %dma_start3A_64 = arith.constant 0 : i32
    %dma_start3A_65 = tpu.memref_slice %arg5[%dma_start3A_60, %dma_start3A_64] : memref<8x128xi32, #tpu.memory_space<vmem>> -> memref<1x128xi32, #tpu.memory_space<vmem>>
    %dma_start3A_66 = tpu.memref_squeeze %dma_start3A_65 : memref<1x128xi32, #tpu.memory_space<vmem>> -> memref<128xi32, #tpu.memory_space<vmem>>
    %dma_start3A_67 = arith.constant 0 : i32
    %dma_start3A_68 = arith.constant 0 : i32
    %dma_start3A_69 = tpu.memref_slice %arg2[%dma_start3A_67, %dma_start3A_68] : memref<16384x64xf32, #tpu.memory_space<hbm>> -> memref<16384x64xf32, #tpu.memory_space<hbm>>
    tpu.enqueue_indirect_dma source(%dma_start3A_69 : memref<16384x64xf32, #tpu.memory_space<hbm>>) target(%dma_start3A_63 : memref<128x64xf32, #tpu.memory_space<vmem>>) offsets(%dma_start3A_66 : memref<128xi32, #tpu.memory_space<vmem>>) semaphore(%arg7 : memref<!tpu.dma_semaphore, #tpu.memory_space<semaphore_mem>>)
    %dma_start3A_70 = arith.constant 7 : i32
    %dma_start3A_71 = arith.constant 896 : i32
    %dma_start3A_72 = arith.constant 0 : i32
    %dma_start3A_73 = tpu.memref_slice %arg6[%dma_start3A_71, %dma_start3A_72] : memref<1024x64xf32, #tpu.memory_space<vmem>> -> memref<128x64xf32, #tpu.memory_space<vmem>>
    %dma_start3A_74 = arith.constant 0 : i32
    %dma_start3A_75 = tpu.memref_slice %arg5[%dma_start3A_70, %dma_start3A_74] : memref<8x128xi32, #tpu.memory_space<vmem>> -> memref<1x128xi32, #tpu.memory_space<vmem>>
    %dma_start3A_76 = tpu.memref_squeeze %dma_start3A_75 : memref<1x128xi32, #tpu.memory_space<vmem>> -> memref<128xi32, #tpu.memory_space<vmem>>
    %dma_start3A_77 = arith.constant 0 : i32
    %dma_start3A_78 = arith.constant 0 : i32
    %dma_start3A_79 = tpu.memref_slice %arg2[%dma_start3A_77, %dma_start3A_78] : memref<16384x64xf32, #tpu.memory_space<hbm>> -> memref<16384x64xf32, #tpu.memory_space<hbm>>
    tpu.enqueue_indirect_dma source(%dma_start3A_79 : memref<16384x64xf32, #tpu.memory_space<hbm>>) target(%dma_start3A_73 : memref<128x64xf32, #tpu.memory_space<vmem>>) offsets(%dma_start3A_76 : memref<128xi32, #tpu.memory_space<vmem>>) semaphore(%arg7 : memref<!tpu.dma_semaphore, #tpu.memory_space<semaphore_mem>>)
    %dma_wait3A = arith.constant 0 : i32
    %dma_wait3A_80 = arith.constant 0 : i32
    %dma_wait3A_81 = arith.constant 0 : i32
    %dma_wait3A_82 = tpu.memref_slice %arg6[%dma_wait3A_80, %dma_wait3A_81] : memref<1024x64xf32, #tpu.memory_space<vmem>> -> memref<128x64xf32, #tpu.memory_space<vmem>>
    %dma_wait3A_83 = arith.constant 0 : i32
    %dma_wait3A_84 = tpu.memref_slice %arg5[%dma_wait3A, %dma_wait3A_83] : memref<8x128xi32, #tpu.memory_space<vmem>> -> memref<1x128xi32, #tpu.memory_space<vmem>>
    %dma_wait3A_85 = tpu.memref_squeeze %dma_wait3A_84 : memref<1x128xi32, #tpu.memory_space<vmem>> -> memref<128xi32, #tpu.memory_space<vmem>>
    %dma_wait3A_86 = arith.constant 0 : i32
    %dma_wait3A_87 = arith.constant 0 : i32
    %dma_wait3A_88 = tpu.memref_slice %arg2[%dma_wait3A_86, %dma_wait3A_87] : memref<16384x64xf32, #tpu.memory_space<hbm>> -> memref<16384x64xf32, #tpu.memory_space<hbm>>
    tpu.wait_indirect_dma semaphore(%arg7 : memref<!tpu.dma_semaphore, #tpu.memory_space<semaphore_mem>>) src(%dma_wait3A_88 : memref<16384x64xf32, #tpu.memory_space<hbm>>) dst(%dma_wait3A_82 : memref<128x64xf32, #tpu.memory_space<vmem>>)
    %dma_wait3A_89 = arith.constant 1 : i32
    %dma_wait3A_90 = arith.constant 128 : i32
    %dma_wait3A_91 = arith.constant 0 : i32
    %dma_wait3A_92 = tpu.memref_slice %arg6[%dma_wait3A_90, %dma_wait3A_91] : memref<1024x64xf32, #tpu.memory_space<vmem>> -> memref<128x64xf32, #tpu.memory_space<vmem>>
    %dma_wait3A_93 = arith.constant 0 : i32
    %dma_wait3A_94 = tpu.memref_slice %arg5[%dma_wait3A_89, %dma_wait3A_93] : memref<8x128xi32, #tpu.memory_space<vmem>> -> memref<1x128xi32, #tpu.memory_space<vmem>>
    %dma_wait3A_95 = tpu.memref_squeeze %dma_wait3A_94 : memref<1x128xi32, #tpu.memory_space<vmem>> -> memref<128xi32, #tpu.memory_space<vmem>>
    %dma_wait3A_96 = arith.constant 0 : i32
    %dma_wait3A_97 = arith.constant 0 : i32
    %dma_wait3A_98 = tpu.memref_slice %arg2[%dma_wait3A_96, %dma_wait3A_97] : memref<16384x64xf32, #tpu.memory_space<hbm>> -> memref<16384x64xf32, #tpu.memory_space<hbm>>
    tpu.wait_indirect_dma semaphore(%arg7 : memref<!tpu.dma_semaphore, #tpu.memory_space<semaphore_mem>>) src(%dma_wait3A_98 : memref<16384x64xf32, #tpu.memory_space<hbm>>) dst(%dma_wait3A_92 : memref<128x64xf32, #tpu.memory_space<vmem>>)
    %dma_wait3A_99 = arith.constant 2 : i32
    %dma_wait3A_100 = arith.constant 256 : i32
    %dma_wait3A_101 = arith.constant 0 : i32
    %dma_wait3A_102 = tpu.memref_slice %arg6[%dma_wait3A_100, %dma_wait3A_101] : memref<1024x64xf32, #tpu.memory_space<vmem>> -> memref<128x64xf32, #tpu.memory_space<vmem>>
    %dma_wait3A_103 = arith.constant 0 : i32
    %dma_wait3A_104 = tpu.memref_slice %arg5[%dma_wait3A_99, %dma_wait3A_103] : memref<8x128xi32, #tpu.memory_space<vmem>> -> memref<1x128xi32, #tpu.memory_space<vmem>>
    %dma_wait3A_105 = tpu.memref_squeeze %dma_wait3A_104 : memref<1x128xi32, #tpu.memory_space<vmem>> -> memref<128xi32, #tpu.memory_space<vmem>>
    %dma_wait3A_106 = arith.constant 0 : i32
    %dma_wait3A_107 = arith.constant 0 : i32
    %dma_wait3A_108 = tpu.memref_slice %arg2[%dma_wait3A_106, %dma_wait3A_107] : memref<16384x64xf32, #tpu.memory_space<hbm>> -> memref<16384x64xf32, #tpu.memory_space<hbm>>
    tpu.wait_indirect_dma semaphore(%arg7 : memref<!tpu.dma_semaphore, #tpu.memory_space<semaphore_mem>>) src(%dma_wait3A_108 : memref<16384x64xf32, #tpu.memory_space<hbm>>) dst(%dma_wait3A_102 : memref<128x64xf32, #tpu.memory_space<vmem>>)
    %dma_wait3A_109 = arith.constant 3 : i32
    %dma_wait3A_110 = arith.constant 384 : i32
    %dma_wait3A_111 = arith.constant 0 : i32
    %dma_wait3A_112 = tpu.memref_slice %arg6[%dma_wait3A_110, %dma_wait3A_111] : memref<1024x64xf32, #tpu.memory_space<vmem>> -> memref<128x64xf32, #tpu.memory_space<vmem>>
    %dma_wait3A_113 = arith.constant 0 : i32
    %dma_wait3A_114 = tpu.memref_slice %arg5[%dma_wait3A_109, %dma_wait3A_113] : memref<8x128xi32, #tpu.memory_space<vmem>> -> memref<1x128xi32, #tpu.memory_space<vmem>>
    %dma_wait3A_115 = tpu.memref_squeeze %dma_wait3A_114 : memref<1x128xi32, #tpu.memory_space<vmem>> -> memref<128xi32, #tpu.memory_space<vmem>>
    %dma_wait3A_116 = arith.constant 0 : i32
    %dma_wait3A_117 = arith.constant 0 : i32
    %dma_wait3A_118 = tpu.memref_slice %arg2[%dma_wait3A_116, %dma_wait3A_117] : memref<16384x64xf32, #tpu.memory_space<hbm>> -> memref<16384x64xf32, #tpu.memory_space<hbm>>
    tpu.wait_indirect_dma semaphore(%arg7 : memref<!tpu.dma_semaphore, #tpu.memory_space<semaphore_mem>>) src(%dma_wait3A_118 : memref<16384x64xf32, #tpu.memory_space<hbm>>) dst(%dma_wait3A_112 : memref<128x64xf32, #tpu.memory_space<vmem>>)
    %dma_wait3A_119 = arith.constant 4 : i32
    %dma_wait3A_120 = arith.constant 512 : i32
    %dma_wait3A_121 = arith.constant 0 : i32
    %dma_wait3A_122 = tpu.memref_slice %arg6[%dma_wait3A_120, %dma_wait3A_121] : memref<1024x64xf32, #tpu.memory_space<vmem>> -> memref<128x64xf32, #tpu.memory_space<vmem>>
    %dma_wait3A_123 = arith.constant 0 : i32
    %dma_wait3A_124 = tpu.memref_slice %arg5[%dma_wait3A_119, %dma_wait3A_123] : memref<8x128xi32, #tpu.memory_space<vmem>> -> memref<1x128xi32, #tpu.memory_space<vmem>>
    %dma_wait3A_125 = tpu.memref_squeeze %dma_wait3A_124 : memref<1x128xi32, #tpu.memory_space<vmem>> -> memref<128xi32, #tpu.memory_space<vmem>>
    %dma_wait3A_126 = arith.constant 0 : i32
    %dma_wait3A_127 = arith.constant 0 : i32
    %dma_wait3A_128 = tpu.memref_slice %arg2[%dma_wait3A_126, %dma_wait3A_127] : memref<16384x64xf32, #tpu.memory_space<hbm>> -> memref<16384x64xf32, #tpu.memory_space<hbm>>
    tpu.wait_indirect_dma semaphore(%arg7 : memref<!tpu.dma_semaphore, #tpu.memory_space<semaphore_mem>>) src(%dma_wait3A_128 : memref<16384x64xf32, #tpu.memory_space<hbm>>) dst(%dma_wait3A_122 : memref<128x64xf32, #tpu.memory_space<vmem>>)
    %dma_wait3A_129 = arith.constant 5 : i32
    %dma_wait3A_130 = arith.constant 640 : i32
    %dma_wait3A_131 = arith.constant 0 : i32
    %dma_wait3A_132 = tpu.memref_slice %arg6[%dma_wait3A_130, %dma_wait3A_131] : memref<1024x64xf32, #tpu.memory_space<vmem>> -> memref<128x64xf32, #tpu.memory_space<vmem>>
    %dma_wait3A_133 = arith.constant 0 : i32
    %dma_wait3A_134 = tpu.memref_slice %arg5[%dma_wait3A_129, %dma_wait3A_133] : memref<8x128xi32, #tpu.memory_space<vmem>> -> memref<1x128xi32, #tpu.memory_space<vmem>>
    %dma_wait3A_135 = tpu.memref_squeeze %dma_wait3A_134 : memref<1x128xi32, #tpu.memory_space<vmem>> -> memref<128xi32, #tpu.memory_space<vmem>>
    %dma_wait3A_136 = arith.constant 0 : i32
    %dma_wait3A_137 = arith.constant 0 : i32
    %dma_wait3A_138 = tpu.memref_slice %arg2[%dma_wait3A_136, %dma_wait3A_137] : memref<16384x64xf32, #tpu.memory_space<hbm>> -> memref<16384x64xf32, #tpu.memory_space<hbm>>
    tpu.wait_indirect_dma semaphore(%arg7 : memref<!tpu.dma_semaphore, #tpu.memory_space<semaphore_mem>>) src(%dma_wait3A_138 : memref<16384x64xf32, #tpu.memory_space<hbm>>) dst(%dma_wait3A_132 : memref<128x64xf32, #tpu.memory_space<vmem>>)
    %dma_wait3A_139 = arith.constant 6 : i32
    %dma_wait3A_140 = arith.constant 768 : i32
    %dma_wait3A_141 = arith.constant 0 : i32
    %dma_wait3A_142 = tpu.memref_slice %arg6[%dma_wait3A_140, %dma_wait3A_141] : memref<1024x64xf32, #tpu.memory_space<vmem>> -> memref<128x64xf32, #tpu.memory_space<vmem>>
    %dma_wait3A_143 = arith.constant 0 : i32
    %dma_wait3A_144 = tpu.memref_slice %arg5[%dma_wait3A_139, %dma_wait3A_143] : memref<8x128xi32, #tpu.memory_space<vmem>> -> memref<1x128xi32, #tpu.memory_space<vmem>>
    %dma_wait3A_145 = tpu.memref_squeeze %dma_wait3A_144 : memref<1x128xi32, #tpu.memory_space<vmem>> -> memref<128xi32, #tpu.memory_space<vmem>>
    %dma_wait3A_146 = arith.constant 0 : i32
    %dma_wait3A_147 = arith.constant 0 : i32
    %dma_wait3A_148 = tpu.memref_slice %arg2[%dma_wait3A_146, %dma_wait3A_147] : memref<16384x64xf32, #tpu.memory_space<hbm>> -> memref<16384x64xf32, #tpu.memory_space<hbm>>
    tpu.wait_indirect_dma semaphore(%arg7 : memref<!tpu.dma_semaphore, #tpu.memory_space<semaphore_mem>>) src(%dma_wait3A_148 : memref<16384x64xf32, #tpu.memory_space<hbm>>) dst(%dma_wait3A_142 : memref<128x64xf32, #tpu.memory_space<vmem>>)
    %dma_wait3A_149 = arith.constant 7 : i32
    %dma_wait3A_150 = arith.constant 896 : i32
    %dma_wait3A_151 = arith.constant 0 : i32
    %dma_wait3A_152 = tpu.memref_slice %arg6[%dma_wait3A_150, %dma_wait3A_151] : memref<1024x64xf32, #tpu.memory_space<vmem>> -> memref<128x64xf32, #tpu.memory_space<vmem>>
    %dma_wait3A_153 = arith.constant 0 : i32
    %dma_wait3A_154 = tpu.memref_slice %arg5[%dma_wait3A_149, %dma_wait3A_153] : memref<8x128xi32, #tpu.memory_space<vmem>> -> memref<1x128xi32, #tpu.memory_space<vmem>>
    %dma_wait3A_155 = tpu.memref_squeeze %dma_wait3A_154 : memref<1x128xi32, #tpu.memory_space<vmem>> -> memref<128xi32, #tpu.memory_space<vmem>>
    %dma_wait3A_156 = arith.constant 0 : i32
    %dma_wait3A_157 = arith.constant 0 : i32
    %dma_wait3A_158 = tpu.memref_slice %arg2[%dma_wait3A_156, %dma_wait3A_157] : memref<16384x64xf32, #tpu.memory_space<hbm>> -> memref<16384x64xf32, #tpu.memory_space<hbm>>
    tpu.wait_indirect_dma semaphore(%arg7 : memref<!tpu.dma_semaphore, #tpu.memory_space<semaphore_mem>>) src(%dma_wait3A_158 : memref<16384x64xf32, #tpu.memory_space<hbm>>) dst(%dma_wait3A_152 : memref<128x64xf32, #tpu.memory_space<vmem>>)
    %mul3A_159 = arith.constant 1024 : i32
    %mul3A_160 = arith.muli %add3A, %mul3A_159 : i32
    "tpu.region"() ({
      %run_scoped3A = tpu.sem_alloc : memref<!tpu.dma_semaphore, #tpu.memory_space<semaphore_mem>>
      %dma_start3A_161 = arith.constant 0 : i32
      %dma_start3A_162 = tpu.memref_slice %arg4[%mul3A_160, %dma_start3A_161] : memref<32768x64xf32, #tpu.memory_space<hbm>> -> memref<1024x64xf32, #tpu.memory_space<hbm>>
      %dma_start3A_163 = arith.constant 0 : i32
      %dma_start3A_164 = tpu.memref_slice %arg4[%mul3A_160, %dma_start3A_163] : memref<32768x64xf32, #tpu.memory_space<hbm>> -> memref<1024x64xf32, #tpu.memory_space<hbm>>
      tpu.enqueue_dma source(%arg6 : memref<1024x64xf32, #tpu.memory_space<vmem>>) target(%dma_start3A_164 : memref<1024x64xf32, #tpu.memory_space<hbm>>) target_semaphore(%run_scoped3A : memref<!tpu.dma_semaphore, #tpu.memory_space<semaphore_mem>>)
      %dma_wait3A_165 = arith.constant 0 : i32
      %dma_wait3A_166 = tpu.memref_slice %arg4[%mul3A_160, %dma_wait3A_165] : memref<32768x64xf32, #tpu.memory_space<hbm>> -> memref<1024x64xf32, #tpu.memory_space<hbm>>
      %dma_wait3A_167 = arith.constant 0 : i32
      %dma_wait3A_168 = tpu.memref_slice %arg4[%mul3A_160, %dma_wait3A_167] : memref<32768x64xf32, #tpu.memory_space<hbm>> -> memref<1024x64xf32, #tpu.memory_space<hbm>>
      tpu.wait_dma2 semaphore(%run_scoped3A : memref<!tpu.dma_semaphore, #tpu.memory_space<semaphore_mem>>) src(%arg6 : memref<1024x64xf32, #tpu.memory_space<vmem>>) dst(%dma_wait3A_168 : memref<1024x64xf32, #tpu.memory_space<hbm>>)
      tpu.yield
    }) : () -> ()
    return
  }
}

#map = affine_map<(d0, d1) -> (0, 0)>
#map1 = affine_map<(d0, d1) -> (0, 0, 0)>
module attributes {stable_mosaic.version = 14 : i64} {
  func.func @sc_gather(%arg0: i32, %arg1: i32, %arg2: memref<16384x64xf32, #tpu.memory_space<hbm>>, %arg3: memref<32x8x128xi32, #tpu.memory_space<hbm>>, %arg4: memref<32768x64xf32, #tpu.memory_space<hbm>>, %arg5: memref<8x128xi32, #tpu.memory_space<vmem>>, %arg6: memref<1024x64xf32, #tpu.memory_space<vmem>>, %arg7: memref<!tpu.dma_semaphore, #tpu.memory_space<semaphore_mem>>) attributes {dimension_semantics = [#tpu.dimension_semantics<core_parallel>, #tpu.dimension_semantics<subcore_parallel>], iteration_bounds = array<i64: 2, 16>, scalar_prefetch = 0 : i64, scratch_operands = 3 : i64, tpu.core_type = #tpu.core_type<sc_vector_subcore>, window_params = [{transform_indices = #map}, {transform_indices = #map1}, {transform_indices = #map}]} {
    %mul3A = arith.constant 2 : i32
    %mul3A_0 = arith.muli %arg1, %mul3A : i32
    %add3A = arith.addi %mul3A_0, %arg0 : i32
    "tpu.region"() ({
      %run_scoped3A = tpu.sem_alloc : memref<!tpu.dma_semaphore, #tpu.memory_space<semaphore_mem>>
      %dma_start3A_161 = arith.constant 0 : i32
      %dma_start3A_162 = arith.constant 0 : i32
      %dma_start3A_163 = tpu.memref_slice %arg3[%add3A, %dma_start3A_161, %dma_start3A_162] : memref<32x8x128xi32, #tpu.memory_space<hbm>> -> memref<1x8x128xi32, #tpu.memory_space<hbm>>
      %dma_start3A_164 = tpu.memref_squeeze %dma_start3A_163 : memref<1x8x128xi32, #tpu.memory_space<hbm>> -> memref<8x128xi32, #tpu.memory_space<hbm>>
      %dma_start3A_165 = arith.constant 0 : i32
      %dma_start3A_166 = arith.constant 0 : i32
      %dma_start3A_167 = tpu.memref_slice %arg3[%add3A, %dma_start3A_165, %dma_start3A_166] : memref<32x8x128xi32, #tpu.memory_space<hbm>> -> memref<1x8x128xi32, #tpu.memory_space<hbm>>
      %dma_start3A_168 = tpu.memref_squeeze %dma_start3A_167 : memref<1x8x128xi32, #tpu.memory_space<hbm>> -> memref<8x128xi32, #tpu.memory_space<hbm>>
      tpu.enqueue_dma source(%dma_start3A_168 : memref<8x128xi32, #tpu.memory_space<hbm>>) target(%arg5 : memref<8x128xi32, #tpu.memory_space<vmem>>) target_semaphore(%run_scoped3A : memref<!tpu.dma_semaphore, #tpu.memory_space<semaphore_mem>>)
      %dma_wait3A_169 = arith.constant 0 : i32
      %dma_wait3A_170 = arith.constant 0 : i32
      %dma_wait3A_171 = tpu.memref_slice %arg3[%add3A, %dma_wait3A_169, %dma_wait3A_170] : memref<32x8x128xi32, #tpu.memory_space<hbm>> -> memref<1x8x128xi32, #tpu.memory_space<hbm>>
      %dma_wait3A_172 = tpu.memref_squeeze %dma_wait3A_171 : memref<1x8x128xi32, #tpu.memory_space<hbm>> -> memref<8x128xi32, #tpu.memory_space<hbm>>
      %dma_wait3A_173 = arith.constant 0 : i32
      %dma_wait3A_174 = arith.constant 0 : i32
      %dma_wait3A_175 = tpu.memref_slice %arg3[%add3A, %dma_wait3A_173, %dma_wait3A_174] : memref<32x8x128xi32, #tpu.memory_space<hbm>> -> memref<1x8x128xi32, #tpu.memory_space<hbm>>
      %dma_wait3A_176 = tpu.memref_squeeze %dma_wait3A_175 : memref<1x8x128xi32, #tpu.memory_space<hbm>> -> memref<8x128xi32, #tpu.memory_space<hbm>>
      tpu.wait_dma2 semaphore(%run_scoped3A : memref<!tpu.dma_semaphore, #tpu.memory_space<semaphore_mem>>) src(%dma_wait3A_176 : memref<8x128xi32, #tpu.memory_space<hbm>>) dst(%arg5 : memref<8x128xi32, #tpu.memory_space<vmem>>)
      tpu.yield
    }) : () -> ()
    %dma_start3A = arith.constant 0 : i32
    %dma_start3A_1 = arith.constant 0 : i32
    %dma_start3A_2 = arith.constant 0 : i32
    %dma_start3A_3 = tpu.memref_slice %arg6[%dma_start3A_1, %dma_start3A_2] : memref<1024x64xf32, #tpu.memory_space<vmem>> -> memref<128x64xf32, #tpu.memory_space<vmem>>
    %dma_start3A_4 = arith.constant 0 : i32
    %dma_start3A_5 = tpu.memref_slice %arg5[%dma_start3A, %dma_start3A_4] : memref<8x128xi32, #tpu.memory_space<vmem>> -> memref<1x128xi32, #tpu.memory_space<vmem>>
    %dma_start3A_6 = tpu.memref_squeeze %dma_start3A_5 : memref<1x128xi32, #tpu.memory_space<vmem>> -> memref<128xi32, #tpu.memory_space<vmem>>
    %dma_start3A_7 = arith.constant 0 : i32
    %dma_start3A_8 = arith.constant 0 : i32
    %dma_start3A_9 = tpu.memref_slice %arg2[%dma_start3A_7, %dma_start3A_8] : memref<16384x64xf32, #tpu.memory_space<hbm>> -> memref<16384x64xf32, #tpu.memory_space<hbm>>
    tpu.enqueue_indirect_dma source(%dma_start3A_9 : memref<16384x64xf32, #tpu.memory_space<hbm>>) target(%dma_start3A_3 : memref<128x64xf32, #tpu.memory_space<vmem>>) offsets(%dma_start3A_6 : memref<128xi32, #tpu.memory_space<vmem>>) semaphore(%arg7 : memref<!tpu.dma_semaphore, #tpu.memory_space<semaphore_mem>>)
    %dma_start3A_10 = arith.constant 1 : i32
    %dma_start3A_11 = arith.constant 128 : i32
    %dma_start3A_12 = arith.constant 0 : i32
    %dma_start3A_13 = tpu.memref_slice %arg6[%dma_start3A_11, %dma_start3A_12] : memref<1024x64xf32, #tpu.memory_space<vmem>> -> memref<128x64xf32, #tpu.memory_space<vmem>>
    %dma_start3A_14 = arith.constant 0 : i32
    %dma_start3A_15 = tpu.memref_slice %arg5[%dma_start3A_10, %dma_start3A_14] : memref<8x128xi32, #tpu.memory_space<vmem>> -> memref<1x128xi32, #tpu.memory_space<vmem>>
    %dma_start3A_16 = tpu.memref_squeeze %dma_start3A_15 : memref<1x128xi32, #tpu.memory_space<vmem>> -> memref<128xi32, #tpu.memory_space<vmem>>
    %dma_start3A_17 = arith.constant 0 : i32
    %dma_start3A_18 = arith.constant 0 : i32
    %dma_start3A_19 = tpu.memref_slice %arg2[%dma_start3A_17, %dma_start3A_18] : memref<16384x64xf32, #tpu.memory_space<hbm>> -> memref<16384x64xf32, #tpu.memory_space<hbm>>
    tpu.enqueue_indirect_dma source(%dma_start3A_19 : memref<16384x64xf32, #tpu.memory_space<hbm>>) target(%dma_start3A_13 : memref<128x64xf32, #tpu.memory_space<vmem>>) offsets(%dma_start3A_16 : memref<128xi32, #tpu.memory_space<vmem>>) semaphore(%arg7 : memref<!tpu.dma_semaphore, #tpu.memory_space<semaphore_mem>>)
    %dma_start3A_20 = arith.constant 2 : i32
    %dma_start3A_21 = arith.constant 256 : i32
    %dma_start3A_22 = arith.constant 0 : i32
    %dma_start3A_23 = tpu.memref_slice %arg6[%dma_start3A_21, %dma_start3A_22] : memref<1024x64xf32, #tpu.memory_space<vmem>> -> memref<128x64xf32, #tpu.memory_space<vmem>>
    %dma_start3A_24 = arith.constant 0 : i32
    %dma_start3A_25 = tpu.memref_slice %arg5[%dma_start3A_20, %dma_start3A_24] : memref<8x128xi32, #tpu.memory_space<vmem>> -> memref<1x128xi32, #tpu.memory_space<vmem>>
    %dma_start3A_26 = tpu.memref_squeeze %dma_start3A_25 : memref<1x128xi32, #tpu.memory_space<vmem>> -> memref<128xi32, #tpu.memory_space<vmem>>
    %dma_start3A_27 = arith.constant 0 : i32
    %dma_start3A_28 = arith.constant 0 : i32
    %dma_start3A_29 = tpu.memref_slice %arg2[%dma_start3A_27, %dma_start3A_28] : memref<16384x64xf32, #tpu.memory_space<hbm>> -> memref<16384x64xf32, #tpu.memory_space<hbm>>
    tpu.enqueue_indirect_dma source(%dma_start3A_29 : memref<16384x64xf32, #tpu.memory_space<hbm>>) target(%dma_start3A_23 : memref<128x64xf32, #tpu.memory_space<vmem>>) offsets(%dma_start3A_26 : memref<128xi32, #tpu.memory_space<vmem>>) semaphore(%arg7 : memref<!tpu.dma_semaphore, #tpu.memory_space<semaphore_mem>>)
    %dma_start3A_30 = arith.constant 3 : i32
    %dma_start3A_31 = arith.constant 384 : i32
    %dma_start3A_32 = arith.constant 0 : i32
    %dma_start3A_33 = tpu.memref_slice %arg6[%dma_start3A_31, %dma_start3A_32] : memref<1024x64xf32, #tpu.memory_space<vmem>> -> memref<128x64xf32, #tpu.memory_space<vmem>>
    %dma_start3A_34 = arith.constant 0 : i32
    %dma_start3A_35 = tpu.memref_slice %arg5[%dma_start3A_30, %dma_start3A_34] : memref<8x128xi32, #tpu.memory_space<vmem>> -> memref<1x128xi32, #tpu.memory_space<vmem>>
    %dma_start3A_36 = tpu.memref_squeeze %dma_start3A_35 : memref<1x128xi32, #tpu.memory_space<vmem>> -> memref<128xi32, #tpu.memory_space<vmem>>
    %dma_start3A_37 = arith.constant 0 : i32
    %dma_start3A_38 = arith.constant 0 : i32
    %dma_start3A_39 = tpu.memref_slice %arg2[%dma_start3A_37, %dma_start3A_38] : memref<16384x64xf32, #tpu.memory_space<hbm>> -> memref<16384x64xf32, #tpu.memory_space<hbm>>
    tpu.enqueue_indirect_dma source(%dma_start3A_39 : memref<16384x64xf32, #tpu.memory_space<hbm>>) target(%dma_start3A_33 : memref<128x64xf32, #tpu.memory_space<vmem>>) offsets(%dma_start3A_36 : memref<128xi32, #tpu.memory_space<vmem>>) semaphore(%arg7 : memref<!tpu.dma_semaphore, #tpu.memory_space<semaphore_mem>>)
    %dma_start3A_40 = arith.constant 4 : i32
    %dma_start3A_41 = arith.constant 512 : i32
    %dma_start3A_42 = arith.constant 0 : i32
    %dma_start3A_43 = tpu.memref_slice %arg6[%dma_start3A_41, %dma_start3A_42] : memref<1024x64xf32, #tpu.memory_space<vmem>> -> memref<128x64xf32, #tpu.memory_space<vmem>>
    %dma_start3A_44 = arith.constant 0 : i32
    %dma_start3A_45 = tpu.memref_slice %arg5[%dma_start3A_40, %dma_start3A_44] : memref<8x128xi32, #tpu.memory_space<vmem>> -> memref<1x128xi32, #tpu.memory_space<vmem>>
    %dma_start3A_46 = tpu.memref_squeeze %dma_start3A_45 : memref<1x128xi32, #tpu.memory_space<vmem>> -> memref<128xi32, #tpu.memory_space<vmem>>
    %dma_start3A_47 = arith.constant 0 : i32
    %dma_start3A_48 = arith.constant 0 : i32
    %dma_start3A_49 = tpu.memref_slice %arg2[%dma_start3A_47, %dma_start3A_48] : memref<16384x64xf32, #tpu.memory_space<hbm>> -> memref<16384x64xf32, #tpu.memory_space<hbm>>
    tpu.enqueue_indirect_dma source(%dma_start3A_49 : memref<16384x64xf32, #tpu.memory_space<hbm>>) target(%dma_start3A_43 : memref<128x64xf32, #tpu.memory_space<vmem>>) offsets(%dma_start3A_46 : memref<128xi32, #tpu.memory_space<vmem>>) semaphore(%arg7 : memref<!tpu.dma_semaphore, #tpu.memory_space<semaphore_mem>>)
    %dma_start3A_50 = arith.constant 5 : i32
    %dma_start3A_51 = arith.constant 640 : i32
    %dma_start3A_52 = arith.constant 0 : i32
    %dma_start3A_53 = tpu.memref_slice %arg6[%dma_start3A_51, %dma_start3A_52] : memref<1024x64xf32, #tpu.memory_space<vmem>> -> memref<128x64xf32, #tpu.memory_space<vmem>>
    %dma_start3A_54 = arith.constant 0 : i32
    %dma_start3A_55 = tpu.memref_slice %arg5[%dma_start3A_50, %dma_start3A_54] : memref<8x128xi32, #tpu.memory_space<vmem>> -> memref<1x128xi32, #tpu.memory_space<vmem>>
    %dma_start3A_56 = tpu.memref_squeeze %dma_start3A_55 : memref<1x128xi32, #tpu.memory_space<vmem>> -> memref<128xi32, #tpu.memory_space<vmem>>
    %dma_start3A_57 = arith.constant 0 : i32
    %dma_start3A_58 = arith.constant 0 : i32
    %dma_start3A_59 = tpu.memref_slice %arg2[%dma_start3A_57, %dma_start3A_58] : memref<16384x64xf32, #tpu.memory_space<hbm>> -> memref<16384x64xf32, #tpu.memory_space<hbm>>
    tpu.enqueue_indirect_dma source(%dma_start3A_59 : memref<16384x64xf32, #tpu.memory_space<hbm>>) target(%dma_start3A_53 : memref<128x64xf32, #tpu.memory_space<vmem>>) offsets(%dma_start3A_56 : memref<128xi32, #tpu.memory_space<vmem>>) semaphore(%arg7 : memref<!tpu.dma_semaphore, #tpu.memory_space<semaphore_mem>>)
    %dma_start3A_60 = arith.constant 6 : i32
    %dma_start3A_61 = arith.constant 768 : i32
    %dma_start3A_62 = arith.constant 0 : i32
    %dma_start3A_63 = tpu.memref_slice %arg6[%dma_start3A_61, %dma_start3A_62] : memref<1024x64xf32, #tpu.memory_space<vmem>> -> memref<128x64xf32, #tpu.memory_space<vmem>>
    %dma_start3A_64 = arith.constant 0 : i32
    %dma_start3A_65 = tpu.memref_slice %arg5[%dma_start3A_60, %dma_start3A_64] : memref<8x128xi32, #tpu.memory_space<vmem>> -> memref<1x128xi32, #tpu.memory_space<vmem>>
    %dma_start3A_66 = tpu.memref_squeeze %dma_start3A_65 : memref<1x128xi32, #tpu.memory_space<vmem>> -> memref<128xi32, #tpu.memory_space<vmem>>
    %dma_start3A_67 = arith.constant 0 : i32
    %dma_start3A_68 = arith.constant 0 : i32
    %dma_start3A_69 = tpu.memref_slice %arg2[%dma_start3A_67, %dma_start3A_68] : memref<16384x64xf32, #tpu.memory_space<hbm>> -> memref<16384x64xf32, #tpu.memory_space<hbm>>
    tpu.enqueue_indirect_dma source(%dma_start3A_69 : memref<16384x64xf32, #tpu.memory_space<hbm>>) target(%dma_start3A_63 : memref<128x64xf32, #tpu.memory_space<vmem>>) offsets(%dma_start3A_66 : memref<128xi32, #tpu.memory_space<vmem>>) semaphore(%arg7 : memref<!tpu.dma_semaphore, #tpu.memory_space<semaphore_mem>>)
    %dma_start3A_70 = arith.constant 7 : i32
    %dma_start3A_71 = arith.constant 896 : i32
    %dma_start3A_72 = arith.constant 0 : i32
    %dma_start3A_73 = tpu.memref_slice %arg6[%dma_start3A_71, %dma_start3A_72] : memref<1024x64xf32, #tpu.memory_space<vmem>> -> memref<128x64xf32, #tpu.memory_space<vmem>>
    %dma_start3A_74 = arith.constant 0 : i32
    %dma_start3A_75 = tpu.memref_slice %arg5[%dma_start3A_70, %dma_start3A_74] : memref<8x128xi32, #tpu.memory_space<vmem>> -> memref<1x128xi32, #tpu.memory_space<vmem>>
    %dma_start3A_76 = tpu.memref_squeeze %dma_start3A_75 : memref<1x128xi32, #tpu.memory_space<vmem>> -> memref<128xi32, #tpu.memory_space<vmem>>
    %dma_start3A_77 = arith.constant 0 : i32
    %dma_start3A_78 = arith.constant 0 : i32
    %dma_start3A_79 = tpu.memref_slice %arg2[%dma_start3A_77, %dma_start3A_78] : memref<16384x64xf32, #tpu.memory_space<hbm>> -> memref<16384x64xf32, #tpu.memory_space<hbm>>
    tpu.enqueue_indirect_dma source(%dma_start3A_79 : memref<16384x64xf32, #tpu.memory_space<hbm>>) target(%dma_start3A_73 : memref<128x64xf32, #tpu.memory_space<vmem>>) offsets(%dma_start3A_76 : memref<128xi32, #tpu.memory_space<vmem>>) semaphore(%arg7 : memref<!tpu.dma_semaphore, #tpu.memory_space<semaphore_mem>>)
    %dma_wait3A = arith.constant 0 : i32
    %dma_wait3A_80 = arith.constant 0 : i32
    %dma_wait3A_81 = arith.constant 0 : i32
    %dma_wait3A_82 = tpu.memref_slice %arg6[%dma_wait3A_80, %dma_wait3A_81] : memref<1024x64xf32, #tpu.memory_space<vmem>> -> memref<128x64xf32, #tpu.memory_space<vmem>>
    %dma_wait3A_83 = arith.constant 0 : i32
    %dma_wait3A_84 = tpu.memref_slice %arg5[%dma_wait3A, %dma_wait3A_83] : memref<8x128xi32, #tpu.memory_space<vmem>> -> memref<1x128xi32, #tpu.memory_space<vmem>>
    %dma_wait3A_85 = tpu.memref_squeeze %dma_wait3A_84 : memref<1x128xi32, #tpu.memory_space<vmem>> -> memref<128xi32, #tpu.memory_space<vmem>>
    %dma_wait3A_86 = arith.constant 0 : i32
    %dma_wait3A_87 = arith.constant 0 : i32
    %dma_wait3A_88 = tpu.memref_slice %arg2[%dma_wait3A_86, %dma_wait3A_87] : memref<16384x64xf32, #tpu.memory_space<hbm>> -> memref<16384x64xf32, #tpu.memory_space<hbm>>
    tpu.wait_indirect_dma semaphore(%arg7 : memref<!tpu.dma_semaphore, #tpu.memory_space<semaphore_mem>>) src(%dma_wait3A_88 : memref<16384x64xf32, #tpu.memory_space<hbm>>) dst(%dma_wait3A_82 : memref<128x64xf32, #tpu.memory_space<vmem>>)
    %dma_wait3A_89 = arith.constant 1 : i32
    %dma_wait3A_90 = arith.constant 128 : i32
    %dma_wait3A_91 = arith.constant 0 : i32
    %dma_wait3A_92 = tpu.memref_slice %arg6[%dma_wait3A_90, %dma_wait3A_91] : memref<1024x64xf32, #tpu.memory_space<vmem>> -> memref<128x64xf32, #tpu.memory_space<vmem>>
    %dma_wait3A_93 = arith.constant 0 : i32
    %dma_wait3A_94 = tpu.memref_slice %arg5[%dma_wait3A_89, %dma_wait3A_93] : memref<8x128xi32, #tpu.memory_space<vmem>> -> memref<1x128xi32, #tpu.memory_space<vmem>>
    %dma_wait3A_95 = tpu.memref_squeeze %dma_wait3A_94 : memref<1x128xi32, #tpu.memory_space<vmem>> -> memref<128xi32, #tpu.memory_space<vmem>>
    %dma_wait3A_96 = arith.constant 0 : i32
    %dma_wait3A_97 = arith.constant 0 : i32
    %dma_wait3A_98 = tpu.memref_slice %arg2[%dma_wait3A_96, %dma_wait3A_97] : memref<16384x64xf32, #tpu.memory_space<hbm>> -> memref<16384x64xf32, #tpu.memory_space<hbm>>
    tpu.wait_indirect_dma semaphore(%arg7 : memref<!tpu.dma_semaphore, #tpu.memory_space<semaphore_mem>>) src(%dma_wait3A_98 : memref<16384x64xf32, #tpu.memory_space<hbm>>) dst(%dma_wait3A_92 : memref<128x64xf32, #tpu.memory_space<vmem>>)
    %dma_wait3A_99 = arith.constant 2 : i32
    %dma_wait3A_100 = arith.constant 256 : i32
    %dma_wait3A_101 = arith.constant 0 : i32
    %dma_wait3A_102 = tpu.memref_slice %arg6[%dma_wait3A_100, %dma_wait3A_101] : memref<1024x64xf32, #tpu.memory_space<vmem>> -> memref<128x64xf32, #tpu.memory_space<vmem>>
    %dma_wait3A_103 = arith.constant 0 : i32
    %dma_wait3A_104 = tpu.memref_slice %arg5[%dma_wait3A_99, %dma_wait3A_103] : memref<8x128xi32, #tpu.memory_space<vmem>> -> memref<1x128xi32, #tpu.memory_space<vmem>>
    %dma_wait3A_105 = tpu.memref_squeeze %dma_wait3A_104 : memref<1x128xi32, #tpu.memory_space<vmem>> -> memref<128xi32, #tpu.memory_space<vmem>>
    %dma_wait3A_106 = arith.constant 0 : i32
    %dma_wait3A_107 = arith.constant 0 : i32
    %dma_wait3A_108 = tpu.memref_slice %arg2[%dma_wait3A_106, %dma_wait3A_107] : memref<16384x64xf32, #tpu.memory_space<hbm>> -> memref<16384x64xf32, #tpu.memory_space<hbm>>
    tpu.wait_indirect_dma semaphore(%arg7 : memref<!tpu.dma_semaphore, #tpu.memory_space<semaphore_mem>>) src(%dma_wait3A_108 : memref<16384x64xf32, #tpu.memory_space<hbm>>) dst(%dma_wait3A_102 : memref<128x64xf32, #tpu.memory_space<vmem>>)
    %dma_wait3A_109 = arith.constant 3 : i32
    %dma_wait3A_110 = arith.constant 384 : i32
    %dma_wait3A_111 = arith.constant 0 : i32
    %dma_wait3A_112 = tpu.memref_slice %arg6[%dma_wait3A_110, %dma_wait3A_111] : memref<1024x64xf32, #tpu.memory_space<vmem>> -> memref<128x64xf32, #tpu.memory_space<vmem>>
    %dma_wait3A_113 = arith.constant 0 : i32
    %dma_wait3A_114 = tpu.memref_slice %arg5[%dma_wait3A_109, %dma_wait3A_113] : memref<8x128xi32, #tpu.memory_space<vmem>> -> memref<1x128xi32, #tpu.memory_space<vmem>>
    %dma_wait3A_115 = tpu.memref_squeeze %dma_wait3A_114 : memref<1x128xi32, #tpu.memory_space<vmem>> -> memref<128xi32, #tpu.memory_space<vmem>>
    %dma_wait3A_116 = arith.constant 0 : i32
    %dma_wait3A_117 = arith.constant 0 : i32
    %dma_wait3A_118 = tpu.memref_slice %arg2[%dma_wait3A_116, %dma_wait3A_117] : memref<16384x64xf32, #tpu.memory_space<hbm>> -> memref<16384x64xf32, #tpu.memory_space<hbm>>
    tpu.wait_indirect_dma semaphore(%arg7 : memref<!tpu.dma_semaphore, #tpu.memory_space<semaphore_mem>>) src(%dma_wait3A_118 : memref<16384x64xf32, #tpu.memory_space<hbm>>) dst(%dma_wait3A_112 : memref<128x64xf32, #tpu.memory_space<vmem>>)
    %dma_wait3A_119 = arith.constant 4 : i32
    %dma_wait3A_120 = arith.constant 512 : i32
    %dma_wait3A_121 = arith.constant 0 : i32
    %dma_wait3A_122 = tpu.memref_slice %arg6[%dma_wait3A_120, %dma_wait3A_121] : memref<1024x64xf32, #tpu.memory_space<vmem>> -> memref<128x64xf32, #tpu.memory_space<vmem>>
    %dma_wait3A_123 = arith.constant 0 : i32
    %dma_wait3A_124 = tpu.memref_slice %arg5[%dma_wait3A_119, %dma_wait3A_123] : memref<8x128xi32, #tpu.memory_space<vmem>> -> memref<1x128xi32, #tpu.memory_space<vmem>>
    %dma_wait3A_125 = tpu.memref_squeeze %dma_wait3A_124 : memref<1x128xi32, #tpu.memory_space<vmem>> -> memref<128xi32, #tpu.memory_space<vmem>>
    %dma_wait3A_126 = arith.constant 0 : i32
    %dma_wait3A_127 = arith.constant 0 : i32
    %dma_wait3A_128 = tpu.memref_slice %arg2[%dma_wait3A_126, %dma_wait3A_127] : memref<16384x64xf32, #tpu.memory_space<hbm>> -> memref<16384x64xf32, #tpu.memory_space<hbm>>
    tpu.wait_indirect_dma semaphore(%arg7 : memref<!tpu.dma_semaphore, #tpu.memory_space<semaphore_mem>>) src(%dma_wait3A_128 : memref<16384x64xf32, #tpu.memory_space<hbm>>) dst(%dma_wait3A_122 : memref<128x64xf32, #tpu.memory_space<vmem>>)
    %dma_wait3A_129 = arith.constant 5 : i32
    %dma_wait3A_130 = arith.constant 640 : i32
    %dma_wait3A_131 = arith.constant 0 : i32
    %dma_wait3A_132 = tpu.memref_slice %arg6[%dma_wait3A_130, %dma_wait3A_131] : memref<1024x64xf32, #tpu.memory_space<vmem>> -> memref<128x64xf32, #tpu.memory_space<vmem>>
    %dma_wait3A_133 = arith.constant 0 : i32
    %dma_wait3A_134 = tpu.memref_slice %arg5[%dma_wait3A_129, %dma_wait3A_133] : memref<8x128xi32, #tpu.memory_space<vmem>> -> memref<1x128xi32, #tpu.memory_space<vmem>>
    %dma_wait3A_135 = tpu.memref_squeeze %dma_wait3A_134 : memref<1x128xi32, #tpu.memory_space<vmem>> -> memref<128xi32, #tpu.memory_space<vmem>>
    %dma_wait3A_136 = arith.constant 0 : i32
    %dma_wait3A_137 = arith.constant 0 : i32
    %dma_wait3A_138 = tpu.memref_slice %arg2[%dma_wait3A_136, %dma_wait3A_137] : memref<16384x64xf32, #tpu.memory_space<hbm>> -> memref<16384x64xf32, #tpu.memory_space<hbm>>
    tpu.wait_indirect_dma semaphore(%arg7 : memref<!tpu.dma_semaphore, #tpu.memory_space<semaphore_mem>>) src(%dma_wait3A_138 : memref<16384x64xf32, #tpu.memory_space<hbm>>) dst(%dma_wait3A_132 : memref<128x64xf32, #tpu.memory_space<vmem>>)
    %dma_wait3A_139 = arith.constant 6 : i32
    %dma_wait3A_140 = arith.constant 768 : i32
    %dma_wait3A_141 = arith.constant 0 : i32
    %dma_wait3A_142 = tpu.memref_slice %arg6[%dma_wait3A_140, %dma_wait3A_141] : memref<1024x64xf32, #tpu.memory_space<vmem>> -> memref<128x64xf32, #tpu.memory_space<vmem>>
    %dma_wait3A_143 = arith.constant 0 : i32
    %dma_wait3A_144 = tpu.memref_slice %arg5[%dma_wait3A_139, %dma_wait3A_143] : memref<8x128xi32, #tpu.memory_space<vmem>> -> memref<1x128xi32, #tpu.memory_space<vmem>>
    %dma_wait3A_145 = tpu.memref_squeeze %dma_wait3A_144 : memref<1x128xi32, #tpu.memory_space<vmem>> -> memref<128xi32, #tpu.memory_space<vmem>>
    %dma_wait3A_146 = arith.constant 0 : i32
    %dma_wait3A_147 = arith.constant 0 : i32
    %dma_wait3A_148 = tpu.memref_slice %arg2[%dma_wait3A_146, %dma_wait3A_147] : memref<16384x64xf32, #tpu.memory_space<hbm>> -> memref<16384x64xf32, #tpu.memory_space<hbm>>
    tpu.wait_indirect_dma semaphore(%arg7 : memref<!tpu.dma_semaphore, #tpu.memory_space<semaphore_mem>>) src(%dma_wait3A_148 : memref<16384x64xf32, #tpu.memory_space<hbm>>) dst(%dma_wait3A_142 : memref<128x64xf32, #tpu.memory_space<vmem>>)
    %dma_wait3A_149 = arith.constant 7 : i32
    %dma_wait3A_150 = arith.constant 896 : i32
    %dma_wait3A_151 = arith.constant 0 : i32
    %dma_wait3A_152 = tpu.memref_slice %arg6[%dma_wait3A_150, %dma_wait3A_151] : memref<1024x64xf32, #tpu.memory_space<vmem>> -> memref<128x64xf32, #tpu.memory_space<vmem>>
    %dma_wait3A_153 = arith.constant 0 : i32
    %dma_wait3A_154 = tpu.memref_slice %arg5[%dma_wait3A_149, %dma_wait3A_153] : memref<8x128xi32, #tpu.memory_space<vmem>> -> memref<1x128xi32, #tpu.memory_space<vmem>>
    %dma_wait3A_155 = tpu.memref_squeeze %dma_wait3A_154 : memref<1x128xi32, #tpu.memory_space<vmem>> -> memref<128xi32, #tpu.memory_space<vmem>>
    %dma_wait3A_156 = arith.constant 0 : i32
    %dma_wait3A_157 = arith.constant 0 : i32
    %dma_wait3A_158 = tpu.memref_slice %arg2[%dma_wait3A_156, %dma_wait3A_157] : memref<16384x64xf32, #tpu.memory_space<hbm>> -> memref<16384x64xf32, #tpu.memory_space<hbm>>
    tpu.wait_indirect_dma semaphore(%arg7 : memref<!tpu.dma_semaphore, #tpu.memory_space<semaphore_mem>>) src(%dma_wait3A_158 : memref<16384x64xf32, #tpu.memory_space<hbm>>) dst(%dma_wait3A_152 : memref<128x64xf32, #tpu.memory_space<vmem>>)
    %mul3A_159 = arith.constant 1024 : i32
    %mul3A_160 = arith.muli %add3A, %mul3A_159 : i32
    "tpu.region"() ({
      %run_scoped3A = tpu.sem_alloc : memref<!tpu.dma_semaphore, #tpu.memory_space<semaphore_mem>>
      %dma_start3A_161 = arith.constant 0 : i32
      %dma_start3A_162 = tpu.memref_slice %arg4[%mul3A_160, %dma_start3A_161] : memref<32768x64xf32, #tpu.memory_space<hbm>> -> memref<1024x64xf32, #tpu.memory_space<hbm>>
      %dma_start3A_163 = arith.constant 0 : i32
      %dma_start3A_164 = tpu.memref_slice %arg4[%mul3A_160, %dma_start3A_163] : memref<32768x64xf32, #tpu.memory_space<hbm>> -> memref<1024x64xf32, #tpu.memory_space<hbm>>
      tpu.enqueue_dma source(%arg6 : memref<1024x64xf32, #tpu.memory_space<vmem>>) target(%dma_start3A_164 : memref<1024x64xf32, #tpu.memory_space<hbm>>) target_semaphore(%run_scoped3A : memref<!tpu.dma_semaphore, #tpu.memory_space<semaphore_mem>>)
      %dma_wait3A_165 = arith.constant 0 : i32
      %dma_wait3A_166 = tpu.memref_slice %arg4[%mul3A_160, %dma_wait3A_165] : memref<32768x64xf32, #tpu.memory_space<hbm>> -> memref<1024x64xf32, #tpu.memory_space<hbm>>
      %dma_wait3A_167 = arith.constant 0 : i32
      %dma_wait3A_168 = tpu.memref_slice %arg4[%mul3A_160, %dma_wait3A_167] : memref<32768x64xf32, #tpu.memory_space<hbm>> -> memref<1024x64xf32, #tpu.memory_space<hbm>>
      tpu.wait_dma2 semaphore(%run_scoped3A : memref<!tpu.dma_semaphore, #tpu.memory_space<semaphore_mem>>) src(%arg6 : memref<1024x64xf32, #tpu.memory_space<vmem>>) dst(%dma_wait3A_168 : memref<1024x64xf32, #tpu.memory_space<hbm>>)
      tpu.yield
    }) : () -> ()
    return
  }
}

#map = affine_map<(d0, d1) -> (0, 0)>
#map1 = affine_map<(d0, d1) -> (0, 0, 0)>
module attributes {stable_mosaic.version = 14 : i64} {
  func.func @sc_scatter_add(%arg0: i32, %arg1: i32, %arg2: memref<32768x64xbf16, #tpu.memory_space<hbm>>, %arg3: memref<32x8x128xi32, #tpu.memory_space<hbm>>, %arg4: memref<1024x64xbf16, #tpu.memory_space<hbm>>, %arg5: memref<2x16384x64xbf16, #tpu.memory_space<hbm>>, %arg6: memref<8x128xi32, #tpu.memory_space<vmem>>, %arg7: memref<1024x64xbf16, #tpu.memory_space<vmem>>, %arg8: memref<16384x64xbf16, #tpu.memory_space<vmem_shared>>, %arg9: memref<!tpu.dma_semaphore, #tpu.memory_space<semaphore_mem>>, %arg10: memref<!tpu.dma_semaphore, #tpu.memory_space<semaphore_mem>>) attributes {dimension_semantics = [#tpu.dimension_semantics<core_parallel>, #tpu.dimension_semantics<subcore_parallel>], iteration_bounds = array<i64: 2, 16>, scalar_prefetch = 0 : i64, scratch_operands = 5 : i64, tpu.core_type = #tpu.core_type<sc_vector_subcore>, window_params = [{transform_indices = #map}, {transform_indices = #map1}, {transform_indices = #map}, {transform_indices = #map1}]} {
    %mul3A = arith.constant 2 : i32
    %mul3A_0 = arith.muli %arg1, %mul3A : i32
    %add3A = arith.addi %mul3A_0, %arg0 : i32
    %mul3A_1 = arith.constant 1024 : i32
    %mul3A_2 = arith.muli %add3A, %mul3A_1 : i32
    %dma_start3A = arith.constant 0 : i32
    %dma_start3A_3 = tpu.memref_slice %arg2[%mul3A_2, %dma_start3A] : memref<32768x64xbf16, #tpu.memory_space<hbm>> -> memref<1024x64xbf16, #tpu.memory_space<hbm>>
    %dma_start3A_4 = arith.constant 0 : i32
    %dma_start3A_5 = tpu.memref_slice %arg2[%mul3A_2, %dma_start3A_4] : memref<32768x64xbf16, #tpu.memory_space<hbm>> -> memref<1024x64xbf16, #tpu.memory_space<hbm>>
    tpu.enqueue_dma source(%dma_start3A_5 : memref<1024x64xbf16, #tpu.memory_space<hbm>>) target(%arg7 : memref<1024x64xbf16, #tpu.memory_space<vmem>>) target_semaphore(%arg9 : memref<!tpu.dma_semaphore, #tpu.memory_space<semaphore_mem>>)
    "tpu.region"() ({
      %run_scoped3A = tpu.sem_alloc : memref<!tpu.dma_semaphore, #tpu.memory_space<semaphore_mem>>
      %dma_start3A_176 = arith.constant 0 : i32
      %dma_start3A_177 = arith.constant 0 : i32
      %dma_start3A_178 = tpu.memref_slice %arg3[%add3A, %dma_start3A_176, %dma_start3A_177] : memref<32x8x128xi32, #tpu.memory_space<hbm>> -> memref<1x8x128xi32, #tpu.memory_space<hbm>>
      %dma_start3A_179 = tpu.memref_squeeze %dma_start3A_178 : memref<1x8x128xi32, #tpu.memory_space<hbm>> -> memref<8x128xi32, #tpu.memory_space<hbm>>
      %dma_start3A_180 = arith.constant 0 : i32
      %dma_start3A_181 = arith.constant 0 : i32
      %dma_start3A_182 = tpu.memref_slice %arg3[%add3A, %dma_start3A_180, %dma_start3A_181] : memref<32x8x128xi32, #tpu.memory_space<hbm>> -> memref<1x8x128xi32, #tpu.memory_space<hbm>>
      %dma_start3A_183 = tpu.memref_squeeze %dma_start3A_182 : memref<1x8x128xi32, #tpu.memory_space<hbm>> -> memref<8x128xi32, #tpu.memory_space<hbm>>
      tpu.enqueue_dma source(%dma_start3A_183 : memref<8x128xi32, #tpu.memory_space<hbm>>) target(%arg6 : memref<8x128xi32, #tpu.memory_space<vmem>>) target_semaphore(%run_scoped3A : memref<!tpu.dma_semaphore, #tpu.memory_space<semaphore_mem>>)
      %dma_wait3A_184 = arith.constant 0 : i32
      %dma_wait3A_185 = arith.constant 0 : i32
      %dma_wait3A_186 = tpu.memref_slice %arg3[%add3A, %dma_wait3A_184, %dma_wait3A_185] : memref<32x8x128xi32, #tpu.memory_space<hbm>> -> memref<1x8x128xi32, #tpu.memory_space<hbm>>
      %dma_wait3A_187 = tpu.memref_squeeze %dma_wait3A_186 : memref<1x8x128xi32, #tpu.memory_space<hbm>> -> memref<8x128xi32, #tpu.memory_space<hbm>>
      %dma_wait3A_188 = arith.constant 0 : i32
      %dma_wait3A_189 = arith.constant 0 : i32
      %dma_wait3A_190 = tpu.memref_slice %arg3[%add3A, %dma_wait3A_188, %dma_wait3A_189] : memref<32x8x128xi32, #tpu.memory_space<hbm>> -> memref<1x8x128xi32, #tpu.memory_space<hbm>>
      %dma_wait3A_191 = tpu.memref_squeeze %dma_wait3A_190 : memref<1x8x128xi32, #tpu.memory_space<hbm>> -> memref<8x128xi32, #tpu.memory_space<hbm>>
      tpu.wait_dma2 semaphore(%run_scoped3A : memref<!tpu.dma_semaphore, #tpu.memory_space<semaphore_mem>>) src(%dma_wait3A_191 : memref<8x128xi32, #tpu.memory_space<hbm>>) dst(%arg6 : memref<8x128xi32, #tpu.memory_space<vmem>>)
      tpu.yield
    }) : () -> ()
    %mul3A_6 = arith.constant 1024 : i32
    %mul3A_7 = arith.muli %arg1, %mul3A_6 : i32
    "tpu.region"() ({
      %run_scoped3A = tpu.sem_alloc : memref<!tpu.dma_semaphore, #tpu.memory_space<semaphore_mem>>
      %dma_start3A_176 = arith.constant 0 : i32
      %dma_start3A_177 = tpu.memref_slice %arg8[%mul3A_7, %dma_start3A_176] : memref<16384x64xbf16, #tpu.memory_space<vmem_shared>> -> memref<1024x64xbf16, #tpu.memory_space<vmem_shared>>
      %dma_start3A_178 = arith.constant 0 : i32
      %dma_start3A_179 = arith.constant 0 : i32
      %dma_start3A_180 = tpu.memref_slice %arg4[%dma_start3A_178, %dma_start3A_179] : memref<1024x64xbf16, #tpu.memory_space<hbm>> -> memref<1024x64xbf16, #tpu.memory_space<hbm>>
      tpu.enqueue_dma source(%dma_start3A_180 : memref<1024x64xbf16, #tpu.memory_space<hbm>>) target(%dma_start3A_177 : memref<1024x64xbf16, #tpu.memory_space<vmem_shared>>) target_semaphore(%run_scoped3A : memref<!tpu.dma_semaphore, #tpu.memory_space<semaphore_mem>>)
      %dma_wait3A_181 = arith.constant 0 : i32
      %dma_wait3A_182 = tpu.memref_slice %arg8[%mul3A_7, %dma_wait3A_181] : memref<16384x64xbf16, #tpu.memory_space<vmem_shared>> -> memref<1024x64xbf16, #tpu.memory_space<vmem_shared>>
      %dma_wait3A_183 = arith.constant 0 : i32
      %dma_wait3A_184 = arith.constant 0 : i32
      %dma_wait3A_185 = tpu.memref_slice %arg4[%dma_wait3A_183, %dma_wait3A_184] : memref<1024x64xbf16, #tpu.memory_space<hbm>> -> memref<1024x64xbf16, #tpu.memory_space<hbm>>
      tpu.wait_dma2 semaphore(%run_scoped3A : memref<!tpu.dma_semaphore, #tpu.memory_space<semaphore_mem>>) src(%dma_wait3A_185 : memref<1024x64xbf16, #tpu.memory_space<hbm>>) dst(%dma_wait3A_182 : memref<1024x64xbf16, #tpu.memory_space<vmem_shared>>)
      tpu.yield
    }) : () -> ()
    %barrier3A = arith.constant 0 : index
    tpu.barrier barrier_id(%barrier3A)
    %dma_wait3A = arith.constant 0 : i32
    %dma_wait3A_8 = tpu.memref_slice %arg2[%mul3A_2, %dma_wait3A] : memref<32768x64xbf16, #tpu.memory_space<hbm>> -> memref<1024x64xbf16, #tpu.memory_space<hbm>>
    %dma_wait3A_9 = arith.constant 0 : i32
    %dma_wait3A_10 = tpu.memref_slice %arg2[%mul3A_2, %dma_wait3A_9] : memref<32768x64xbf16, #tpu.memory_space<hbm>> -> memref<1024x64xbf16, #tpu.memory_space<hbm>>
    tpu.wait_dma2 semaphore(%arg9 : memref<!tpu.dma_semaphore, #tpu.memory_space<semaphore_mem>>) src(%dma_wait3A_10 : memref<1024x64xbf16, #tpu.memory_space<hbm>>) dst(%arg7 : memref<1024x64xbf16, #tpu.memory_space<vmem>>)
    %dma_start3A_11 = arith.constant 0 : i32
    %dma_start3A_12 = arith.constant 0 : i32
    %dma_start3A_13 = arith.constant 0 : i32
    %dma_start3A_14 = tpu.memref_slice %arg7[%dma_start3A_12, %dma_start3A_13] : memref<1024x64xbf16, #tpu.memory_space<vmem>> -> memref<128x64xbf16, #tpu.memory_space<vmem>>
    %dma_start3A_15 = arith.constant 0 : i32
    %dma_start3A_16 = tpu.memref_slice %arg6[%dma_start3A_11, %dma_start3A_15] : memref<8x128xi32, #tpu.memory_space<vmem>> -> memref<1x128xi32, #tpu.memory_space<vmem>>
    %dma_start3A_17 = tpu.memref_squeeze %dma_start3A_16 : memref<1x128xi32, #tpu.memory_space<vmem>> -> memref<128xi32, #tpu.memory_space<vmem>>
    %dma_start3A_18 = arith.constant 0 : i32
    %dma_start3A_19 = arith.constant 0 : i32
    %dma_start3A_20 = tpu.memref_slice %arg8[%dma_start3A_18, %dma_start3A_19] : memref<16384x64xbf16, #tpu.memory_space<vmem_shared>> -> memref<16384x64xbf16, #tpu.memory_space<vmem_shared>>
    tpu.enqueue_indirect_dma source(%dma_start3A_14 : memref<128x64xbf16, #tpu.memory_space<vmem>>) target(%dma_start3A_20 : memref<16384x64xbf16, #tpu.memory_space<vmem_shared>>) offsets(%dma_start3A_17 : memref<128xi32, #tpu.memory_space<vmem>>) semaphore(%arg10 : memref<!tpu.dma_semaphore, #tpu.memory_space<semaphore_mem>>) {add = true}
    %dma_start3A_21 = arith.constant 1 : i32
    %dma_start3A_22 = arith.constant 128 : i32
    %dma_start3A_23 = arith.constant 0 : i32
    %dma_start3A_24 = tpu.memref_slice %arg7[%dma_start3A_22, %dma_start3A_23] : memref<1024x64xbf16, #tpu.memory_space<vmem>> -> memref<128x64xbf16, #tpu.memory_space<vmem>>
    %dma_start3A_25 = arith.constant 0 : i32
    %dma_start3A_26 = tpu.memref_slice %arg6[%dma_start3A_21, %dma_start3A_25] : memref<8x128xi32, #tpu.memory_space<vmem>> -> memref<1x128xi32, #tpu.memory_space<vmem>>
    %dma_start3A_27 = tpu.memref_squeeze %dma_start3A_26 : memref<1x128xi32, #tpu.memory_space<vmem>> -> memref<128xi32, #tpu.memory_space<vmem>>
    %dma_start3A_28 = arith.constant 0 : i32
    %dma_start3A_29 = arith.constant 0 : i32
    %dma_start3A_30 = tpu.memref_slice %arg8[%dma_start3A_28, %dma_start3A_29] : memref<16384x64xbf16, #tpu.memory_space<vmem_shared>> -> memref<16384x64xbf16, #tpu.memory_space<vmem_shared>>
    tpu.enqueue_indirect_dma source(%dma_start3A_24 : memref<128x64xbf16, #tpu.memory_space<vmem>>) target(%dma_start3A_30 : memref<16384x64xbf16, #tpu.memory_space<vmem_shared>>) offsets(%dma_start3A_27 : memref<128xi32, #tpu.memory_space<vmem>>) semaphore(%arg10 : memref<!tpu.dma_semaphore, #tpu.memory_space<semaphore_mem>>) {add = true}
    %dma_start3A_31 = arith.constant 2 : i32
    %dma_start3A_32 = arith.constant 256 : i32
    %dma_start3A_33 = arith.constant 0 : i32
    %dma_start3A_34 = tpu.memref_slice %arg7[%dma_start3A_32, %dma_start3A_33] : memref<1024x64xbf16, #tpu.memory_space<vmem>> -> memref<128x64xbf16, #tpu.memory_space<vmem>>
    %dma_start3A_35 = arith.constant 0 : i32
    %dma_start3A_36 = tpu.memref_slice %arg6[%dma_start3A_31, %dma_start3A_35] : memref<8x128xi32, #tpu.memory_space<vmem>> -> memref<1x128xi32, #tpu.memory_space<vmem>>
    %dma_start3A_37 = tpu.memref_squeeze %dma_start3A_36 : memref<1x128xi32, #tpu.memory_space<vmem>> -> memref<128xi32, #tpu.memory_space<vmem>>
    %dma_start3A_38 = arith.constant 0 : i32
    %dma_start3A_39 = arith.constant 0 : i32
    %dma_start3A_40 = tpu.memref_slice %arg8[%dma_start3A_38, %dma_start3A_39] : memref<16384x64xbf16, #tpu.memory_space<vmem_shared>> -> memref<16384x64xbf16, #tpu.memory_space<vmem_shared>>
    tpu.enqueue_indirect_dma source(%dma_start3A_34 : memref<128x64xbf16, #tpu.memory_space<vmem>>) target(%dma_start3A_40 : memref<16384x64xbf16, #tpu.memory_space<vmem_shared>>) offsets(%dma_start3A_37 : memref<128xi32, #tpu.memory_space<vmem>>) semaphore(%arg10 : memref<!tpu.dma_semaphore, #tpu.memory_space<semaphore_mem>>) {add = true}
    %dma_start3A_41 = arith.constant 3 : i32
    %dma_start3A_42 = arith.constant 384 : i32
    %dma_start3A_43 = arith.constant 0 : i32
    %dma_start3A_44 = tpu.memref_slice %arg7[%dma_start3A_42, %dma_start3A_43] : memref<1024x64xbf16, #tpu.memory_space<vmem>> -> memref<128x64xbf16, #tpu.memory_space<vmem>>
    %dma_start3A_45 = arith.constant 0 : i32
    %dma_start3A_46 = tpu.memref_slice %arg6[%dma_start3A_41, %dma_start3A_45] : memref<8x128xi32, #tpu.memory_space<vmem>> -> memref<1x128xi32, #tpu.memory_space<vmem>>
    %dma_start3A_47 = tpu.memref_squeeze %dma_start3A_46 : memref<1x128xi32, #tpu.memory_space<vmem>> -> memref<128xi32, #tpu.memory_space<vmem>>
    %dma_start3A_48 = arith.constant 0 : i32
    %dma_start3A_49 = arith.constant 0 : i32
    %dma_start3A_50 = tpu.memref_slice %arg8[%dma_start3A_48, %dma_start3A_49] : memref<16384x64xbf16, #tpu.memory_space<vmem_shared>> -> memref<16384x64xbf16, #tpu.memory_space<vmem_shared>>
    tpu.enqueue_indirect_dma source(%dma_start3A_44 : memref<128x64xbf16, #tpu.memory_space<vmem>>) target(%dma_start3A_50 : memref<16384x64xbf16, #tpu.memory_space<vmem_shared>>) offsets(%dma_start3A_47 : memref<128xi32, #tpu.memory_space<vmem>>) semaphore(%arg10 : memref<!tpu.dma_semaphore, #tpu.memory_space<semaphore_mem>>) {add = true}
    %dma_start3A_51 = arith.constant 4 : i32
    %dma_start3A_52 = arith.constant 512 : i32
    %dma_start3A_53 = arith.constant 0 : i32
    %dma_start3A_54 = tpu.memref_slice %arg7[%dma_start3A_52, %dma_start3A_53] : memref<1024x64xbf16, #tpu.memory_space<vmem>> -> memref<128x64xbf16, #tpu.memory_space<vmem>>
    %dma_start3A_55 = arith.constant 0 : i32
    %dma_start3A_56 = tpu.memref_slice %arg6[%dma_start3A_51, %dma_start3A_55] : memref<8x128xi32, #tpu.memory_space<vmem>> -> memref<1x128xi32, #tpu.memory_space<vmem>>
    %dma_start3A_57 = tpu.memref_squeeze %dma_start3A_56 : memref<1x128xi32, #tpu.memory_space<vmem>> -> memref<128xi32, #tpu.memory_space<vmem>>
    %dma_start3A_58 = arith.constant 0 : i32
    %dma_start3A_59 = arith.constant 0 : i32
    %dma_start3A_60 = tpu.memref_slice %arg8[%dma_start3A_58, %dma_start3A_59] : memref<16384x64xbf16, #tpu.memory_space<vmem_shared>> -> memref<16384x64xbf16, #tpu.memory_space<vmem_shared>>
    tpu.enqueue_indirect_dma source(%dma_start3A_54 : memref<128x64xbf16, #tpu.memory_space<vmem>>) target(%dma_start3A_60 : memref<16384x64xbf16, #tpu.memory_space<vmem_shared>>) offsets(%dma_start3A_57 : memref<128xi32, #tpu.memory_space<vmem>>) semaphore(%arg10 : memref<!tpu.dma_semaphore, #tpu.memory_space<semaphore_mem>>) {add = true}
    %dma_start3A_61 = arith.constant 5 : i32
    %dma_start3A_62 = arith.constant 640 : i32
    %dma_start3A_63 = arith.constant 0 : i32
    %dma_start3A_64 = tpu.memref_slice %arg7[%dma_start3A_62, %dma_start3A_63] : memref<1024x64xbf16, #tpu.memory_space<vmem>> -> memref<128x64xbf16, #tpu.memory_space<vmem>>
    %dma_start3A_65 = arith.constant 0 : i32
    %dma_start3A_66 = tpu.memref_slice %arg6[%dma_start3A_61, %dma_start3A_65] : memref<8x128xi32, #tpu.memory_space<vmem>> -> memref<1x128xi32, #tpu.memory_space<vmem>>
    %dma_start3A_67 = tpu.memref_squeeze %dma_start3A_66 : memref<1x128xi32, #tpu.memory_space<vmem>> -> memref<128xi32, #tpu.memory_space<vmem>>
    %dma_start3A_68 = arith.constant 0 : i32
    %dma_start3A_69 = arith.constant 0 : i32
    %dma_start3A_70 = tpu.memref_slice %arg8[%dma_start3A_68, %dma_start3A_69] : memref<16384x64xbf16, #tpu.memory_space<vmem_shared>> -> memref<16384x64xbf16, #tpu.memory_space<vmem_shared>>
    tpu.enqueue_indirect_dma source(%dma_start3A_64 : memref<128x64xbf16, #tpu.memory_space<vmem>>) target(%dma_start3A_70 : memref<16384x64xbf16, #tpu.memory_space<vmem_shared>>) offsets(%dma_start3A_67 : memref<128xi32, #tpu.memory_space<vmem>>) semaphore(%arg10 : memref<!tpu.dma_semaphore, #tpu.memory_space<semaphore_mem>>) {add = true}
    %dma_start3A_71 = arith.constant 6 : i32
    %dma_start3A_72 = arith.constant 768 : i32
    %dma_start3A_73 = arith.constant 0 : i32
    %dma_start3A_74 = tpu.memref_slice %arg7[%dma_start3A_72, %dma_start3A_73] : memref<1024x64xbf16, #tpu.memory_space<vmem>> -> memref<128x64xbf16, #tpu.memory_space<vmem>>
    %dma_start3A_75 = arith.constant 0 : i32
    %dma_start3A_76 = tpu.memref_slice %arg6[%dma_start3A_71, %dma_start3A_75] : memref<8x128xi32, #tpu.memory_space<vmem>> -> memref<1x128xi32, #tpu.memory_space<vmem>>
    %dma_start3A_77 = tpu.memref_squeeze %dma_start3A_76 : memref<1x128xi32, #tpu.memory_space<vmem>> -> memref<128xi32, #tpu.memory_space<vmem>>
    %dma_start3A_78 = arith.constant 0 : i32
    %dma_start3A_79 = arith.constant 0 : i32
    %dma_start3A_80 = tpu.memref_slice %arg8[%dma_start3A_78, %dma_start3A_79] : memref<16384x64xbf16, #tpu.memory_space<vmem_shared>> -> memref<16384x64xbf16, #tpu.memory_space<vmem_shared>>
    tpu.enqueue_indirect_dma source(%dma_start3A_74 : memref<128x64xbf16, #tpu.memory_space<vmem>>) target(%dma_start3A_80 : memref<16384x64xbf16, #tpu.memory_space<vmem_shared>>) offsets(%dma_start3A_77 : memref<128xi32, #tpu.memory_space<vmem>>) semaphore(%arg10 : memref<!tpu.dma_semaphore, #tpu.memory_space<semaphore_mem>>) {add = true}
    %dma_start3A_81 = arith.constant 7 : i32
    %dma_start3A_82 = arith.constant 896 : i32
    %dma_start3A_83 = arith.constant 0 : i32
    %dma_start3A_84 = tpu.memref_slice %arg7[%dma_start3A_82, %dma_start3A_83] : memref<1024x64xbf16, #tpu.memory_space<vmem>> -> memref<128x64xbf16, #tpu.memory_space<vmem>>
    %dma_start3A_85 = arith.constant 0 : i32
    %dma_start3A_86 = tpu.memref_slice %arg6[%dma_start3A_81, %dma_start3A_85] : memref<8x128xi32, #tpu.memory_space<vmem>> -> memref<1x128xi32, #tpu.memory_space<vmem>>
    %dma_start3A_87 = tpu.memref_squeeze %dma_start3A_86 : memref<1x128xi32, #tpu.memory_space<vmem>> -> memref<128xi32, #tpu.memory_space<vmem>>
    %dma_start3A_88 = arith.constant 0 : i32
    %dma_start3A_89 = arith.constant 0 : i32
    %dma_start3A_90 = tpu.memref_slice %arg8[%dma_start3A_88, %dma_start3A_89] : memref<16384x64xbf16, #tpu.memory_space<vmem_shared>> -> memref<16384x64xbf16, #tpu.memory_space<vmem_shared>>
    tpu.enqueue_indirect_dma source(%dma_start3A_84 : memref<128x64xbf16, #tpu.memory_space<vmem>>) target(%dma_start3A_90 : memref<16384x64xbf16, #tpu.memory_space<vmem_shared>>) offsets(%dma_start3A_87 : memref<128xi32, #tpu.memory_space<vmem>>) semaphore(%arg10 : memref<!tpu.dma_semaphore, #tpu.memory_space<semaphore_mem>>) {add = true}
    %dma_wait3A_91 = arith.constant 0 : i32
    %dma_wait3A_92 = arith.constant 0 : i32
    %dma_wait3A_93 = arith.constant 0 : i32
    %dma_wait3A_94 = tpu.memref_slice %arg7[%dma_wait3A_92, %dma_wait3A_93] : memref<1024x64xbf16, #tpu.memory_space<vmem>> -> memref<128x64xbf16, #tpu.memory_space<vmem>>
    %dma_wait3A_95 = arith.constant 0 : i32
    %dma_wait3A_96 = tpu.memref_slice %arg6[%dma_wait3A_91, %dma_wait3A_95] : memref<8x128xi32, #tpu.memory_space<vmem>> -> memref<1x128xi32, #tpu.memory_space<vmem>>
    %dma_wait3A_97 = tpu.memref_squeeze %dma_wait3A_96 : memref<1x128xi32, #tpu.memory_space<vmem>> -> memref<128xi32, #tpu.memory_space<vmem>>
    %dma_wait3A_98 = arith.constant 0 : i32
    %dma_wait3A_99 = arith.constant 0 : i32
    %dma_wait3A_100 = tpu.memref_slice %arg8[%dma_wait3A_98, %dma_wait3A_99] : memref<16384x64xbf16, #tpu.memory_space<vmem_shared>> -> memref<16384x64xbf16, #tpu.memory_space<vmem_shared>>
    tpu.wait_indirect_dma semaphore(%arg10 : memref<!tpu.dma_semaphore, #tpu.memory_space<semaphore_mem>>) src(%dma_wait3A_94 : memref<128x64xbf16, #tpu.memory_space<vmem>>) dst(%dma_wait3A_100 : memref<16384x64xbf16, #tpu.memory_space<vmem_shared>>)
    %dma_wait3A_101 = arith.constant 1 : i32
    %dma_wait3A_102 = arith.constant 128 : i32
    %dma_wait3A_103 = arith.constant 0 : i32
    %dma_wait3A_104 = tpu.memref_slice %arg7[%dma_wait3A_102, %dma_wait3A_103] : memref<1024x64xbf16, #tpu.memory_space<vmem>> -> memref<128x64xbf16, #tpu.memory_space<vmem>>
    %dma_wait3A_105 = arith.constant 0 : i32
    %dma_wait3A_106 = tpu.memref_slice %arg6[%dma_wait3A_101, %dma_wait3A_105] : memref<8x128xi32, #tpu.memory_space<vmem>> -> memref<1x128xi32, #tpu.memory_space<vmem>>
    %dma_wait3A_107 = tpu.memref_squeeze %dma_wait3A_106 : memref<1x128xi32, #tpu.memory_space<vmem>> -> memref<128xi32, #tpu.memory_space<vmem>>
    %dma_wait3A_108 = arith.constant 0 : i32
    %dma_wait3A_109 = arith.constant 0 : i32
    %dma_wait3A_110 = tpu.memref_slice %arg8[%dma_wait3A_108, %dma_wait3A_109] : memref<16384x64xbf16, #tpu.memory_space<vmem_shared>> -> memref<16384x64xbf16, #tpu.memory_space<vmem_shared>>
    tpu.wait_indirect_dma semaphore(%arg10 : memref<!tpu.dma_semaphore, #tpu.memory_space<semaphore_mem>>) src(%dma_wait3A_104 : memref<128x64xbf16, #tpu.memory_space<vmem>>) dst(%dma_wait3A_110 : memref<16384x64xbf16, #tpu.memory_space<vmem_shared>>)
    %dma_wait3A_111 = arith.constant 2 : i32
    %dma_wait3A_112 = arith.constant 256 : i32
    %dma_wait3A_113 = arith.constant 0 : i32
    %dma_wait3A_114 = tpu.memref_slice %arg7[%dma_wait3A_112, %dma_wait3A_113] : memref<1024x64xbf16, #tpu.memory_space<vmem>> -> memref<128x64xbf16, #tpu.memory_space<vmem>>
    %dma_wait3A_115 = arith.constant 0 : i32
    %dma_wait3A_116 = tpu.memref_slice %arg6[%dma_wait3A_111, %dma_wait3A_115] : memref<8x128xi32, #tpu.memory_space<vmem>> -> memref<1x128xi32, #tpu.memory_space<vmem>>
    %dma_wait3A_117 = tpu.memref_squeeze %dma_wait3A_116 : memref<1x128xi32, #tpu.memory_space<vmem>> -> memref<128xi32, #tpu.memory_space<vmem>>
    %dma_wait3A_118 = arith.constant 0 : i32
    %dma_wait3A_119 = arith.constant 0 : i32
    %dma_wait3A_120 = tpu.memref_slice %arg8[%dma_wait3A_118, %dma_wait3A_119] : memref<16384x64xbf16, #tpu.memory_space<vmem_shared>> -> memref<16384x64xbf16, #tpu.memory_space<vmem_shared>>
    tpu.wait_indirect_dma semaphore(%arg10 : memref<!tpu.dma_semaphore, #tpu.memory_space<semaphore_mem>>) src(%dma_wait3A_114 : memref<128x64xbf16, #tpu.memory_space<vmem>>) dst(%dma_wait3A_120 : memref<16384x64xbf16, #tpu.memory_space<vmem_shared>>)
    %dma_wait3A_121 = arith.constant 3 : i32
    %dma_wait3A_122 = arith.constant 384 : i32
    %dma_wait3A_123 = arith.constant 0 : i32
    %dma_wait3A_124 = tpu.memref_slice %arg7[%dma_wait3A_122, %dma_wait3A_123] : memref<1024x64xbf16, #tpu.memory_space<vmem>> -> memref<128x64xbf16, #tpu.memory_space<vmem>>
    %dma_wait3A_125 = arith.constant 0 : i32
    %dma_wait3A_126 = tpu.memref_slice %arg6[%dma_wait3A_121, %dma_wait3A_125] : memref<8x128xi32, #tpu.memory_space<vmem>> -> memref<1x128xi32, #tpu.memory_space<vmem>>
    %dma_wait3A_127 = tpu.memref_squeeze %dma_wait3A_126 : memref<1x128xi32, #tpu.memory_space<vmem>> -> memref<128xi32, #tpu.memory_space<vmem>>
    %dma_wait3A_128 = arith.constant 0 : i32
    %dma_wait3A_129 = arith.constant 0 : i32
    %dma_wait3A_130 = tpu.memref_slice %arg8[%dma_wait3A_128, %dma_wait3A_129] : memref<16384x64xbf16, #tpu.memory_space<vmem_shared>> -> memref<16384x64xbf16, #tpu.memory_space<vmem_shared>>
    tpu.wait_indirect_dma semaphore(%arg10 : memref<!tpu.dma_semaphore, #tpu.memory_space<semaphore_mem>>) src(%dma_wait3A_124 : memref<128x64xbf16, #tpu.memory_space<vmem>>) dst(%dma_wait3A_130 : memref<16384x64xbf16, #tpu.memory_space<vmem_shared>>)
    %dma_wait3A_131 = arith.constant 4 : i32
    %dma_wait3A_132 = arith.constant 512 : i32
    %dma_wait3A_133 = arith.constant 0 : i32
    %dma_wait3A_134 = tpu.memref_slice %arg7[%dma_wait3A_132, %dma_wait3A_133] : memref<1024x64xbf16, #tpu.memory_space<vmem>> -> memref<128x64xbf16, #tpu.memory_space<vmem>>
    %dma_wait3A_135 = arith.constant 0 : i32
    %dma_wait3A_136 = tpu.memref_slice %arg6[%dma_wait3A_131, %dma_wait3A_135] : memref<8x128xi32, #tpu.memory_space<vmem>> -> memref<1x128xi32, #tpu.memory_space<vmem>>
    %dma_wait3A_137 = tpu.memref_squeeze %dma_wait3A_136 : memref<1x128xi32, #tpu.memory_space<vmem>> -> memref<128xi32, #tpu.memory_space<vmem>>
    %dma_wait3A_138 = arith.constant 0 : i32
    %dma_wait3A_139 = arith.constant 0 : i32
    %dma_wait3A_140 = tpu.memref_slice %arg8[%dma_wait3A_138, %dma_wait3A_139] : memref<16384x64xbf16, #tpu.memory_space<vmem_shared>> -> memref<16384x64xbf16, #tpu.memory_space<vmem_shared>>
    tpu.wait_indirect_dma semaphore(%arg10 : memref<!tpu.dma_semaphore, #tpu.memory_space<semaphore_mem>>) src(%dma_wait3A_134 : memref<128x64xbf16, #tpu.memory_space<vmem>>) dst(%dma_wait3A_140 : memref<16384x64xbf16, #tpu.memory_space<vmem_shared>>)
    %dma_wait3A_141 = arith.constant 5 : i32
    %dma_wait3A_142 = arith.constant 640 : i32
    %dma_wait3A_143 = arith.constant 0 : i32
    %dma_wait3A_144 = tpu.memref_slice %arg7[%dma_wait3A_142, %dma_wait3A_143] : memref<1024x64xbf16, #tpu.memory_space<vmem>> -> memref<128x64xbf16, #tpu.memory_space<vmem>>
    %dma_wait3A_145 = arith.constant 0 : i32
    %dma_wait3A_146 = tpu.memref_slice %arg6[%dma_wait3A_141, %dma_wait3A_145] : memref<8x128xi32, #tpu.memory_space<vmem>> -> memref<1x128xi32, #tpu.memory_space<vmem>>
    %dma_wait3A_147 = tpu.memref_squeeze %dma_wait3A_146 : memref<1x128xi32, #tpu.memory_space<vmem>> -> memref<128xi32, #tpu.memory_space<vmem>>
    %dma_wait3A_148 = arith.constant 0 : i32
    %dma_wait3A_149 = arith.constant 0 : i32
    %dma_wait3A_150 = tpu.memref_slice %arg8[%dma_wait3A_148, %dma_wait3A_149] : memref<16384x64xbf16, #tpu.memory_space<vmem_shared>> -> memref<16384x64xbf16, #tpu.memory_space<vmem_shared>>
    tpu.wait_indirect_dma semaphore(%arg10 : memref<!tpu.dma_semaphore, #tpu.memory_space<semaphore_mem>>) src(%dma_wait3A_144 : memref<128x64xbf16, #tpu.memory_space<vmem>>) dst(%dma_wait3A_150 : memref<16384x64xbf16, #tpu.memory_space<vmem_shared>>)
    %dma_wait3A_151 = arith.constant 6 : i32
    %dma_wait3A_152 = arith.constant 768 : i32
    %dma_wait3A_153 = arith.constant 0 : i32
    %dma_wait3A_154 = tpu.memref_slice %arg7[%dma_wait3A_152, %dma_wait3A_153] : memref<1024x64xbf16, #tpu.memory_space<vmem>> -> memref<128x64xbf16, #tpu.memory_space<vmem>>
    %dma_wait3A_155 = arith.constant 0 : i32
    %dma_wait3A_156 = tpu.memref_slice %arg6[%dma_wait3A_151, %dma_wait3A_155] : memref<8x128xi32, #tpu.memory_space<vmem>> -> memref<1x128xi32, #tpu.memory_space<vmem>>
    %dma_wait3A_157 = tpu.memref_squeeze %dma_wait3A_156 : memref<1x128xi32, #tpu.memory_space<vmem>> -> memref<128xi32, #tpu.memory_space<vmem>>
    %dma_wait3A_158 = arith.constant 0 : i32
    %dma_wait3A_159 = arith.constant 0 : i32
    %dma_wait3A_160 = tpu.memref_slice %arg8[%dma_wait3A_158, %dma_wait3A_159] : memref<16384x64xbf16, #tpu.memory_space<vmem_shared>> -> memref<16384x64xbf16, #tpu.memory_space<vmem_shared>>
    tpu.wait_indirect_dma semaphore(%arg10 : memref<!tpu.dma_semaphore, #tpu.memory_space<semaphore_mem>>) src(%dma_wait3A_154 : memref<128x64xbf16, #tpu.memory_space<vmem>>) dst(%dma_wait3A_160 : memref<16384x64xbf16, #tpu.memory_space<vmem_shared>>)
    %dma_wait3A_161 = arith.constant 7 : i32
    %dma_wait3A_162 = arith.constant 896 : i32
    %dma_wait3A_163 = arith.constant 0 : i32
    %dma_wait3A_164 = tpu.memref_slice %arg7[%dma_wait3A_162, %dma_wait3A_163] : memref<1024x64xbf16, #tpu.memory_space<vmem>> -> memref<128x64xbf16, #tpu.memory_space<vmem>>
    %dma_wait3A_165 = arith.constant 0 : i32
    %dma_wait3A_166 = tpu.memref_slice %arg6[%dma_wait3A_161, %dma_wait3A_165] : memref<8x128xi32, #tpu.memory_space<vmem>> -> memref<1x128xi32, #tpu.memory_space<vmem>>
    %dma_wait3A_167 = tpu.memref_squeeze %dma_wait3A_166 : memref<1x128xi32, #tpu.memory_space<vmem>> -> memref<128xi32, #tpu.memory_space<vmem>>
    %dma_wait3A_168 = arith.constant 0 : i32
    %dma_wait3A_169 = arith.constant 0 : i32
    %dma_wait3A_170 = tpu.memref_slice %arg8[%dma_wait3A_168, %dma_wait3A_169] : memref<16384x64xbf16, #tpu.memory_space<vmem_shared>> -> memref<16384x64xbf16, #tpu.memory_space<vmem_shared>>
    tpu.wait_indirect_dma semaphore(%arg10 : memref<!tpu.dma_semaphore, #tpu.memory_space<semaphore_mem>>) src(%dma_wait3A_164 : memref<128x64xbf16, #tpu.memory_space<vmem>>) dst(%dma_wait3A_170 : memref<16384x64xbf16, #tpu.memory_space<vmem_shared>>)
    %barrier3A_171 = arith.constant 0 : index
    tpu.barrier barrier_id(%barrier3A_171)
    %mul3A_172 = arith.constant 1024 : i32
    %mul3A_173 = arith.muli %arg1, %mul3A_172 : i32
    %mul3A_174 = arith.constant 1024 : i32
    %mul3A_175 = arith.muli %arg1, %mul3A_174 : i32
    "tpu.region"() ({
      %run_scoped3A = tpu.sem_alloc : memref<!tpu.dma_semaphore, #tpu.memory_space<semaphore_mem>>
      %dma_start3A_176 = arith.constant 0 : i32
      %dma_start3A_177 = tpu.memref_slice %arg5[%arg0, %mul3A_175, %dma_start3A_176] : memref<2x16384x64xbf16, #tpu.memory_space<hbm>> -> memref<1x1024x64xbf16, #tpu.memory_space<hbm>>
      %dma_start3A_178 = tpu.memref_squeeze %dma_start3A_177 : memref<1x1024x64xbf16, #tpu.memory_space<hbm>> -> memref<1024x64xbf16, #tpu.memory_space<hbm>>
      %dma_start3A_179 = arith.constant 0 : i32
      %dma_start3A_180 = tpu.memref_slice %arg8[%mul3A_173, %dma_start3A_179] : memref<16384x64xbf16, #tpu.memory_space<vmem_shared>> -> memref<1024x64xbf16, #tpu.memory_space<vmem_shared>>
      tpu.enqueue_dma source(%dma_start3A_180 : memref<1024x64xbf16, #tpu.memory_space<vmem_shared>>) target(%dma_start3A_178 : memref<1024x64xbf16, #tpu.memory_space<hbm>>) target_semaphore(%run_scoped3A : memref<!tpu.dma_semaphore, #tpu.memory_space<semaphore_mem>>)
      %dma_wait3A_181 = arith.constant 0 : i32
      %dma_wait3A_182 = tpu.memref_slice %arg5[%arg0, %mul3A_175, %dma_wait3A_181] : memref<2x16384x64xbf16, #tpu.memory_space<hbm>> -> memref<1x1024x64xbf16, #tpu.memory_space<hbm>>
      %dma_wait3A_183 = tpu.memref_squeeze %dma_wait3A_182 : memref<1x1024x64xbf16, #tpu.memory_space<hbm>> -> memref<1024x64xbf16, #tpu.memory_space<hbm>>
      %dma_wait3A_184 = arith.constant 0 : i32
      %dma_wait3A_185 = tpu.memref_slice %arg8[%mul3A_173, %dma_wait3A_184] : memref<16384x64xbf16, #tpu.memory_space<vmem_shared>> -> memref<1024x64xbf16, #tpu.memory_space<vmem_shared>>
      tpu.wait_dma2 semaphore(%run_scoped3A : memref<!tpu.dma_semaphore, #tpu.memory_space<semaphore_mem>>) src(%dma_wait3A_185 : memref<1024x64xbf16, #tpu.memory_space<vmem_shared>>) dst(%dma_wait3A_183 : memref<1024x64xbf16, #tpu.memory_space<hbm>>)
      tpu.yield
    }) : () -> ()
    return
  }
}

#map = affine_map<(d0, d1) -> (0, 0)>
#map1 = affine_map<(d0, d1) -> (0, 0, 0)>
module attributes {stable_mosaic.version = 14 : i64} {
  func.func @sc_scatter_add(%arg0: i32, %arg1: i32, %arg2: memref<32768x64xbf16, #tpu.memory_space<hbm>>, %arg3: memref<32x8x128xi32, #tpu.memory_space<hbm>>, %arg4: memref<1024x64xbf16, #tpu.memory_space<hbm>>, %arg5: memref<2x16384x64xbf16, #tpu.memory_space<hbm>>, %arg6: memref<8x128xi32, #tpu.memory_space<vmem>>, %arg7: memref<1024x64xbf16, #tpu.memory_space<vmem>>, %arg8: memref<16384x64xbf16, #tpu.memory_space<vmem_shared>>, %arg9: memref<!tpu.dma_semaphore, #tpu.memory_space<semaphore_mem>>, %arg10: memref<!tpu.dma_semaphore, #tpu.memory_space<semaphore_mem>>) attributes {dimension_semantics = [#tpu.dimension_semantics<core_parallel>, #tpu.dimension_semantics<subcore_parallel>], iteration_bounds = array<i64: 2, 16>, scalar_prefetch = 0 : i64, scratch_operands = 5 : i64, tpu.core_type = #tpu.core_type<sc_vector_subcore>, window_params = [{transform_indices = #map}, {transform_indices = #map1}, {transform_indices = #map}, {transform_indices = #map1}]} {
    %mul3A = arith.constant 2 : i32
    %mul3A_0 = arith.muli %arg1, %mul3A : i32
    %add3A = arith.addi %mul3A_0, %arg0 : i32
    %mul3A_1 = arith.constant 1024 : i32
    %mul3A_2 = arith.muli %add3A, %mul3A_1 : i32
    %dma_start3A = arith.constant 0 : i32
    %dma_start3A_3 = tpu.memref_slice %arg2[%mul3A_2, %dma_start3A] : memref<32768x64xbf16, #tpu.memory_space<hbm>> -> memref<1024x64xbf16, #tpu.memory_space<hbm>>
    %dma_start3A_4 = arith.constant 0 : i32
    %dma_start3A_5 = tpu.memref_slice %arg2[%mul3A_2, %dma_start3A_4] : memref<32768x64xbf16, #tpu.memory_space<hbm>> -> memref<1024x64xbf16, #tpu.memory_space<hbm>>
    tpu.enqueue_dma source(%dma_start3A_5 : memref<1024x64xbf16, #tpu.memory_space<hbm>>) target(%arg7 : memref<1024x64xbf16, #tpu.memory_space<vmem>>) target_semaphore(%arg9 : memref<!tpu.dma_semaphore, #tpu.memory_space<semaphore_mem>>)
    "tpu.region"() ({
      %run_scoped3A = tpu.sem_alloc : memref<!tpu.dma_semaphore, #tpu.memory_space<semaphore_mem>>
      %dma_start3A_176 = arith.constant 0 : i32
      %dma_start3A_177 = arith.constant 0 : i32
      %dma_start3A_178 = tpu.memref_slice %arg3[%add3A, %dma_start3A_176, %dma_start3A_177] : memref<32x8x128xi32, #tpu.memory_space<hbm>> -> memref<1x8x128xi32, #tpu.memory_space<hbm>>
      %dma_start3A_179 = tpu.memref_squeeze %dma_start3A_178 : memref<1x8x128xi32, #tpu.memory_space<hbm>> -> memref<8x128xi32, #tpu.memory_space<hbm>>
      %dma_start3A_180 = arith.constant 0 : i32
      %dma_start3A_181 = arith.constant 0 : i32
      %dma_start3A_182 = tpu.memref_slice %arg3[%add3A, %dma_start3A_180, %dma_start3A_181] : memref<32x8x128xi32, #tpu.memory_space<hbm>> -> memref<1x8x128xi32, #tpu.memory_space<hbm>>
      %dma_start3A_183 = tpu.memref_squeeze %dma_start3A_182 : memref<1x8x128xi32, #tpu.memory_space<hbm>> -> memref<8x128xi32, #tpu.memory_space<hbm>>
      tpu.enqueue_dma source(%dma_start3A_183 : memref<8x128xi32, #tpu.memory_space<hbm>>) target(%arg6 : memref<8x128xi32, #tpu.memory_space<vmem>>) target_semaphore(%run_scoped3A : memref<!tpu.dma_semaphore, #tpu.memory_space<semaphore_mem>>)
      %dma_wait3A_184 = arith.constant 0 : i32
      %dma_wait3A_185 = arith.constant 0 : i32
      %dma_wait3A_186 = tpu.memref_slice %arg3[%add3A, %dma_wait3A_184, %dma_wait3A_185] : memref<32x8x128xi32, #tpu.memory_space<hbm>> -> memref<1x8x128xi32, #tpu.memory_space<hbm>>
      %dma_wait3A_187 = tpu.memref_squeeze %dma_wait3A_186 : memref<1x8x128xi32, #tpu.memory_space<hbm>> -> memref<8x128xi32, #tpu.memory_space<hbm>>
      %dma_wait3A_188 = arith.constant 0 : i32
      %dma_wait3A_189 = arith.constant 0 : i32
      %dma_wait3A_190 = tpu.memref_slice %arg3[%add3A, %dma_wait3A_188, %dma_wait3A_189] : memref<32x8x128xi32, #tpu.memory_space<hbm>> -> memref<1x8x128xi32, #tpu.memory_space<hbm>>
      %dma_wait3A_191 = tpu.memref_squeeze %dma_wait3A_190 : memref<1x8x128xi32, #tpu.memory_space<hbm>> -> memref<8x128xi32, #tpu.memory_space<hbm>>
      tpu.wait_dma2 semaphore(%run_scoped3A : memref<!tpu.dma_semaphore, #tpu.memory_space<semaphore_mem>>) src(%dma_wait3A_191 : memref<8x128xi32, #tpu.memory_space<hbm>>) dst(%arg6 : memref<8x128xi32, #tpu.memory_space<vmem>>)
      tpu.yield
    }) : () -> ()
    %mul3A_6 = arith.constant 1024 : i32
    %mul3A_7 = arith.muli %arg1, %mul3A_6 : i32
    "tpu.region"() ({
      %run_scoped3A = tpu.sem_alloc : memref<!tpu.dma_semaphore, #tpu.memory_space<semaphore_mem>>
      %dma_start3A_176 = arith.constant 0 : i32
      %dma_start3A_177 = tpu.memref_slice %arg8[%mul3A_7, %dma_start3A_176] : memref<16384x64xbf16, #tpu.memory_space<vmem_shared>> -> memref<1024x64xbf16, #tpu.memory_space<vmem_shared>>
      %dma_start3A_178 = arith.constant 0 : i32
      %dma_start3A_179 = arith.constant 0 : i32
      %dma_start3A_180 = tpu.memref_slice %arg4[%dma_start3A_178, %dma_start3A_179] : memref<1024x64xbf16, #tpu.memory_space<hbm>> -> memref<1024x64xbf16, #tpu.memory_space<hbm>>
      tpu.enqueue_dma source(%dma_start3A_180 : memref<1024x64xbf16, #tpu.memory_space<hbm>>) target(%dma_start3A_177 : memref<1024x64xbf16, #tpu.memory_space<vmem_shared>>) target_semaphore(%run_scoped3A : memref<!tpu.dma_semaphore, #tpu.memory_space<semaphore_mem>>)
      %dma_wait3A_181 = arith.constant 0 : i32
      %dma_wait3A_182 = tpu.memref_slice %arg8[%mul3A_7, %dma_wait3A_181] : memref<16384x64xbf16, #tpu.memory_space<vmem_shared>> -> memref<1024x64xbf16, #tpu.memory_space<vmem_shared>>
      %dma_wait3A_183 = arith.constant 0 : i32
      %dma_wait3A_184 = arith.constant 0 : i32
      %dma_wait3A_185 = tpu.memref_slice %arg4[%dma_wait3A_183, %dma_wait3A_184] : memref<1024x64xbf16, #tpu.memory_space<hbm>> -> memref<1024x64xbf16, #tpu.memory_space<hbm>>
      tpu.wait_dma2 semaphore(%run_scoped3A : memref<!tpu.dma_semaphore, #tpu.memory_space<semaphore_mem>>) src(%dma_wait3A_185 : memref<1024x64xbf16, #tpu.memory_space<hbm>>) dst(%dma_wait3A_182 : memref<1024x64xbf16, #tpu.memory_space<vmem_shared>>)
      tpu.yield
    }) : () -> ()
    %barrier3A = arith.constant 0 : index
    tpu.barrier barrier_id(%barrier3A)
    %dma_wait3A = arith.constant 0 : i32
    %dma_wait3A_8 = tpu.memref_slice %arg2[%mul3A_2, %dma_wait3A] : memref<32768x64xbf16, #tpu.memory_space<hbm>> -> memref<1024x64xbf16, #tpu.memory_space<hbm>>
    %dma_wait3A_9 = arith.constant 0 : i32
    %dma_wait3A_10 = tpu.memref_slice %arg2[%mul3A_2, %dma_wait3A_9] : memref<32768x64xbf16, #tpu.memory_space<hbm>> -> memref<1024x64xbf16, #tpu.memory_space<hbm>>
    tpu.wait_dma2 semaphore(%arg9 : memref<!tpu.dma_semaphore, #tpu.memory_space<semaphore_mem>>) src(%dma_wait3A_10 : memref<1024x64xbf16, #tpu.memory_space<hbm>>) dst(%arg7 : memref<1024x64xbf16, #tpu.memory_space<vmem>>)
    %dma_start3A_11 = arith.constant 0 : i32
    %dma_start3A_12 = arith.constant 0 : i32
    %dma_start3A_13 = arith.constant 0 : i32
    %dma_start3A_14 = tpu.memref_slice %arg7[%dma_start3A_12, %dma_start3A_13] : memref<1024x64xbf16, #tpu.memory_space<vmem>> -> memref<128x64xbf16, #tpu.memory_space<vmem>>
    %dma_start3A_15 = arith.constant 0 : i32
    %dma_start3A_16 = tpu.memref_slice %arg6[%dma_start3A_11, %dma_start3A_15] : memref<8x128xi32, #tpu.memory_space<vmem>> -> memref<1x128xi32, #tpu.memory_space<vmem>>
    %dma_start3A_17 = tpu.memref_squeeze %dma_start3A_16 : memref<1x128xi32, #tpu.memory_space<vmem>> -> memref<128xi32, #tpu.memory_space<vmem>>
    %dma_start3A_18 = arith.constant 0 : i32
    %dma_start3A_19 = arith.constant 0 : i32
    %dma_start3A_20 = tpu.memref_slice %arg8[%dma_start3A_18, %dma_start3A_19] : memref<16384x64xbf16, #tpu.memory_space<vmem_shared>> -> memref<16384x64xbf16, #tpu.memory_space<vmem_shared>>
    tpu.enqueue_indirect_dma source(%dma_start3A_14 : memref<128x64xbf16, #tpu.memory_space<vmem>>) target(%dma_start3A_20 : memref<16384x64xbf16, #tpu.memory_space<vmem_shared>>) offsets(%dma_start3A_17 : memref<128xi32, #tpu.memory_space<vmem>>) semaphore(%arg10 : memref<!tpu.dma_semaphore, #tpu.memory_space<semaphore_mem>>) {add = true}
    %dma_start3A_21 = arith.constant 1 : i32
    %dma_start3A_22 = arith.constant 128 : i32
    %dma_start3A_23 = arith.constant 0 : i32
    %dma_start3A_24 = tpu.memref_slice %arg7[%dma_start3A_22, %dma_start3A_23] : memref<1024x64xbf16, #tpu.memory_space<vmem>> -> memref<128x64xbf16, #tpu.memory_space<vmem>>
    %dma_start3A_25 = arith.constant 0 : i32
    %dma_start3A_26 = tpu.memref_slice %arg6[%dma_start3A_21, %dma_start3A_25] : memref<8x128xi32, #tpu.memory_space<vmem>> -> memref<1x128xi32, #tpu.memory_space<vmem>>
    %dma_start3A_27 = tpu.memref_squeeze %dma_start3A_26 : memref<1x128xi32, #tpu.memory_space<vmem>> -> memref<128xi32, #tpu.memory_space<vmem>>
    %dma_start3A_28 = arith.constant 0 : i32
    %dma_start3A_29 = arith.constant 0 : i32
    %dma_start3A_30 = tpu.memref_slice %arg8[%dma_start3A_28, %dma_start3A_29] : memref<16384x64xbf16, #tpu.memory_space<vmem_shared>> -> memref<16384x64xbf16, #tpu.memory_space<vmem_shared>>
    tpu.enqueue_indirect_dma source(%dma_start3A_24 : memref<128x64xbf16, #tpu.memory_space<vmem>>) target(%dma_start3A_30 : memref<16384x64xbf16, #tpu.memory_space<vmem_shared>>) offsets(%dma_start3A_27 : memref<128xi32, #tpu.memory_space<vmem>>) semaphore(%arg10 : memref<!tpu.dma_semaphore, #tpu.memory_space<semaphore_mem>>) {add = true}
    %dma_start3A_31 = arith.constant 2 : i32
    %dma_start3A_32 = arith.constant 256 : i32
    %dma_start3A_33 = arith.constant 0 : i32
    %dma_start3A_34 = tpu.memref_slice %arg7[%dma_start3A_32, %dma_start3A_33] : memref<1024x64xbf16, #tpu.memory_space<vmem>> -> memref<128x64xbf16, #tpu.memory_space<vmem>>
    %dma_start3A_35 = arith.constant 0 : i32
    %dma_start3A_36 = tpu.memref_slice %arg6[%dma_start3A_31, %dma_start3A_35] : memref<8x128xi32, #tpu.memory_space<vmem>> -> memref<1x128xi32, #tpu.memory_space<vmem>>
    %dma_start3A_37 = tpu.memref_squeeze %dma_start3A_36 : memref<1x128xi32, #tpu.memory_space<vmem>> -> memref<128xi32, #tpu.memory_space<vmem>>
    %dma_start3A_38 = arith.constant 0 : i32
    %dma_start3A_39 = arith.constant 0 : i32
    %dma_start3A_40 = tpu.memref_slice %arg8[%dma_start3A_38, %dma_start3A_39] : memref<16384x64xbf16, #tpu.memory_space<vmem_shared>> -> memref<16384x64xbf16, #tpu.memory_space<vmem_shared>>
    tpu.enqueue_indirect_dma source(%dma_start3A_34 : memref<128x64xbf16, #tpu.memory_space<vmem>>) target(%dma_start3A_40 : memref<16384x64xbf16, #tpu.memory_space<vmem_shared>>) offsets(%dma_start3A_37 : memref<128xi32, #tpu.memory_space<vmem>>) semaphore(%arg10 : memref<!tpu.dma_semaphore, #tpu.memory_space<semaphore_mem>>) {add = true}
    %dma_start3A_41 = arith.constant 3 : i32
    %dma_start3A_42 = arith.constant 384 : i32
    %dma_start3A_43 = arith.constant 0 : i32
    %dma_start3A_44 = tpu.memref_slice %arg7[%dma_start3A_42, %dma_start3A_43] : memref<1024x64xbf16, #tpu.memory_space<vmem>> -> memref<128x64xbf16, #tpu.memory_space<vmem>>
    %dma_start3A_45 = arith.constant 0 : i32
    %dma_start3A_46 = tpu.memref_slice %arg6[%dma_start3A_41, %dma_start3A_45] : memref<8x128xi32, #tpu.memory_space<vmem>> -> memref<1x128xi32, #tpu.memory_space<vmem>>
    %dma_start3A_47 = tpu.memref_squeeze %dma_start3A_46 : memref<1x128xi32, #tpu.memory_space<vmem>> -> memref<128xi32, #tpu.memory_space<vmem>>
    %dma_start3A_48 = arith.constant 0 : i32
    %dma_start3A_49 = arith.constant 0 : i32
    %dma_start3A_50 = tpu.memref_slice %arg8[%dma_start3A_48, %dma_start3A_49] : memref<16384x64xbf16, #tpu.memory_space<vmem_shared>> -> memref<16384x64xbf16, #tpu.memory_space<vmem_shared>>
    tpu.enqueue_indirect_dma source(%dma_start3A_44 : memref<128x64xbf16, #tpu.memory_space<vmem>>) target(%dma_start3A_50 : memref<16384x64xbf16, #tpu.memory_space<vmem_shared>>) offsets(%dma_start3A_47 : memref<128xi32, #tpu.memory_space<vmem>>) semaphore(%arg10 : memref<!tpu.dma_semaphore, #tpu.memory_space<semaphore_mem>>) {add = true}
    %dma_start3A_51 = arith.constant 4 : i32
    %dma_start3A_52 = arith.constant 512 : i32
    %dma_start3A_53 = arith.constant 0 : i32
    %dma_start3A_54 = tpu.memref_slice %arg7[%dma_start3A_52, %dma_start3A_53] : memref<1024x64xbf16, #tpu.memory_space<vmem>> -> memref<128x64xbf16, #tpu.memory_space<vmem>>
    %dma_start3A_55 = arith.constant 0 : i32
    %dma_start3A_56 = tpu.memref_slice %arg6[%dma_start3A_51, %dma_start3A_55] : memref<8x128xi32, #tpu.memory_space<vmem>> -> memref<1x128xi32, #tpu.memory_space<vmem>>
    %dma_start3A_57 = tpu.memref_squeeze %dma_start3A_56 : memref<1x128xi32, #tpu.memory_space<vmem>> -> memref<128xi32, #tpu.memory_space<vmem>>
    %dma_start3A_58 = arith.constant 0 : i32
    %dma_start3A_59 = arith.constant 0 : i32
    %dma_start3A_60 = tpu.memref_slice %arg8[%dma_start3A_58, %dma_start3A_59] : memref<16384x64xbf16, #tpu.memory_space<vmem_shared>> -> memref<16384x64xbf16, #tpu.memory_space<vmem_shared>>
    tpu.enqueue_indirect_dma source(%dma_start3A_54 : memref<128x64xbf16, #tpu.memory_space<vmem>>) target(%dma_start3A_60 : memref<16384x64xbf16, #tpu.memory_space<vmem_shared>>) offsets(%dma_start3A_57 : memref<128xi32, #tpu.memory_space<vmem>>) semaphore(%arg10 : memref<!tpu.dma_semaphore, #tpu.memory_space<semaphore_mem>>) {add = true}
    %dma_start3A_61 = arith.constant 5 : i32
    %dma_start3A_62 = arith.constant 640 : i32
    %dma_start3A_63 = arith.constant 0 : i32
    %dma_start3A_64 = tpu.memref_slice %arg7[%dma_start3A_62, %dma_start3A_63] : memref<1024x64xbf16, #tpu.memory_space<vmem>> -> memref<128x64xbf16, #tpu.memory_space<vmem>>
    %dma_start3A_65 = arith.constant 0 : i32
    %dma_start3A_66 = tpu.memref_slice %arg6[%dma_start3A_61, %dma_start3A_65] : memref<8x128xi32, #tpu.memory_space<vmem>> -> memref<1x128xi32, #tpu.memory_space<vmem>>
    %dma_start3A_67 = tpu.memref_squeeze %dma_start3A_66 : memref<1x128xi32, #tpu.memory_space<vmem>> -> memref<128xi32, #tpu.memory_space<vmem>>
    %dma_start3A_68 = arith.constant 0 : i32
    %dma_start3A_69 = arith.constant 0 : i32
    %dma_start3A_70 = tpu.memref_slice %arg8[%dma_start3A_68, %dma_start3A_69] : memref<16384x64xbf16, #tpu.memory_space<vmem_shared>> -> memref<16384x64xbf16, #tpu.memory_space<vmem_shared>>
    tpu.enqueue_indirect_dma source(%dma_start3A_64 : memref<128x64xbf16, #tpu.memory_space<vmem>>) target(%dma_start3A_70 : memref<16384x64xbf16, #tpu.memory_space<vmem_shared>>) offsets(%dma_start3A_67 : memref<128xi32, #tpu.memory_space<vmem>>) semaphore(%arg10 : memref<!tpu.dma_semaphore, #tpu.memory_space<semaphore_mem>>) {add = true}
    %dma_start3A_71 = arith.constant 6 : i32
    %dma_start3A_72 = arith.constant 768 : i32
    %dma_start3A_73 = arith.constant 0 : i32
    %dma_start3A_74 = tpu.memref_slice %arg7[%dma_start3A_72, %dma_start3A_73] : memref<1024x64xbf16, #tpu.memory_space<vmem>> -> memref<128x64xbf16, #tpu.memory_space<vmem>>
    %dma_start3A_75 = arith.constant 0 : i32
    %dma_start3A_76 = tpu.memref_slice %arg6[%dma_start3A_71, %dma_start3A_75] : memref<8x128xi32, #tpu.memory_space<vmem>> -> memref<1x128xi32, #tpu.memory_space<vmem>>
    %dma_start3A_77 = tpu.memref_squeeze %dma_start3A_76 : memref<1x128xi32, #tpu.memory_space<vmem>> -> memref<128xi32, #tpu.memory_space<vmem>>
    %dma_start3A_78 = arith.constant 0 : i32
    %dma_start3A_79 = arith.constant 0 : i32
    %dma_start3A_80 = tpu.memref_slice %arg8[%dma_start3A_78, %dma_start3A_79] : memref<16384x64xbf16, #tpu.memory_space<vmem_shared>> -> memref<16384x64xbf16, #tpu.memory_space<vmem_shared>>
    tpu.enqueue_indirect_dma source(%dma_start3A_74 : memref<128x64xbf16, #tpu.memory_space<vmem>>) target(%dma_start3A_80 : memref<16384x64xbf16, #tpu.memory_space<vmem_shared>>) offsets(%dma_start3A_77 : memref<128xi32, #tpu.memory_space<vmem>>) semaphore(%arg10 : memref<!tpu.dma_semaphore, #tpu.memory_space<semaphore_mem>>) {add = true}
    %dma_start3A_81 = arith.constant 7 : i32
    %dma_start3A_82 = arith.constant 896 : i32
    %dma_start3A_83 = arith.constant 0 : i32
    %dma_start3A_84 = tpu.memref_slice %arg7[%dma_start3A_82, %dma_start3A_83] : memref<1024x64xbf16, #tpu.memory_space<vmem>> -> memref<128x64xbf16, #tpu.memory_space<vmem>>
    %dma_start3A_85 = arith.constant 0 : i32
    %dma_start3A_86 = tpu.memref_slice %arg6[%dma_start3A_81, %dma_start3A_85] : memref<8x128xi32, #tpu.memory_space<vmem>> -> memref<1x128xi32, #tpu.memory_space<vmem>>
    %dma_start3A_87 = tpu.memref_squeeze %dma_start3A_86 : memref<1x128xi32, #tpu.memory_space<vmem>> -> memref<128xi32, #tpu.memory_space<vmem>>
    %dma_start3A_88 = arith.constant 0 : i32
    %dma_start3A_89 = arith.constant 0 : i32
    %dma_start3A_90 = tpu.memref_slice %arg8[%dma_start3A_88, %dma_start3A_89] : memref<16384x64xbf16, #tpu.memory_space<vmem_shared>> -> memref<16384x64xbf16, #tpu.memory_space<vmem_shared>>
    tpu.enqueue_indirect_dma source(%dma_start3A_84 : memref<128x64xbf16, #tpu.memory_space<vmem>>) target(%dma_start3A_90 : memref<16384x64xbf16, #tpu.memory_space<vmem_shared>>) offsets(%dma_start3A_87 : memref<128xi32, #tpu.memory_space<vmem>>) semaphore(%arg10 : memref<!tpu.dma_semaphore, #tpu.memory_space<semaphore_mem>>) {add = true}
    %dma_wait3A_91 = arith.constant 0 : i32
    %dma_wait3A_92 = arith.constant 0 : i32
    %dma_wait3A_93 = arith.constant 0 : i32
    %dma_wait3A_94 = tpu.memref_slice %arg7[%dma_wait3A_92, %dma_wait3A_93] : memref<1024x64xbf16, #tpu.memory_space<vmem>> -> memref<128x64xbf16, #tpu.memory_space<vmem>>
    %dma_wait3A_95 = arith.constant 0 : i32
    %dma_wait3A_96 = tpu.memref_slice %arg6[%dma_wait3A_91, %dma_wait3A_95] : memref<8x128xi32, #tpu.memory_space<vmem>> -> memref<1x128xi32, #tpu.memory_space<vmem>>
    %dma_wait3A_97 = tpu.memref_squeeze %dma_wait3A_96 : memref<1x128xi32, #tpu.memory_space<vmem>> -> memref<128xi32, #tpu.memory_space<vmem>>
    %dma_wait3A_98 = arith.constant 0 : i32
    %dma_wait3A_99 = arith.constant 0 : i32
    %dma_wait3A_100 = tpu.memref_slice %arg8[%dma_wait3A_98, %dma_wait3A_99] : memref<16384x64xbf16, #tpu.memory_space<vmem_shared>> -> memref<16384x64xbf16, #tpu.memory_space<vmem_shared>>
    tpu.wait_indirect_dma semaphore(%arg10 : memref<!tpu.dma_semaphore, #tpu.memory_space<semaphore_mem>>) src(%dma_wait3A_94 : memref<128x64xbf16, #tpu.memory_space<vmem>>) dst(%dma_wait3A_100 : memref<16384x64xbf16, #tpu.memory_space<vmem_shared>>)
    %dma_wait3A_101 = arith.constant 1 : i32
    %dma_wait3A_102 = arith.constant 128 : i32
    %dma_wait3A_103 = arith.constant 0 : i32
    %dma_wait3A_104 = tpu.memref_slice %arg7[%dma_wait3A_102, %dma_wait3A_103] : memref<1024x64xbf16, #tpu.memory_space<vmem>> -> memref<128x64xbf16, #tpu.memory_space<vmem>>
    %dma_wait3A_105 = arith.constant 0 : i32
    %dma_wait3A_106 = tpu.memref_slice %arg6[%dma_wait3A_101, %dma_wait3A_105] : memref<8x128xi32, #tpu.memory_space<vmem>> -> memref<1x128xi32, #tpu.memory_space<vmem>>
    %dma_wait3A_107 = tpu.memref_squeeze %dma_wait3A_106 : memref<1x128xi32, #tpu.memory_space<vmem>> -> memref<128xi32, #tpu.memory_space<vmem>>
    %dma_wait3A_108 = arith.constant 0 : i32
    %dma_wait3A_109 = arith.constant 0 : i32
    %dma_wait3A_110 = tpu.memref_slice %arg8[%dma_wait3A_108, %dma_wait3A_109] : memref<16384x64xbf16, #tpu.memory_space<vmem_shared>> -> memref<16384x64xbf16, #tpu.memory_space<vmem_shared>>
    tpu.wait_indirect_dma semaphore(%arg10 : memref<!tpu.dma_semaphore, #tpu.memory_space<semaphore_mem>>) src(%dma_wait3A_104 : memref<128x64xbf16, #tpu.memory_space<vmem>>) dst(%dma_wait3A_110 : memref<16384x64xbf16, #tpu.memory_space<vmem_shared>>)
    %dma_wait3A_111 = arith.constant 2 : i32
    %dma_wait3A_112 = arith.constant 256 : i32
    %dma_wait3A_113 = arith.constant 0 : i32
    %dma_wait3A_114 = tpu.memref_slice %arg7[%dma_wait3A_112, %dma_wait3A_113] : memref<1024x64xbf16, #tpu.memory_space<vmem>> -> memref<128x64xbf16, #tpu.memory_space<vmem>>
    %dma_wait3A_115 = arith.constant 0 : i32
    %dma_wait3A_116 = tpu.memref_slice %arg6[%dma_wait3A_111, %dma_wait3A_115] : memref<8x128xi32, #tpu.memory_space<vmem>> -> memref<1x128xi32, #tpu.memory_space<vmem>>
    %dma_wait3A_117 = tpu.memref_squeeze %dma_wait3A_116 : memref<1x128xi32, #tpu.memory_space<vmem>> -> memref<128xi32, #tpu.memory_space<vmem>>
    %dma_wait3A_118 = arith.constant 0 : i32
    %dma_wait3A_119 = arith.constant 0 : i32
    %dma_wait3A_120 = tpu.memref_slice %arg8[%dma_wait3A_118, %dma_wait3A_119] : memref<16384x64xbf16, #tpu.memory_space<vmem_shared>> -> memref<16384x64xbf16, #tpu.memory_space<vmem_shared>>
    tpu.wait_indirect_dma semaphore(%arg10 : memref<!tpu.dma_semaphore, #tpu.memory_space<semaphore_mem>>) src(%dma_wait3A_114 : memref<128x64xbf16, #tpu.memory_space<vmem>>) dst(%dma_wait3A_120 : memref<16384x64xbf16, #tpu.memory_space<vmem_shared>>)
    %dma_wait3A_121 = arith.constant 3 : i32
    %dma_wait3A_122 = arith.constant 384 : i32
    %dma_wait3A_123 = arith.constant 0 : i32
    %dma_wait3A_124 = tpu.memref_slice %arg7[%dma_wait3A_122, %dma_wait3A_123] : memref<1024x64xbf16, #tpu.memory_space<vmem>> -> memref<128x64xbf16, #tpu.memory_space<vmem>>
    %dma_wait3A_125 = arith.constant 0 : i32
    %dma_wait3A_126 = tpu.memref_slice %arg6[%dma_wait3A_121, %dma_wait3A_125] : memref<8x128xi32, #tpu.memory_space<vmem>> -> memref<1x128xi32, #tpu.memory_space<vmem>>
    %dma_wait3A_127 = tpu.memref_squeeze %dma_wait3A_126 : memref<1x128xi32, #tpu.memory_space<vmem>> -> memref<128xi32, #tpu.memory_space<vmem>>
    %dma_wait3A_128 = arith.constant 0 : i32
    %dma_wait3A_129 = arith.constant 0 : i32
    %dma_wait3A_130 = tpu.memref_slice %arg8[%dma_wait3A_128, %dma_wait3A_129] : memref<16384x64xbf16, #tpu.memory_space<vmem_shared>> -> memref<16384x64xbf16, #tpu.memory_space<vmem_shared>>
    tpu.wait_indirect_dma semaphore(%arg10 : memref<!tpu.dma_semaphore, #tpu.memory_space<semaphore_mem>>) src(%dma_wait3A_124 : memref<128x64xbf16, #tpu.memory_space<vmem>>) dst(%dma_wait3A_130 : memref<16384x64xbf16, #tpu.memory_space<vmem_shared>>)
    %dma_wait3A_131 = arith.constant 4 : i32
    %dma_wait3A_132 = arith.constant 512 : i32
    %dma_wait3A_133 = arith.constant 0 : i32
    %dma_wait3A_134 = tpu.memref_slice %arg7[%dma_wait3A_132, %dma_wait3A_133] : memref<1024x64xbf16, #tpu.memory_space<vmem>> -> memref<128x64xbf16, #tpu.memory_space<vmem>>
    %dma_wait3A_135 = arith.constant 0 : i32
    %dma_wait3A_136 = tpu.memref_slice %arg6[%dma_wait3A_131, %dma_wait3A_135] : memref<8x128xi32, #tpu.memory_space<vmem>> -> memref<1x128xi32, #tpu.memory_space<vmem>>
    %dma_wait3A_137 = tpu.memref_squeeze %dma_wait3A_136 : memref<1x128xi32, #tpu.memory_space<vmem>> -> memref<128xi32, #tpu.memory_space<vmem>>
    %dma_wait3A_138 = arith.constant 0 : i32
    %dma_wait3A_139 = arith.constant 0 : i32
    %dma_wait3A_140 = tpu.memref_slice %arg8[%dma_wait3A_138, %dma_wait3A_139] : memref<16384x64xbf16, #tpu.memory_space<vmem_shared>> -> memref<16384x64xbf16, #tpu.memory_space<vmem_shared>>
    tpu.wait_indirect_dma semaphore(%arg10 : memref<!tpu.dma_semaphore, #tpu.memory_space<semaphore_mem>>) src(%dma_wait3A_134 : memref<128x64xbf16, #tpu.memory_space<vmem>>) dst(%dma_wait3A_140 : memref<16384x64xbf16, #tpu.memory_space<vmem_shared>>)
    %dma_wait3A_141 = arith.constant 5 : i32
    %dma_wait3A_142 = arith.constant 640 : i32
    %dma_wait3A_143 = arith.constant 0 : i32
    %dma_wait3A_144 = tpu.memref_slice %arg7[%dma_wait3A_142, %dma_wait3A_143] : memref<1024x64xbf16, #tpu.memory_space<vmem>> -> memref<128x64xbf16, #tpu.memory_space<vmem>>
    %dma_wait3A_145 = arith.constant 0 : i32
    %dma_wait3A_146 = tpu.memref_slice %arg6[%dma_wait3A_141, %dma_wait3A_145] : memref<8x128xi32, #tpu.memory_space<vmem>> -> memref<1x128xi32, #tpu.memory_space<vmem>>
    %dma_wait3A_147 = tpu.memref_squeeze %dma_wait3A_146 : memref<1x128xi32, #tpu.memory_space<vmem>> -> memref<128xi32, #tpu.memory_space<vmem>>
    %dma_wait3A_148 = arith.constant 0 : i32
    %dma_wait3A_149 = arith.constant 0 : i32
    %dma_wait3A_150 = tpu.memref_slice %arg8[%dma_wait3A_148, %dma_wait3A_149] : memref<16384x64xbf16, #tpu.memory_space<vmem_shared>> -> memref<16384x64xbf16, #tpu.memory_space<vmem_shared>>
    tpu.wait_indirect_dma semaphore(%arg10 : memref<!tpu.dma_semaphore, #tpu.memory_space<semaphore_mem>>) src(%dma_wait3A_144 : memref<128x64xbf16, #tpu.memory_space<vmem>>) dst(%dma_wait3A_150 : memref<16384x64xbf16, #tpu.memory_space<vmem_shared>>)
    %dma_wait3A_151 = arith.constant 6 : i32
    %dma_wait3A_152 = arith.constant 768 : i32
    %dma_wait3A_153 = arith.constant 0 : i32
    %dma_wait3A_154 = tpu.memref_slice %arg7[%dma_wait3A_152, %dma_wait3A_153] : memref<1024x64xbf16, #tpu.memory_space<vmem>> -> memref<128x64xbf16, #tpu.memory_space<vmem>>
    %dma_wait3A_155 = arith.constant 0 : i32
    %dma_wait3A_156 = tpu.memref_slice %arg6[%dma_wait3A_151, %dma_wait3A_155] : memref<8x128xi32, #tpu.memory_space<vmem>> -> memref<1x128xi32, #tpu.memory_space<vmem>>
    %dma_wait3A_157 = tpu.memref_squeeze %dma_wait3A_156 : memref<1x128xi32, #tpu.memory_space<vmem>> -> memref<128xi32, #tpu.memory_space<vmem>>
    %dma_wait3A_158 = arith.constant 0 : i32
    %dma_wait3A_159 = arith.constant 0 : i32
    %dma_wait3A_160 = tpu.memref_slice %arg8[%dma_wait3A_158, %dma_wait3A_159] : memref<16384x64xbf16, #tpu.memory_space<vmem_shared>> -> memref<16384x64xbf16, #tpu.memory_space<vmem_shared>>
    tpu.wait_indirect_dma semaphore(%arg10 : memref<!tpu.dma_semaphore, #tpu.memory_space<semaphore_mem>>) src(%dma_wait3A_154 : memref<128x64xbf16, #tpu.memory_space<vmem>>) dst(%dma_wait3A_160 : memref<16384x64xbf16, #tpu.memory_space<vmem_shared>>)
    %dma_wait3A_161 = arith.constant 7 : i32
    %dma_wait3A_162 = arith.constant 896 : i32
    %dma_wait3A_163 = arith.constant 0 : i32
    %dma_wait3A_164 = tpu.memref_slice %arg7[%dma_wait3A_162, %dma_wait3A_163] : memref<1024x64xbf16, #tpu.memory_space<vmem>> -> memref<128x64xbf16, #tpu.memory_space<vmem>>
    %dma_wait3A_165 = arith.constant 0 : i32
    %dma_wait3A_166 = tpu.memref_slice %arg6[%dma_wait3A_161, %dma_wait3A_165] : memref<8x128xi32, #tpu.memory_space<vmem>> -> memref<1x128xi32, #tpu.memory_space<vmem>>
    %dma_wait3A_167 = tpu.memref_squeeze %dma_wait3A_166 : memref<1x128xi32, #tpu.memory_space<vmem>> -> memref<128xi32, #tpu.memory_space<vmem>>
    %dma_wait3A_168 = arith.constant 0 : i32
    %dma_wait3A_169 = arith.constant 0 : i32
    %dma_wait3A_170 = tpu.memref_slice %arg8[%dma_wait3A_168, %dma_wait3A_169] : memref<16384x64xbf16, #tpu.memory_space<vmem_shared>> -> memref<16384x64xbf16, #tpu.memory_space<vmem_shared>>
    tpu.wait_indirect_dma semaphore(%arg10 : memref<!tpu.dma_semaphore, #tpu.memory_space<semaphore_mem>>) src(%dma_wait3A_164 : memref<128x64xbf16, #tpu.memory_space<vmem>>) dst(%dma_wait3A_170 : memref<16384x64xbf16, #tpu.memory_space<vmem_shared>>)
    %barrier3A_171 = arith.constant 0 : index
    tpu.barrier barrier_id(%barrier3A_171)
    %mul3A_172 = arith.constant 1024 : i32
    %mul3A_173 = arith.muli %arg1, %mul3A_172 : i32
    %mul3A_174 = arith.constant 1024 : i32
    %mul3A_175 = arith.muli %arg1, %mul3A_174 : i32
    "tpu.region"() ({
      %run_scoped3A = tpu.sem_alloc : memref<!tpu.dma_semaphore, #tpu.memory_space<semaphore_mem>>
      %dma_start3A_176 = arith.constant 0 : i32
      %dma_start3A_177 = tpu.memref_slice %arg5[%arg0, %mul3A_175, %dma_start3A_176] : memref<2x16384x64xbf16, #tpu.memory_space<hbm>> -> memref<1x1024x64xbf16, #tpu.memory_space<hbm>>
      %dma_start3A_178 = tpu.memref_squeeze %dma_start3A_177 : memref<1x1024x64xbf16, #tpu.memory_space<hbm>> -> memref<1024x64xbf16, #tpu.memory_space<hbm>>
      %dma_start3A_179 = arith.constant 0 : i32
      %dma_start3A_180 = tpu.memref_slice %arg8[%mul3A_173, %dma_start3A_179] : memref<16384x64xbf16, #tpu.memory_space<vmem_shared>> -> memref<1024x64xbf16, #tpu.memory_space<vmem_shared>>
      tpu.enqueue_dma source(%dma_start3A_180 : memref<1024x64xbf16, #tpu.memory_space<vmem_shared>>) target(%dma_start3A_178 : memref<1024x64xbf16, #tpu.memory_space<hbm>>) target_semaphore(%run_scoped3A : memref<!tpu.dma_semaphore, #tpu.memory_space<semaphore_mem>>)
      %dma_wait3A_181 = arith.constant 0 : i32
      %dma_wait3A_182 = tpu.memref_slice %arg5[%arg0, %mul3A_175, %dma_wait3A_181] : memref<2x16384x64xbf16, #tpu.memory_space<hbm>> -> memref<1x1024x64xbf16, #tpu.memory_space<hbm>>
      %dma_wait3A_183 = tpu.memref_squeeze %dma_wait3A_182 : memref<1x1024x64xbf16, #tpu.memory_space<hbm>> -> memref<1024x64xbf16, #tpu.memory_space<hbm>>
      %dma_wait3A_184 = arith.constant 0 : i32
      %dma_wait3A_185 = tpu.memref_slice %arg8[%mul3A_173, %dma_wait3A_184] : memref<16384x64xbf16, #tpu.memory_space<vmem_shared>> -> memref<1024x64xbf16, #tpu.memory_space<vmem_shared>>
      tpu.wait_dma2 semaphore(%run_scoped3A : memref<!tpu.dma_semaphore, #tpu.memory_space<semaphore_mem>>) src(%dma_wait3A_185 : memref<1024x64xbf16, #tpu.memory_space<vmem_shared>>) dst(%dma_wait3A_183 : memref<1024x64xbf16, #tpu.memory_space<hbm>>)
      tpu.yield
    }) : () -> ()
    return
  }
}

module attributes {stable_mosaic.version = 14 : i64} {
  func.func @_edge_body(%arg0: i32, %arg1: memref<16x2048xf32, #tpu.memory_space<vmem>>, %arg2: memref<2048x64xf32, #tpu.memory_space<vmem>>, %arg3: memref<128x16xf32, #tpu.memory_space<vmem>>, %arg4: memref<128x1xf32, #tpu.memory_space<vmem>>, %arg5: memref<4096x128xbf16, #tpu.memory_space<vmem>>, %arg6: memref<64x64xf32, #tpu.memory_space<vmem>>, %arg7: memref<2048x64xbf16, #tpu.memory_space<vmem>>) attributes {dimension_semantics = [#tpu.dimension_semantics<parallel>], iteration_bounds = array<i64: 16>, scalar_prefetch = 0 : i64, scratch_operands = 0 : i64, tpu.core_type = #tpu.core_type<tc>, window_params = [{transform_indices = @transform_0, window_bounds = array<i64: 16, 2048>}, {transform_indices = @transform_1, window_bounds = array<i64: 2048, 64>}, {pipeline_mode = #tpu.pipeline_mode<synchronous>, transform_indices = @transform_2, window_bounds = array<i64: 128, 16>}, {pipeline_mode = #tpu.pipeline_mode<synchronous>, transform_indices = @transform_3, window_bounds = array<i64: 128, 1>}, {pipeline_mode = #tpu.pipeline_mode<synchronous>, transform_indices = @transform_4, window_bounds = array<i64: 4096, 128>}, {pipeline_mode = #tpu.pipeline_mode<synchronous>, transform_indices = @transform_5, window_bounds = array<i64: 64, 64>}, {transform_indices = @transform_6, window_bounds = array<i64: 2048, 64>}]} {
    %get3A = arith.constant 0 : index
    %get3A_0 = arith.constant 0 : index
    %get3A_1 = vector.load %arg1[%get3A, %get3A_0] : memref<16x2048xf32, #tpu.memory_space<vmem>>, vector<16x2048xf32>
    %get3A_2 = arith.constant 0 : index
    %get3A_3 = arith.constant 0 : index
    %get3A_4 = vector.load %arg2[%get3A_2, %get3A_3] : memref<2048x64xf32, #tpu.memory_space<vmem>>, vector<2048x64xf32>
    %transpose3A = tpu.transpose %get3A_4, [1, 0] : vector<2048x64xf32> -> vector<64x2048xf32>
    %get3A_5 = arith.constant 0 : index
    %get3A_6 = arith.constant 0 : index
    %get3A_7 = vector.load %arg3[%get3A_5, %get3A_6] : memref<128x16xf32, #tpu.memory_space<vmem>>, vector<128x16xf32>
    %dot_general3A = arith.constant dense<0.000000e+00> : vector<128x2048xf32>
    %dot_general3A_8 = tpu.matmul %get3A_7, %get3A_1, %dot_general3A {dimension_numbers = #tpu.dot_dimension_numbers<[1], [0], [0], [1], [0, 0, 1, 1], [], []>, transpose_lhs_hint = false} : vector<128x16xf32>, vector<16x2048xf32>, vector<128x2048xf32> -> vector<128x2048xf32>
    %get3A_9 = arith.constant 0 : index
    %get3A_10 = arith.constant 0 : index
    %get3A_11 = vector.load %arg4[%get3A_9, %get3A_10] : memref<128x1xf32, #tpu.memory_space<vmem>>, vector<128x1xf32>
    %add3A = vector.broadcast %get3A_11 : vector<128x1xf32> to vector<128x2048xf32>
    %add3A_12 = arith.addf %dot_general3A_8, %add3A : vector<128x2048xf32>
    %max3A = arith.constant 0.000000e+00 : f32
    %max3A_13 = vector.broadcast %max3A : f32 to vector<128x2048xf32>
    %max3A_14 = arith.maximumf %add3A_12, %max3A_13 : vector<128x2048xf32>
    %get3A_15 = arith.constant 0 : index
    %get3A_16 = arith.constant 0 : index
    %get3A_17 = vector.load %arg5[%get3A_15, %get3A_16] : memref<4096x128xbf16, #tpu.memory_space<vmem>>, vector<4096x128xbf16>
    %convert_element_type3A = arith.truncf %max3A_14 : vector<128x2048xf32> to vector<128x2048xbf16>
    %dot_general3A_18 = arith.constant dense<0.000000e+00> : vector<4096x2048xf32>
    %dot_general3A_19 = tpu.matmul %get3A_17, %convert_element_type3A, %dot_general3A_18 {dimension_numbers = #tpu.dot_dimension_numbers<[1], [0], [0], [1], [0, 0, 1, 1], [], []>, transpose_lhs_hint = false} : vector<4096x128xbf16>, vector<128x2048xbf16>, vector<4096x2048xf32> -> vector<4096x2048xf32>
    %get3A_20 = arith.constant 0 : index
    %get3A_21 = arith.constant 0 : index
    %get3A_22 = vector.load %arg6[%get3A_20, %get3A_21] : memref<64x64xf32, #tpu.memory_space<vmem>>, vector<64x64xf32>
    %dot_general3A_23 = arith.constant dense<0.000000e+00> : vector<64x2048xf32>
    %dot_general3A_24 = tpu.matmul %get3A_22, %transpose3A, %dot_general3A_23 {dimension_numbers = #tpu.dot_dimension_numbers<[1], [0], [0], [1], [0, 0, 1, 1], [], []>, transpose_lhs_hint = false} : vector<64x64xf32>, vector<64x2048xf32>, vector<64x2048xf32> -> vector<64x2048xf32>
    %broadcast_in_dim3A = arith.constant 0.000000e+00 : f32
    %broadcast_in_dim3A_25 = vector.broadcast %broadcast_in_dim3A : f32 to vector<64x2048xf32>
    %slice3A = vector.extract_strided_slice %transpose3A {offsets = [0, 0], sizes = [1, 2048], strides = [1, 1]} : vector<64x2048xf32> to vector<1x2048xf32>
    %slice3A_26 = vector.extract_strided_slice %dot_general3A_19 {offsets = [0, 0], sizes = [64, 2048], strides = [1, 1]} : vector<4096x2048xf32> to vector<64x2048xf32>
    %mul3A = vector.broadcast %slice3A : vector<1x2048xf32> to vector<64x2048xf32>
    %mul3A_27 = arith.mulf %mul3A, %slice3A_26 : vector<64x2048xf32>
    %add3A_28 = arith.addf %dot_general3A_24, %mul3A_27 : vector<64x2048xf32>
    %slice3A_29 = vector.extract_strided_slice %transpose3A {offsets = [1, 0], sizes = [1, 2048], strides = [1, 1]} : vector<64x2048xf32> to vector<1x2048xf32>
    %slice3A_30 = vector.extract_strided_slice %dot_general3A_19 {offsets = [64, 0], sizes = [64, 2048], strides = [1, 1]} : vector<4096x2048xf32> to vector<64x2048xf32>
    %mul3A_31 = vector.broadcast %slice3A_29 : vector<1x2048xf32> to vector<64x2048xf32>
    %mul3A_32 = arith.mulf %mul3A_31, %slice3A_30 : vector<64x2048xf32>
    %add3A_33 = arith.addf %broadcast_in_dim3A_25, %mul3A_32 : vector<64x2048xf32>
    %slice3A_34 = vector.extract_strided_slice %transpose3A {offsets = [2, 0], sizes = [1, 2048], strides = [1, 1]} : vector<64x2048xf32> to vector<1x2048xf32>
    %slice3A_35 = vector.extract_strided_slice %dot_general3A_19 {offsets = [128, 0], sizes = [64, 2048], strides = [1, 1]} : vector<4096x2048xf32> to vector<64x2048xf32>
    %mul3A_36 = vector.broadcast %slice3A_34 : vector<1x2048xf32> to vector<64x2048xf32>
    %mul3A_37 = arith.mulf %mul3A_36, %slice3A_35 : vector<64x2048xf32>
    %add3A_38 = arith.addf %add3A_28, %mul3A_37 : vector<64x2048xf32>
    %slice3A_39 = vector.extract_strided_slice %transpose3A {offsets = [3, 0], sizes = [1, 2048], strides = [1, 1]} : vector<64x2048xf32> to vector<1x2048xf32>
    %slice3A_40 = vector.extract_strided_slice %dot_general3A_19 {offsets = [192, 0], sizes = [64, 2048], strides = [1, 1]} : vector<4096x2048xf32> to vector<64x2048xf32>
    %mul3A_41 = vector.broadcast %slice3A_39 : vector<1x2048xf32> to vector<64x2048xf32>
    %mul3A_42 = arith.mulf %mul3A_41, %slice3A_40 : vector<64x2048xf32>
    %add3A_43 = arith.addf %add3A_33, %mul3A_42 : vector<64x2048xf32>
    %slice3A_44 = vector.extract_strided_slice %transpose3A {offsets = [4, 0], sizes = [1, 2048], strides = [1, 1]} : vector<64x2048xf32> to vector<1x2048xf32>
    %slice3A_45 = vector.extract_strided_slice %dot_general3A_19 {offsets = [256, 0], sizes = [64, 2048], strides = [1, 1]} : vector<4096x2048xf32> to vector<64x2048xf32>
    %mul3A_46 = vector.broadcast %slice3A_44 : vector<1x2048xf32> to vector<64x2048xf32>
    %mul3A_47 = arith.mulf %mul3A_46, %slice3A_45 : vector<64x2048xf32>
    %add3A_48 = arith.addf %add3A_38, %mul3A_47 : vector<64x2048xf32>
    %slice3A_49 = vector.extract_strided_slice %transpose3A {offsets = [5, 0], sizes = [1, 2048], strides = [1, 1]} : vector<64x2048xf32> to vector<1x2048xf32>
    %slice3A_50 = vector.extract_strided_slice %dot_general3A_19 {offsets = [320, 0], sizes = [64, 2048], strides = [1, 1]} : vector<4096x2048xf32> to vector<64x2048xf32>
    %mul3A_51 = vector.broadcast %slice3A_49 : vector<1x2048xf32> to vector<64x2048xf32>
    %mul3A_52 = arith.mulf %mul3A_51, %slice3A_50 : vector<64x2048xf32>
    %add3A_53 = arith.addf %add3A_43, %mul3A_52 : vector<64x2048xf32>
    %slice3A_54 = vector.extract_strided_slice %transpose3A {offsets = [6, 0], sizes = [1, 2048], strides = [1, 1]} : vector<64x2048xf32> to vector<1x2048xf32>
    %slice3A_55 = vector.extract_strided_slice %dot_general3A_19 {offsets = [384, 0], sizes = [64, 2048], strides = [1, 1]} : vector<4096x2048xf32> to vector<64x2048xf32>
    %mul3A_56 = vector.broadcast %slice3A_54 : vector<1x2048xf32> to vector<64x2048xf32>
    %mul3A_57 = arith.mulf %mul3A_56, %slice3A_55 : vector<64x2048xf32>
    %add3A_58 = arith.addf %add3A_48, %mul3A_57 : vector<64x2048xf32>
    %slice3A_59 = vector.extract_strided_slice %transpose3A {offsets = [7, 0], sizes = [1, 2048], strides = [1, 1]} : vector<64x2048xf32> to vector<1x2048xf32>
    %slice3A_60 = vector.extract_strided_slice %dot_general3A_19 {offsets = [448, 0], sizes = [64, 2048], strides = [1, 1]} : vector<4096x2048xf32> to vector<64x2048xf32>
    %mul3A_61 = vector.broadcast %slice3A_59 : vector<1x2048xf32> to vector<64x2048xf32>
    %mul3A_62 = arith.mulf %mul3A_61, %slice3A_60 : vector<64x2048xf32>
    %add3A_63 = arith.addf %add3A_53, %mul3A_62 : vector<64x2048xf32>
    %slice3A_64 = vector.extract_strided_slice %transpose3A {offsets = [8, 0], sizes = [1, 2048], strides = [1, 1]} : vector<64x2048xf32> to vector<1x2048xf32>
    %slice3A_65 = vector.extract_strided_slice %dot_general3A_19 {offsets = [512, 0], sizes = [64, 2048], strides = [1, 1]} : vector<4096x2048xf32> to vector<64x2048xf32>
    %mul3A_66 = vector.broadcast %slice3A_64 : vector<1x2048xf32> to vector<64x2048xf32>
    %mul3A_67 = arith.mulf %mul3A_66, %slice3A_65 : vector<64x2048xf32>
    %add3A_68 = arith.addf %add3A_58, %mul3A_67 : vector<64x2048xf32>
    %slice3A_69 = vector.extract_strided_slice %transpose3A {offsets = [9, 0], sizes = [1, 2048], strides = [1, 1]} : vector<64x2048xf32> to vector<1x2048xf32>
    %slice3A_70 = vector.extract_strided_slice %dot_general3A_19 {offsets = [576, 0], sizes = [64, 2048], strides = [1, 1]} : vector<4096x2048xf32> to vector<64x2048xf32>
    %mul3A_71 = vector.broadcast %slice3A_69 : vector<1x2048xf32> to vector<64x2048xf32>
    %mul3A_72 = arith.mulf %mul3A_71, %slice3A_70 : vector<64x2048xf32>
    %add3A_73 = arith.addf %add3A_63, %mul3A_72 : vector<64x2048xf32>
    %slice3A_74 = vector.extract_strided_slice %transpose3A {offsets = [10, 0], sizes = [1, 2048], strides = [1, 1]} : vector<64x2048xf32> to vector<1x2048xf32>
    %slice3A_75 = vector.extract_strided_slice %dot_general3A_19 {offsets = [640, 0], sizes = [64, 2048], strides = [1, 1]} : vector<4096x2048xf32> to vector<64x2048xf32>
    %mul3A_76 = vector.broadcast %slice3A_74 : vector<1x2048xf32> to vector<64x2048xf32>
    %mul3A_77 = arith.mulf %mul3A_76, %slice3A_75 : vector<64x2048xf32>
    %add3A_78 = arith.addf %add3A_68, %mul3A_77 : vector<64x2048xf32>
    %slice3A_79 = vector.extract_strided_slice %transpose3A {offsets = [11, 0], sizes = [1, 2048], strides = [1, 1]} : vector<64x2048xf32> to vector<1x2048xf32>
    %slice3A_80 = vector.extract_strided_slice %dot_general3A_19 {offsets = [704, 0], sizes = [64, 2048], strides = [1, 1]} : vector<4096x2048xf32> to vector<64x2048xf32>
    %mul3A_81 = vector.broadcast %slice3A_79 : vector<1x2048xf32> to vector<64x2048xf32>
    %mul3A_82 = arith.mulf %mul3A_81, %slice3A_80 : vector<64x2048xf32>
    %add3A_83 = arith.addf %add3A_73, %mul3A_82 : vector<64x2048xf32>
    %slice3A_84 = vector.extract_strided_slice %transpose3A {offsets = [12, 0], sizes = [1, 2048], strides = [1, 1]} : vector<64x2048xf32> to vector<1x2048xf32>
    %slice3A_85 = vector.extract_strided_slice %dot_general3A_19 {offsets = [768, 0], sizes = [64, 2048], strides = [1, 1]} : vector<4096x2048xf32> to vector<64x2048xf32>
    %mul3A_86 = vector.broadcast %slice3A_84 : vector<1x2048xf32> to vector<64x2048xf32>
    %mul3A_87 = arith.mulf %mul3A_86, %slice3A_85 : vector<64x2048xf32>
    %add3A_88 = arith.addf %add3A_78, %mul3A_87 : vector<64x2048xf32>
    %slice3A_89 = vector.extract_strided_slice %transpose3A {offsets = [13, 0], sizes = [1, 2048], strides = [1, 1]} : vector<64x2048xf32> to vector<1x2048xf32>
    %slice3A_90 = vector.extract_strided_slice %dot_general3A_19 {offsets = [832, 0], sizes = [64, 2048], strides = [1, 1]} : vector<4096x2048xf32> to vector<64x2048xf32>
    %mul3A_91 = vector.broadcast %slice3A_89 : vector<1x2048xf32> to vector<64x2048xf32>
    %mul3A_92 = arith.mulf %mul3A_91, %slice3A_90 : vector<64x2048xf32>
    %add3A_93 = arith.addf %add3A_83, %mul3A_92 : vector<64x2048xf32>
    %slice3A_94 = vector.extract_strided_slice %transpose3A {offsets = [14, 0], sizes = [1, 2048], strides = [1, 1]} : vector<64x2048xf32> to vector<1x2048xf32>
    %slice3A_95 = vector.extract_strided_slice %dot_general3A_19 {offsets = [896, 0], sizes = [64, 2048], strides = [1, 1]} : vector<4096x2048xf32> to vector<64x2048xf32>
    %mul3A_96 = vector.broadcast %slice3A_94 : vector<1x2048xf32> to vector<64x2048xf32>
    %mul3A_97 = arith.mulf %mul3A_96, %slice3A_95 : vector<64x2048xf32>
    %add3A_98 = arith.addf %add3A_88, %mul3A_97 : vector<64x2048xf32>
    %slice3A_99 = vector.extract_strided_slice %transpose3A {offsets = [15, 0], sizes = [1, 2048], strides = [1, 1]} : vector<64x2048xf32> to vector<1x2048xf32>
    %slice3A_100 = vector.extract_strided_slice %dot_general3A_19 {offsets = [960, 0], sizes = [64, 2048], strides = [1, 1]} : vector<4096x2048xf32> to vector<64x2048xf32>
    %mul3A_101 = vector.broadcast %slice3A_99 : vector<1x2048xf32> to vector<64x2048xf32>
    %mul3A_102 = arith.mulf %mul3A_101, %slice3A_100 : vector<64x2048xf32>
    %add3A_103 = arith.addf %add3A_93, %mul3A_102 : vector<64x2048xf32>
    %slice3A_104 = vector.extract_strided_slice %transpose3A {offsets = [16, 0], sizes = [1, 2048], strides = [1, 1]} : vector<64x2048xf32> to vector<1x2048xf32>
    %slice3A_105 = vector.extract_strided_slice %dot_general3A_19 {offsets = [1024, 0], sizes = [64, 2048], strides = [1, 1]} : vector<4096x2048xf32> to vector<64x2048xf32>
    %mul3A_106 = vector.broadcast %slice3A_104 : vector<1x2048xf32> to vector<64x2048xf32>
    %mul3A_107 = arith.mulf %mul3A_106, %slice3A_105 : vector<64x2048xf32>
    %add3A_108 = arith.addf %add3A_98, %mul3A_107 : vector<64x2048xf32>
    %slice3A_109 = vector.extract_strided_slice %transpose3A {offsets = [17, 0], sizes = [1, 2048], strides = [1, 1]} : vector<64x2048xf32> to vector<1x2048xf32>
    %slice3A_110 = vector.extract_strided_slice %dot_general3A_19 {offsets = [1088, 0], sizes = [64, 2048], strides = [1, 1]} : vector<4096x2048xf32> to vector<64x2048xf32>
    %mul3A_111 = vector.broadcast %slice3A_109 : vector<1x2048xf32> to vector<64x2048xf32>
    %mul3A_112 = arith.mulf %mul3A_111, %slice3A_110 : vector<64x2048xf32>
    %add3A_113 = arith.addf %add3A_103, %mul3A_112 : vector<64x2048xf32>
    %slice3A_114 = vector.extract_strided_slice %transpose3A {offsets = [18, 0], sizes = [1, 2048], strides = [1, 1]} : vector<64x2048xf32> to vector<1x2048xf32>
    %slice3A_115 = vector.extract_strided_slice %dot_general3A_19 {offsets = [1152, 0], sizes = [64, 2048], strides = [1, 1]} : vector<4096x2048xf32> to vector<64x2048xf32>
    %mul3A_116 = vector.broadcast %slice3A_114 : vector<1x2048xf32> to vector<64x2048xf32>
    %mul3A_117 = arith.mulf %mul3A_116, %slice3A_115 : vector<64x2048xf32>
    %add3A_118 = arith.addf %add3A_108, %mul3A_117 : vector<64x2048xf32>
    %slice3A_119 = vector.extract_strided_slice %transpose3A {offsets = [19, 0], sizes = [1, 2048], strides = [1, 1]} : vector<64x2048xf32> to vector<1x2048xf32>
    %slice3A_120 = vector.extract_strided_slice %dot_general3A_19 {offsets = [1216, 0], sizes = [64, 2048], strides = [1, 1]} : vector<4096x2048xf32> to vector<64x2048xf32>
    %mul3A_121 = vector.broadcast %slice3A_119 : vector<1x2048xf32> to vector<64x2048xf32>
    %mul3A_122 = arith.mulf %mul3A_121, %slice3A_120 : vector<64x2048xf32>
    %add3A_123 = arith.addf %add3A_113, %mul3A_122 : vector<64x2048xf32>
    %slice3A_124 = vector.extract_strided_slice %transpose3A {offsets = [20, 0], sizes = [1, 2048], strides = [1, 1]} : vector<64x2048xf32> to vector<1x2048xf32>
    %slice3A_125 = vector.extract_strided_slice %dot_general3A_19 {offsets = [1280, 0], sizes = [64, 2048], strides = [1, 1]} : vector<4096x2048xf32> to vector<64x2048xf32>
    %mul3A_126 = vector.broadcast %slice3A_124 : vector<1x2048xf32> to vector<64x2048xf32>
    %mul3A_127 = arith.mulf %mul3A_126, %slice3A_125 : vector<64x2048xf32>
    %add3A_128 = arith.addf %add3A_118, %mul3A_127 : vector<64x2048xf32>
    %slice3A_129 = vector.extract_strided_slice %transpose3A {offsets = [21, 0], sizes = [1, 2048], strides = [1, 1]} : vector<64x2048xf32> to vector<1x2048xf32>
    %slice3A_130 = vector.extract_strided_slice %dot_general3A_19 {offsets = [1344, 0], sizes = [64, 2048], strides = [1, 1]} : vector<4096x2048xf32> to vector<64x2048xf32>
    %mul3A_131 = vector.broadcast %slice3A_129 : vector<1x2048xf32> to vector<64x2048xf32>
    %mul3A_132 = arith.mulf %mul3A_131, %slice3A_130 : vector<64x2048xf32>
    %add3A_133 = arith.addf %add3A_123, %mul3A_132 : vector<64x2048xf32>
    %slice3A_134 = vector.extract_strided_slice %transpose3A {offsets = [22, 0], sizes = [1, 2048], strides = [1, 1]} : vector<64x2048xf32> to vector<1x2048xf32>
    %slice3A_135 = vector.extract_strided_slice %dot_general3A_19 {offsets = [1408, 0], sizes = [64, 2048], strides = [1, 1]} : vector<4096x2048xf32> to vector<64x2048xf32>
    %mul3A_136 = vector.broadcast %slice3A_134 : vector<1x2048xf32> to vector<64x2048xf32>
    %mul3A_137 = arith.mulf %mul3A_136, %slice3A_135 : vector<64x2048xf32>
    %add3A_138 = arith.addf %add3A_128, %mul3A_137 : vector<64x2048xf32>
    %slice3A_139 = vector.extract_strided_slice %transpose3A {offsets = [23, 0], sizes = [1, 2048], strides = [1, 1]} : vector<64x2048xf32> to vector<1x2048xf32>
    %slice3A_140 = vector.extract_strided_slice %dot_general3A_19 {offsets = [1472, 0], sizes = [64, 2048], strides = [1, 1]} : vector<4096x2048xf32> to vector<64x2048xf32>
    %mul3A_141 = vector.broadcast %slice3A_139 : vector<1x2048xf32> to vector<64x2048xf32>
    %mul3A_142 = arith.mulf %mul3A_141, %slice3A_140 : vector<64x2048xf32>
    %add3A_143 = arith.addf %add3A_133, %mul3A_142 : vector<64x2048xf32>
    %slice3A_144 = vector.extract_strided_slice %transpose3A {offsets = [24, 0], sizes = [1, 2048], strides = [1, 1]} : vector<64x2048xf32> to vector<1x2048xf32>
    %slice3A_145 = vector.extract_strided_slice %dot_general3A_19 {offsets = [1536, 0], sizes = [64, 2048], strides = [1, 1]} : vector<4096x2048xf32> to vector<64x2048xf32>
    %mul3A_146 = vector.broadcast %slice3A_144 : vector<1x2048xf32> to vector<64x2048xf32>
    %mul3A_147 = arith.mulf %mul3A_146, %slice3A_145 : vector<64x2048xf32>
    %add3A_148 = arith.addf %add3A_138, %mul3A_147 : vector<64x2048xf32>
    %slice3A_149 = vector.extract_strided_slice %transpose3A {offsets = [25, 0], sizes = [1, 2048], strides = [1, 1]} : vector<64x2048xf32> to vector<1x2048xf32>
    %slice3A_150 = vector.extract_strided_slice %dot_general3A_19 {offsets = [1600, 0], sizes = [64, 2048], strides = [1, 1]} : vector<4096x2048xf32> to vector<64x2048xf32>
    %mul3A_151 = vector.broadcast %slice3A_149 : vector<1x2048xf32> to vector<64x2048xf32>
    %mul3A_152 = arith.mulf %mul3A_151, %slice3A_150 : vector<64x2048xf32>
    %add3A_153 = arith.addf %add3A_143, %mul3A_152 : vector<64x2048xf32>
    %slice3A_154 = vector.extract_strided_slice %transpose3A {offsets = [26, 0], sizes = [1, 2048], strides = [1, 1]} : vector<64x2048xf32> to vector<1x2048xf32>
    %slice3A_155 = vector.extract_strided_slice %dot_general3A_19 {offsets = [1664, 0], sizes = [64, 2048], strides = [1, 1]} : vector<4096x2048xf32> to vector<64x2048xf32>
    %mul3A_156 = vector.broadcast %slice3A_154 : vector<1x2048xf32> to vector<64x2048xf32>
    %mul3A_157 = arith.mulf %mul3A_156, %slice3A_155 : vector<64x2048xf32>
    %add3A_158 = arith.addf %add3A_148, %mul3A_157 : vector<64x2048xf32>
    %slice3A_159 = vector.extract_strided_slice %transpose3A {offsets = [27, 0], sizes = [1, 2048], strides = [1, 1]} : vector<64x2048xf32> to vector<1x2048xf32>
    %slice3A_160 = vector.extract_strided_slice %dot_general3A_19 {offsets = [1728, 0], sizes = [64, 2048], strides = [1, 1]} : vector<4096x2048xf32> to vector<64x2048xf32>
    %mul3A_161 = vector.broadcast %slice3A_159 : vector<1x2048xf32> to vector<64x2048xf32>
    %mul3A_162 = arith.mulf %mul3A_161, %slice3A_160 : vector<64x2048xf32>
    %add3A_163 = arith.addf %add3A_153, %mul3A_162 : vector<64x2048xf32>
    %slice3A_164 = vector.extract_strided_slice %transpose3A {offsets = [28, 0], sizes = [1, 2048], strides = [1, 1]} : vector<64x2048xf32> to vector<1x2048xf32>
    %slice3A_165 = vector.extract_strided_slice %dot_general3A_19 {offsets = [1792, 0], sizes = [64, 2048], strides = [1, 1]} : vector<4096x2048xf32> to vector<64x2048xf32>
    %mul3A_166 = vector.broadcast %slice3A_164 : vector<1x2048xf32> to vector<64x2048xf32>
    %mul3A_167 = arith.mulf %mul3A_166, %slice3A_165 : vector<64x2048xf32>
    %add3A_168 = arith.addf %add3A_158, %mul3A_167 : vector<64x2048xf32>
    %slice3A_169 = vector.extract_strided_slice %transpose3A {offsets = [29, 0], sizes = [1, 2048], strides = [1, 1]} : vector<64x2048xf32> to vector<1x2048xf32>
    %slice3A_170 = vector.extract_strided_slice %dot_general3A_19 {offsets = [1856, 0], sizes = [64, 2048], strides = [1, 1]} : vector<4096x2048xf32> to vector<64x2048xf32>
    %mul3A_171 = vector.broadcast %slice3A_169 : vector<1x2048xf32> to vector<64x2048xf32>
    %mul3A_172 = arith.mulf %mul3A_171, %slice3A_170 : vector<64x2048xf32>
    %add3A_173 = arith.addf %add3A_163, %mul3A_172 : vector<64x2048xf32>
    %slice3A_174 = vector.extract_strided_slice %transpose3A {offsets = [30, 0], sizes = [1, 2048], strides = [1, 1]} : vector<64x2048xf32> to vector<1x2048xf32>
    %slice3A_175 = vector.extract_strided_slice %dot_general3A_19 {offsets = [1920, 0], sizes = [64, 2048], strides = [1, 1]} : vector<4096x2048xf32> to vector<64x2048xf32>
    %mul3A_176 = vector.broadcast %slice3A_174 : vector<1x2048xf32> to vector<64x2048xf32>
    %mul3A_177 = arith.mulf %mul3A_176, %slice3A_175 : vector<64x2048xf32>
    %add3A_178 = arith.addf %add3A_168, %mul3A_177 : vector<64x2048xf32>
    %slice3A_179 = vector.extract_strided_slice %transpose3A {offsets = [31, 0], sizes = [1, 2048], strides = [1, 1]} : vector<64x2048xf32> to vector<1x2048xf32>
    %slice3A_180 = vector.extract_strided_slice %dot_general3A_19 {offsets = [1984, 0], sizes = [64, 2048], strides = [1, 1]} : vector<4096x2048xf32> to vector<64x2048xf32>
    %mul3A_181 = vector.broadcast %slice3A_179 : vector<1x2048xf32> to vector<64x2048xf32>
    %mul3A_182 = arith.mulf %mul3A_181, %slice3A_180 : vector<64x2048xf32>
    %add3A_183 = arith.addf %add3A_173, %mul3A_182 : vector<64x2048xf32>
    %slice3A_184 = vector.extract_strided_slice %transpose3A {offsets = [32, 0], sizes = [1, 2048], strides = [1, 1]} : vector<64x2048xf32> to vector<1x2048xf32>
    %slice3A_185 = vector.extract_strided_slice %dot_general3A_19 {offsets = [2048, 0], sizes = [64, 2048], strides = [1, 1]} : vector<4096x2048xf32> to vector<64x2048xf32>
    %mul3A_186 = vector.broadcast %slice3A_184 : vector<1x2048xf32> to vector<64x2048xf32>
    %mul3A_187 = arith.mulf %mul3A_186, %slice3A_185 : vector<64x2048xf32>
    %add3A_188 = arith.addf %add3A_178, %mul3A_187 : vector<64x2048xf32>
    %slice3A_189 = vector.extract_strided_slice %transpose3A {offsets = [33, 0], sizes = [1, 2048], strides = [1, 1]} : vector<64x2048xf32> to vector<1x2048xf32>
    %slice3A_190 = vector.extract_strided_slice %dot_general3A_19 {offsets = [2112, 0], sizes = [64, 2048], strides = [1, 1]} : vector<4096x2048xf32> to vector<64x2048xf32>
    %mul3A_191 = vector.broadcast %slice3A_189 : vector<1x2048xf32> to vector<64x2048xf32>
    %mul3A_192 = arith.mulf %mul3A_191, %slice3A_190 : vector<64x2048xf32>
    %add3A_193 = arith.addf %add3A_183, %mul3A_192 : vector<64x2048xf32>
    %slice3A_194 = vector.extract_strided_slice %transpose3A {offsets = [34, 0], sizes = [1, 2048], strides = [1, 1]} : vector<64x2048xf32> to vector<1x2048xf32>
    %slice3A_195 = vector.extract_strided_slice %dot_general3A_19 {offsets = [2176, 0], sizes = [64, 2048], strides = [1, 1]} : vector<4096x2048xf32> to vector<64x2048xf32>
    %mul3A_196 = vector.broadcast %slice3A_194 : vector<1x2048xf32> to vector<64x2048xf32>
    %mul3A_197 = arith.mulf %mul3A_196, %slice3A_195 : vector<64x2048xf32>
    %add3A_198 = arith.addf %add3A_188, %mul3A_197 : vector<64x2048xf32>
    %slice3A_199 = vector.extract_strided_slice %transpose3A {offsets = [35, 0], sizes = [1, 2048], strides = [1, 1]} : vector<64x2048xf32> to vector<1x2048xf32>
    %slice3A_200 = vector.extract_strided_slice %dot_general3A_19 {offsets = [2240, 0], sizes = [64, 2048], strides = [1, 1]} : vector<4096x2048xf32> to vector<64x2048xf32>
    %mul3A_201 = vector.broadcast %slice3A_199 : vector<1x2048xf32> to vector<64x2048xf32>
    %mul3A_202 = arith.mulf %mul3A_201, %slice3A_200 : vector<64x2048xf32>
    %add3A_203 = arith.addf %add3A_193, %mul3A_202 : vector<64x2048xf32>
    %slice3A_204 = vector.extract_strided_slice %transpose3A {offsets = [36, 0], sizes = [1, 2048], strides = [1, 1]} : vector<64x2048xf32> to vector<1x2048xf32>
    %slice3A_205 = vector.extract_strided_slice %dot_general3A_19 {offsets = [2304, 0], sizes = [64, 2048], strides = [1, 1]} : vector<4096x2048xf32> to vector<64x2048xf32>
    %mul3A_206 = vector.broadcast %slice3A_204 : vector<1x2048xf32> to vector<64x2048xf32>
    %mul3A_207 = arith.mulf %mul3A_206, %slice3A_205 : vector<64x2048xf32>
    %add3A_208 = arith.addf %add3A_198, %mul3A_207 : vector<64x2048xf32>
    %slice3A_209 = vector.extract_strided_slice %transpose3A {offsets = [37, 0], sizes = [1, 2048], strides = [1, 1]} : vector<64x2048xf32> to vector<1x2048xf32>
    %slice3A_210 = vector.extract_strided_slice %dot_general3A_19 {offsets = [2368, 0], sizes = [64, 2048], strides = [1, 1]} : vector<4096x2048xf32> to vector<64x2048xf32>
    %mul3A_211 = vector.broadcast %slice3A_209 : vector<1x2048xf32> to vector<64x2048xf32>
    %mul3A_212 = arith.mulf %mul3A_211, %slice3A_210 : vector<64x2048xf32>
    %add3A_213 = arith.addf %add3A_203, %mul3A_212 : vector<64x2048xf32>
    %slice3A_214 = vector.extract_strided_slice %transpose3A {offsets = [38, 0], sizes = [1, 2048], strides = [1, 1]} : vector<64x2048xf32> to vector<1x2048xf32>
    %slice3A_215 = vector.extract_strided_slice %dot_general3A_19 {offsets = [2432, 0], sizes = [64, 2048], strides = [1, 1]} : vector<4096x2048xf32> to vector<64x2048xf32>
    %mul3A_216 = vector.broadcast %slice3A_214 : vector<1x2048xf32> to vector<64x2048xf32>
    %mul3A_217 = arith.mulf %mul3A_216, %slice3A_215 : vector<64x2048xf32>
    %add3A_218 = arith.addf %add3A_208, %mul3A_217 : vector<64x2048xf32>
    %slice3A_219 = vector.extract_strided_slice %transpose3A {offsets = [39, 0], sizes = [1, 2048], strides = [1, 1]} : vector<64x2048xf32> to vector<1x2048xf32>
    %slice3A_220 = vector.extract_strided_slice %dot_general3A_19 {offsets = [2496, 0], sizes = [64, 2048], strides = [1, 1]} : vector<4096x2048xf32> to vector<64x2048xf32>
    %mul3A_221 = vector.broadcast %slice3A_219 : vector<1x2048xf32> to vector<64x2048xf32>
    %mul3A_222 = arith.mulf %mul3A_221, %slice3A_220 : vector<64x2048xf32>
    %add3A_223 = arith.addf %add3A_213, %mul3A_222 : vector<64x2048xf32>
    %slice3A_224 = vector.extract_strided_slice %transpose3A {offsets = [40, 0], sizes = [1, 2048], strides = [1, 1]} : vector<64x2048xf32> to vector<1x2048xf32>
    %slice3A_225 = vector.extract_strided_slice %dot_general3A_19 {offsets = [2560, 0], sizes = [64, 2048], strides = [1, 1]} : vector<4096x2048xf32> to vector<64x2048xf32>
    %mul3A_226 = vector.broadcast %slice3A_224 : vector<1x2048xf32> to vector<64x2048xf32>
    %mul3A_227 = arith.mulf %mul3A_226, %slice3A_225 : vector<64x2048xf32>
    %add3A_228 = arith.addf %add3A_218, %mul3A_227 : vector<64x2048xf32>
    %slice3A_229 = vector.extract_strided_slice %transpose3A {offsets = [41, 0], sizes = [1, 2048], strides = [1, 1]} : vector<64x2048xf32> to vector<1x2048xf32>
    %slice3A_230 = vector.extract_strided_slice %dot_general3A_19 {offsets = [2624, 0], sizes = [64, 2048], strides = [1, 1]} : vector<4096x2048xf32> to vector<64x2048xf32>
    %mul3A_231 = vector.broadcast %slice3A_229 : vector<1x2048xf32> to vector<64x2048xf32>
    %mul3A_232 = arith.mulf %mul3A_231, %slice3A_230 : vector<64x2048xf32>
    %add3A_233 = arith.addf %add3A_223, %mul3A_232 : vector<64x2048xf32>
    %slice3A_234 = vector.extract_strided_slice %transpose3A {offsets = [42, 0], sizes = [1, 2048], strides = [1, 1]} : vector<64x2048xf32> to vector<1x2048xf32>
    %slice3A_235 = vector.extract_strided_slice %dot_general3A_19 {offsets = [2688, 0], sizes = [64, 2048], strides = [1, 1]} : vector<4096x2048xf32> to vector<64x2048xf32>
    %mul3A_236 = vector.broadcast %slice3A_234 : vector<1x2048xf32> to vector<64x2048xf32>
    %mul3A_237 = arith.mulf %mul3A_236, %slice3A_235 : vector<64x2048xf32>
    %add3A_238 = arith.addf %add3A_228, %mul3A_237 : vector<64x2048xf32>
    %slice3A_239 = vector.extract_strided_slice %transpose3A {offsets = [43, 0], sizes = [1, 2048], strides = [1, 1]} : vector<64x2048xf32> to vector<1x2048xf32>
    %slice3A_240 = vector.extract_strided_slice %dot_general3A_19 {offsets = [2752, 0], sizes = [64, 2048], strides = [1, 1]} : vector<4096x2048xf32> to vector<64x2048xf32>
    %mul3A_241 = vector.broadcast %slice3A_239 : vector<1x2048xf32> to vector<64x2048xf32>
    %mul3A_242 = arith.mulf %mul3A_241, %slice3A_240 : vector<64x2048xf32>
    %add3A_243 = arith.addf %add3A_233, %mul3A_242 : vector<64x2048xf32>
    %slice3A_244 = vector.extract_strided_slice %transpose3A {offsets = [44, 0], sizes = [1, 2048], strides = [1, 1]} : vector<64x2048xf32> to vector<1x2048xf32>
    %slice3A_245 = vector.extract_strided_slice %dot_general3A_19 {offsets = [2816, 0], sizes = [64, 2048], strides = [1, 1]} : vector<4096x2048xf32> to vector<64x2048xf32>
    %mul3A_246 = vector.broadcast %slice3A_244 : vector<1x2048xf32> to vector<64x2048xf32>
    %mul3A_247 = arith.mulf %mul3A_246, %slice3A_245 : vector<64x2048xf32>
    %add3A_248 = arith.addf %add3A_238, %mul3A_247 : vector<64x2048xf32>
    %slice3A_249 = vector.extract_strided_slice %transpose3A {offsets = [45, 0], sizes = [1, 2048], strides = [1, 1]} : vector<64x2048xf32> to vector<1x2048xf32>
    %slice3A_250 = vector.extract_strided_slice %dot_general3A_19 {offsets = [2880, 0], sizes = [64, 2048], strides = [1, 1]} : vector<4096x2048xf32> to vector<64x2048xf32>
    %mul3A_251 = vector.broadcast %slice3A_249 : vector<1x2048xf32> to vector<64x2048xf32>
    %mul3A_252 = arith.mulf %mul3A_251, %slice3A_250 : vector<64x2048xf32>
    %add3A_253 = arith.addf %add3A_243, %mul3A_252 : vector<64x2048xf32>
    %slice3A_254 = vector.extract_strided_slice %transpose3A {offsets = [46, 0], sizes = [1, 2048], strides = [1, 1]} : vector<64x2048xf32> to vector<1x2048xf32>
    %slice3A_255 = vector.extract_strided_slice %dot_general3A_19 {offsets = [2944, 0], sizes = [64, 2048], strides = [1, 1]} : vector<4096x2048xf32> to vector<64x2048xf32>
    %mul3A_256 = vector.broadcast %slice3A_254 : vector<1x2048xf32> to vector<64x2048xf32>
    %mul3A_257 = arith.mulf %mul3A_256, %slice3A_255 : vector<64x2048xf32>
    %add3A_258 = arith.addf %add3A_248, %mul3A_257 : vector<64x2048xf32>
    %slice3A_259 = vector.extract_strided_slice %transpose3A {offsets = [47, 0], sizes = [1, 2048], strides = [1, 1]} : vector<64x2048xf32> to vector<1x2048xf32>
    %slice3A_260 = vector.extract_strided_slice %dot_general3A_19 {offsets = [3008, 0], sizes = [64, 2048], strides = [1, 1]} : vector<4096x2048xf32> to vector<64x2048xf32>
    %mul3A_261 = vector.broadcast %slice3A_259 : vector<1x2048xf32> to vector<64x2048xf32>
    %mul3A_262 = arith.mulf %mul3A_261, %slice3A_260 : vector<64x2048xf32>
    %add3A_263 = arith.addf %add3A_253, %mul3A_262 : vector<64x2048xf32>
    %slice3A_264 = vector.extract_strided_slice %transpose3A {offsets = [48, 0], sizes = [1, 2048], strides = [1, 1]} : vector<64x2048xf32> to vector<1x2048xf32>
    %slice3A_265 = vector.extract_strided_slice %dot_general3A_19 {offsets = [3072, 0], sizes = [64, 2048], strides = [1, 1]} : vector<4096x2048xf32> to vector<64x2048xf32>
    %mul3A_266 = vector.broadcast %slice3A_264 : vector<1x2048xf32> to vector<64x2048xf32>
    %mul3A_267 = arith.mulf %mul3A_266, %slice3A_265 : vector<64x2048xf32>
    %add3A_268 = arith.addf %add3A_258, %mul3A_267 : vector<64x2048xf32>
    %slice3A_269 = vector.extract_strided_slice %transpose3A {offsets = [49, 0], sizes = [1, 2048], strides = [1, 1]} : vector<64x2048xf32> to vector<1x2048xf32>
    %slice3A_270 = vector.extract_strided_slice %dot_general3A_19 {offsets = [3136, 0], sizes = [64, 2048], strides = [1, 1]} : vector<4096x2048xf32> to vector<64x2048xf32>
    %mul3A_271 = vector.broadcast %slice3A_269 : vector<1x2048xf32> to vector<64x2048xf32>
    %mul3A_272 = arith.mulf %mul3A_271, %slice3A_270 : vector<64x2048xf32>
    %add3A_273 = arith.addf %add3A_263, %mul3A_272 : vector<64x2048xf32>
    %slice3A_274 = vector.extract_strided_slice %transpose3A {offsets = [50, 0], sizes = [1, 2048], strides = [1, 1]} : vector<64x2048xf32> to vector<1x2048xf32>
    %slice3A_275 = vector.extract_strided_slice %dot_general3A_19 {offsets = [3200, 0], sizes = [64, 2048], strides = [1, 1]} : vector<4096x2048xf32> to vector<64x2048xf32>
    %mul3A_276 = vector.broadcast %slice3A_274 : vector<1x2048xf32> to vector<64x2048xf32>
    %mul3A_277 = arith.mulf %mul3A_276, %slice3A_275 : vector<64x2048xf32>
    %add3A_278 = arith.addf %add3A_268, %mul3A_277 : vector<64x2048xf32>
    %slice3A_279 = vector.extract_strided_slice %transpose3A {offsets = [51, 0], sizes = [1, 2048], strides = [1, 1]} : vector<64x2048xf32> to vector<1x2048xf32>
    %slice3A_280 = vector.extract_strided_slice %dot_general3A_19 {offsets = [3264, 0], sizes = [64, 2048], strides = [1, 1]} : vector<4096x2048xf32> to vector<64x2048xf32>
    %mul3A_281 = vector.broadcast %slice3A_279 : vector<1x2048xf32> to vector<64x2048xf32>
    %mul3A_282 = arith.mulf %mul3A_281, %slice3A_280 : vector<64x2048xf32>
    %add3A_283 = arith.addf %add3A_273, %mul3A_282 : vector<64x2048xf32>
    %slice3A_284 = vector.extract_strided_slice %transpose3A {offsets = [52, 0], sizes = [1, 2048], strides = [1, 1]} : vector<64x2048xf32> to vector<1x2048xf32>
    %slice3A_285 = vector.extract_strided_slice %dot_general3A_19 {offsets = [3328, 0], sizes = [64, 2048], strides = [1, 1]} : vector<4096x2048xf32> to vector<64x2048xf32>
    %mul3A_286 = vector.broadcast %slice3A_284 : vector<1x2048xf32> to vector<64x2048xf32>
    %mul3A_287 = arith.mulf %mul3A_286, %slice3A_285 : vector<64x2048xf32>
    %add3A_288 = arith.addf %add3A_278, %mul3A_287 : vector<64x2048xf32>
    %slice3A_289 = vector.extract_strided_slice %transpose3A {offsets = [53, 0], sizes = [1, 2048], strides = [1, 1]} : vector<64x2048xf32> to vector<1x2048xf32>
    %slice3A_290 = vector.extract_strided_slice %dot_general3A_19 {offsets = [3392, 0], sizes = [64, 2048], strides = [1, 1]} : vector<4096x2048xf32> to vector<64x2048xf32>
    %mul3A_291 = vector.broadcast %slice3A_289 : vector<1x2048xf32> to vector<64x2048xf32>
    %mul3A_292 = arith.mulf %mul3A_291, %slice3A_290 : vector<64x2048xf32>
    %add3A_293 = arith.addf %add3A_283, %mul3A_292 : vector<64x2048xf32>
    %slice3A_294 = vector.extract_strided_slice %transpose3A {offsets = [54, 0], sizes = [1, 2048], strides = [1, 1]} : vector<64x2048xf32> to vector<1x2048xf32>
    %slice3A_295 = vector.extract_strided_slice %dot_general3A_19 {offsets = [3456, 0], sizes = [64, 2048], strides = [1, 1]} : vector<4096x2048xf32> to vector<64x2048xf32>
    %mul3A_296 = vector.broadcast %slice3A_294 : vector<1x2048xf32> to vector<64x2048xf32>
    %mul3A_297 = arith.mulf %mul3A_296, %slice3A_295 : vector<64x2048xf32>
    %add3A_298 = arith.addf %add3A_288, %mul3A_297 : vector<64x2048xf32>
    %slice3A_299 = vector.extract_strided_slice %transpose3A {offsets = [55, 0], sizes = [1, 2048], strides = [1, 1]} : vector<64x2048xf32> to vector<1x2048xf32>
    %slice3A_300 = vector.extract_strided_slice %dot_general3A_19 {offsets = [3520, 0], sizes = [64, 2048], strides = [1, 1]} : vector<4096x2048xf32> to vector<64x2048xf32>
    %mul3A_301 = vector.broadcast %slice3A_299 : vector<1x2048xf32> to vector<64x2048xf32>
    %mul3A_302 = arith.mulf %mul3A_301, %slice3A_300 : vector<64x2048xf32>
    %add3A_303 = arith.addf %add3A_293, %mul3A_302 : vector<64x2048xf32>
    %slice3A_304 = vector.extract_strided_slice %transpose3A {offsets = [56, 0], sizes = [1, 2048], strides = [1, 1]} : vector<64x2048xf32> to vector<1x2048xf32>
    %slice3A_305 = vector.extract_strided_slice %dot_general3A_19 {offsets = [3584, 0], sizes = [64, 2048], strides = [1, 1]} : vector<4096x2048xf32> to vector<64x2048xf32>
    %mul3A_306 = vector.broadcast %slice3A_304 : vector<1x2048xf32> to vector<64x2048xf32>
    %mul3A_307 = arith.mulf %mul3A_306, %slice3A_305 : vector<64x2048xf32>
    %add3A_308 = arith.addf %add3A_298, %mul3A_307 : vector<64x2048xf32>
    %slice3A_309 = vector.extract_strided_slice %transpose3A {offsets = [57, 0], sizes = [1, 2048], strides = [1, 1]} : vector<64x2048xf32> to vector<1x2048xf32>
    %slice3A_310 = vector.extract_strided_slice %dot_general3A_19 {offsets = [3648, 0], sizes = [64, 2048], strides = [1, 1]} : vector<4096x2048xf32> to vector<64x2048xf32>
    %mul3A_311 = vector.broadcast %slice3A_309 : vector<1x2048xf32> to vector<64x2048xf32>
    %mul3A_312 = arith.mulf %mul3A_311, %slice3A_310 : vector<64x2048xf32>
    %add3A_313 = arith.addf %add3A_303, %mul3A_312 : vector<64x2048xf32>
    %slice3A_314 = vector.extract_strided_slice %transpose3A {offsets = [58, 0], sizes = [1, 2048], strides = [1, 1]} : vector<64x2048xf32> to vector<1x2048xf32>
    %slice3A_315 = vector.extract_strided_slice %dot_general3A_19 {offsets = [3712, 0], sizes = [64, 2048], strides = [1, 1]} : vector<4096x2048xf32> to vector<64x2048xf32>
    %mul3A_316 = vector.broadcast %slice3A_314 : vector<1x2048xf32> to vector<64x2048xf32>
    %mul3A_317 = arith.mulf %mul3A_316, %slice3A_315 : vector<64x2048xf32>
    %add3A_318 = arith.addf %add3A_308, %mul3A_317 : vector<64x2048xf32>
    %slice3A_319 = vector.extract_strided_slice %transpose3A {offsets = [59, 0], sizes = [1, 2048], strides = [1, 1]} : vector<64x2048xf32> to vector<1x2048xf32>
    %slice3A_320 = vector.extract_strided_slice %dot_general3A_19 {offsets = [3776, 0], sizes = [64, 2048], strides = [1, 1]} : vector<4096x2048xf32> to vector<64x2048xf32>
    %mul3A_321 = vector.broadcast %slice3A_319 : vector<1x2048xf32> to vector<64x2048xf32>
    %mul3A_322 = arith.mulf %mul3A_321, %slice3A_320 : vector<64x2048xf32>
    %add3A_323 = arith.addf %add3A_313, %mul3A_322 : vector<64x2048xf32>
    %slice3A_324 = vector.extract_strided_slice %transpose3A {offsets = [60, 0], sizes = [1, 2048], strides = [1, 1]} : vector<64x2048xf32> to vector<1x2048xf32>
    %slice3A_325 = vector.extract_strided_slice %dot_general3A_19 {offsets = [3840, 0], sizes = [64, 2048], strides = [1, 1]} : vector<4096x2048xf32> to vector<64x2048xf32>
    %mul3A_326 = vector.broadcast %slice3A_324 : vector<1x2048xf32> to vector<64x2048xf32>
    %mul3A_327 = arith.mulf %mul3A_326, %slice3A_325 : vector<64x2048xf32>
    %add3A_328 = arith.addf %add3A_318, %mul3A_327 : vector<64x2048xf32>
    %slice3A_329 = vector.extract_strided_slice %transpose3A {offsets = [61, 0], sizes = [1, 2048], strides = [1, 1]} : vector<64x2048xf32> to vector<1x2048xf32>
    %slice3A_330 = vector.extract_strided_slice %dot_general3A_19 {offsets = [3904, 0], sizes = [64, 2048], strides = [1, 1]} : vector<4096x2048xf32> to vector<64x2048xf32>
    %mul3A_331 = vector.broadcast %slice3A_329 : vector<1x2048xf32> to vector<64x2048xf32>
    %mul3A_332 = arith.mulf %mul3A_331, %slice3A_330 : vector<64x2048xf32>
    %add3A_333 = arith.addf %add3A_323, %mul3A_332 : vector<64x2048xf32>
    %slice3A_334 = vector.extract_strided_slice %transpose3A {offsets = [62, 0], sizes = [1, 2048], strides = [1, 1]} : vector<64x2048xf32> to vector<1x2048xf32>
    %slice3A_335 = vector.extract_strided_slice %dot_general3A_19 {offsets = [3968, 0], sizes = [64, 2048], strides = [1, 1]} : vector<4096x2048xf32> to vector<64x2048xf32>
    %mul3A_336 = vector.broadcast %slice3A_334 : vector<1x2048xf32> to vector<64x2048xf32>
    %mul3A_337 = arith.mulf %mul3A_336, %slice3A_335 : vector<64x2048xf32>
    %add3A_338 = arith.addf %add3A_328, %mul3A_337 : vector<64x2048xf32>
    %slice3A_339 = vector.extract_strided_slice %transpose3A {offsets = [63, 0], sizes = [1, 2048], strides = [1, 1]} : vector<64x2048xf32> to vector<1x2048xf32>
    %slice3A_340 = vector.extract_strided_slice %dot_general3A_19 {offsets = [4032, 0], sizes = [64, 2048], strides = [1, 1]} : vector<4096x2048xf32> to vector<64x2048xf32>
    %mul3A_341 = vector.broadcast %slice3A_339 : vector<1x2048xf32> to vector<64x2048xf32>
    %mul3A_342 = arith.mulf %mul3A_341, %slice3A_340 : vector<64x2048xf32>
    %add3A_343 = arith.addf %add3A_333, %mul3A_342 : vector<64x2048xf32>
    %add3A_344 = arith.addf %add3A_338, %add3A_343 : vector<64x2048xf32>
    %convert_element_type3A_345 = arith.truncf %add3A_344 : vector<64x2048xf32> to vector<64x2048xbf16>
    %transpose3A_346 = tpu.transpose %convert_element_type3A_345, [1, 0] : vector<64x2048xbf16> -> vector<2048x64xbf16>
    %swap3A = arith.constant 0 : index
    %swap3A_347 = arith.constant 0 : index
    %swap3A_348 = vector.load %arg7[%swap3A, %swap3A_347] : memref<2048x64xbf16, #tpu.memory_space<vmem>>, vector<2048x64xbf16>
    tpu.vector_store %arg7[%swap3A, %swap3A_347], %transpose3A_346 {strides = array<i32>} : memref<2048x64xbf16, #tpu.memory_space<vmem>>, vector<2048x64xbf16>,
    return
  }
  func.func @transform_0(%arg0: i32) -> (i32, i32) {
    %c0_i32 = arith.constant 0 : i32
    %c0_i32_0 = arith.constant 0 : i32
    return %c0_i32, %arg0 : i32, i32
  }
  func.func @transform_1(%arg0: i32) -> (i32, i32) {
    %c0_i32 = arith.constant 0 : i32
    %c0_i32_0 = arith.constant 0 : i32
    return %arg0, %c0_i32 : i32, i32
  }
  func.func @transform_2(%arg0: i32) -> (i32, i32) {
    %c0_i32 = arith.constant 0 : i32
    %c0_i32_0 = arith.constant 0 : i32
    %c0_i32_1 = arith.constant 0 : i32
    return %c0_i32, %c0_i32_0 : i32, i32
  }
  func.func @transform_3(%arg0: i32) -> (i32, i32) {
    %c0_i32 = arith.constant 0 : i32
    %c0_i32_0 = arith.constant 0 : i32
    %c0_i32_1 = arith.constant 0 : i32
    return %c0_i32, %c0_i32_0 : i32, i32
  }
  func.func @transform_4(%arg0: i32) -> (i32, i32) {
    %c0_i32 = arith.constant 0 : i32
    %c0_i32_0 = arith.constant 0 : i32
    %c0_i32_1 = arith.constant 0 : i32
    return %c0_i32, %c0_i32_0 : i32, i32
  }
  func.func @transform_5(%arg0: i32) -> (i32, i32) {
    %c0_i32 = arith.constant 0 : i32
    %c0_i32_0 = arith.constant 0 : i32
    %c0_i32_1 = arith.constant 0 : i32
    return %c0_i32, %c0_i32_0 : i32, i32
  }
  func.func @transform_6(%arg0: i32) -> (i32, i32) {
    %c0_i32 = arith.constant 0 : i32
    %c0_i32_0 = arith.constant 0 : i32
    return %arg0, %c0_i32 : i32, i32
  }
}

module attributes {stable_mosaic.version = 14 : i64} {
  func.func @_node_body(%arg0: i32, %arg1: memref<2x2048x64xbf16, #tpu.memory_space<vmem>>, %arg2: memref<2048x64xf32, #tpu.memory_space<vmem>>, %arg3: memref<64x64xf32, #tpu.memory_space<vmem>>, %arg4: memref<1x64xf32, #tpu.memory_space<vmem>>, %arg5: memref<1x1x2048xi32, #tpu.memory_space<vmem>>, %arg6: memref<2048x64xf32, #tpu.memory_space<vmem>>, %arg7: memref<512x64xf32, #tpu.memory_space<vmem>>) attributes {dimension_semantics = [#tpu.dimension_semantics<arbitrary>], iteration_bounds = array<i64: 8>, scalar_prefetch = 0 : i64, scratch_operands = 0 : i64, tpu.core_type = #tpu.core_type<tc>, window_params = [{transform_indices = @transform_0, window_bounds = array<i64: 2, 2048, 64>}, {transform_indices = @transform_1, window_bounds = array<i64: 2048, 64>}, {pipeline_mode = #tpu.pipeline_mode<synchronous>, transform_indices = @transform_2, window_bounds = array<i64: 64, 64>}, {pipeline_mode = #tpu.pipeline_mode<synchronous>, transform_indices = @transform_3, window_bounds = array<i64: 1, 64>}, {transform_indices = @transform_4, window_bounds = array<i64: 1, 1, 2048>}, {transform_indices = @transform_5, window_bounds = array<i64: 2048, 64>}, {pipeline_mode = #tpu.pipeline_mode<synchronous>, transform_indices = @transform_6, window_bounds = array<i64: 512, 64>}]} {
    %get3A = arith.constant 0 : index
    %get3A_0 = arith.constant 0 : index
    %get3A_1 = arith.constant 0 : index
    %get3A_2 = vector.load %arg1[%get3A, %get3A_0, %get3A_1] : memref<2x2048x64xbf16, #tpu.memory_space<vmem>>, vector<1x2048x64xbf16>
    %get3A_3 = vector.shape_cast %get3A_2 : vector<1x2048x64xbf16> to vector<2048x64xbf16>
    %convert_element_type3A = arith.extf %get3A_3 : vector<2048x64xbf16> to vector<2048x64xf32>
    %get3A_4 = arith.constant 1 : index
    %get3A_5 = arith.constant 0 : index
    %get3A_6 = arith.constant 0 : index
    %get3A_7 = vector.load %arg1[%get3A_4, %get3A_5, %get3A_6] : memref<2x2048x64xbf16, #tpu.memory_space<vmem>>, vector<1x2048x64xbf16>
    %get3A_8 = vector.shape_cast %get3A_7 : vector<1x2048x64xbf16> to vector<2048x64xbf16>
    %convert_element_type3A_9 = arith.extf %get3A_8 : vector<2048x64xbf16> to vector<2048x64xf32>
    %add3A = arith.addf %convert_element_type3A, %convert_element_type3A_9 : vector<2048x64xf32>
    %get3A_10 = arith.constant 0 : index
    %get3A_11 = arith.constant 0 : index
    %get3A_12 = vector.load %arg2[%get3A_10, %get3A_11] : memref<2048x64xf32, #tpu.memory_space<vmem>>, vector<2048x64xf32>
    %get3A_13 = arith.constant 0 : index
    %get3A_14 = arith.constant 0 : index
    %get3A_15 = vector.load %arg3[%get3A_13, %get3A_14] : memref<64x64xf32, #tpu.memory_space<vmem>>, vector<64x64xf32>
    %dot_general3A = arith.constant dense<0.000000e+00> : vector<2048x64xf32>
    %dot_general3A_16 = tpu.matmul %get3A_12, %get3A_15, %dot_general3A {dimension_numbers = #tpu.dot_dimension_numbers<[1], [0], [0], [1], [0, 0, 1, 1], [], []>, transpose_lhs_hint = false} : vector<2048x64xf32>, vector<64x64xf32>, vector<2048x64xf32> -> vector<2048x64xf32>
    %add3A_17 = arith.addf %add3A, %dot_general3A_16 : vector<2048x64xf32>
    %get3A_18 = arith.constant 0 : index
    %get3A_19 = arith.constant 0 : index
    %get3A_20 = vector.load %arg4[%get3A_18, %get3A_19] : memref<1x64xf32, #tpu.memory_space<vmem>>, vector<1x64xf32>
    %add3A_21 = vector.broadcast %get3A_20 : vector<1x64xf32> to vector<2048x64xf32>
    %add3A_22 = arith.addf %add3A_17, %add3A_21 : vector<2048x64xf32>
    %max3A = arith.constant 0.000000e+00 : f32
    %max3A_23 = vector.broadcast %max3A : f32 to vector<2048x64xf32>
    %max3A_24 = arith.maximumf %add3A_22, %max3A_23 : vector<2048x64xf32>
    %swap3A = arith.constant 0 : index
    %swap3A_25 = arith.constant 0 : index
    %swap3A_26 = vector.load %arg6[%swap3A, %swap3A_25] : memref<2048x64xf32, #tpu.memory_space<vmem>>, vector<2048x64xf32>
    tpu.vector_store %arg6[%swap3A, %swap3A_25], %max3A_24 {strides = array<i32>} : memref<2048x64xf32, #tpu.memory_space<vmem>>, vector<2048x64xf32>,
    %get3A_27 = arith.constant 0 : index
    %get3A_28 = arith.constant 0 : index
    %get3A_29 = arith.constant 0 : index
    %get3A_30 = vector.load %arg5[%get3A_27, %get3A_28, %get3A_29] : memref<1x1x2048xi32, #tpu.memory_space<vmem>>, vector<1x1x2048xi32>
    %get3A_31 = vector.shape_cast %get3A_30 : vector<1x1x2048xi32> to vector<1x2048xi32>
    %iota3A = tpu.iota {dimensions = array<i32: 0>} : vector<512x2048xi32>
    %eq3A = vector.broadcast %get3A_31 : vector<1x2048xi32> to vector<512x2048xi32>
    %eq3A_32 = arith.cmpi eq, %eq3A, %iota3A : vector<512x2048xi32>
    %convert_element_type3A_33 = arith.extui %eq3A_32 : vector<512x2048xi1> to vector<512x2048xi32>
    %convert_element_type3A_34 = arith.sitofp %convert_element_type3A_33 : vector<512x2048xi32> to vector<512x2048xf32>
    %dot_general3A_35 = arith.constant dense<0.000000e+00> : vector<512x64xf32>
    %dot_general3A_36 = tpu.matmul %convert_element_type3A_34, %max3A_24, %dot_general3A_35 {dimension_numbers = #tpu.dot_dimension_numbers<[1], [0], [0], [1], [0, 0, 1, 1], [], []>, transpose_lhs_hint = false} : vector<512x2048xf32>, vector<2048x64xf32>, vector<512x64xf32> -> vector<512x64xf32>
    %eq3A_37 = arith.constant 0 : i32
    %eq3A_38 = arith.cmpi eq, %arg0, %eq3A_37 : i32
    %convert_element_type3A_39 = arith.extui %eq3A_38 : i1 to i32
    %cond3A = arith.constant 0 : i32
    %cond3A_40 = arith.cmpi ne, %convert_element_type3A_39, %cond3A : i32
    scf.if %cond3A_40 {
      %broadcast_in_dim3A = arith.constant 0.000000e+00 : f32
      %broadcast_in_dim3A_48 = vector.broadcast %broadcast_in_dim3A : f32 to vector<512x64xf32>
      %swap3A_49 = arith.constant 0 : index
      %swap3A_50 = arith.constant 0 : index
      %swap3A_51 = vector.load %arg7[%swap3A_49, %swap3A_50] : memref<512x64xf32, #tpu.memory_space<vmem>>, vector<512x64xf32>
      tpu.vector_store %arg7[%swap3A_49, %swap3A_50], %broadcast_in_dim3A_48 {strides = array<i32>} : memref<512x64xf32, #tpu.memory_space<vmem>>, vector<512x64xf32>,
    } else {
    }
    %get3A_41 = arith.constant 0 : index
    %get3A_42 = arith.constant 0 : index
    %get3A_43 = vector.load %arg7[%get3A_41, %get3A_42] : memref<512x64xf32, #tpu.memory_space<vmem>>, vector<512x64xf32>
    %add3A_44 = arith.addf %get3A_43, %dot_general3A_36 : vector<512x64xf32>
    %swap3A_45 = arith.constant 0 : index
    %swap3A_46 = arith.constant 0 : index
    %swap3A_47 = vector.load %arg7[%swap3A_45, %swap3A_46] : memref<512x64xf32, #tpu.memory_space<vmem>>, vector<512x64xf32>
    tpu.vector_store %arg7[%swap3A_45, %swap3A_46], %add3A_44 {strides = array<i32>} : memref<512x64xf32, #tpu.memory_space<vmem>>, vector<512x64xf32>,
    return
  }
  func.func @transform_0(%arg0: i32) -> (i32, i32, i32) {
    %c0_i32 = arith.constant 0 : i32
    %c0_i32_0 = arith.constant 0 : i32
    %c0_i32_1 = arith.constant 0 : i32
    return %c0_i32, %arg0, %c0_i32_0 : i32, i32, i32
  }
  func.func @transform_1(%arg0: i32) -> (i32, i32) {
    %c0_i32 = arith.constant 0 : i32
    %c0_i32_0 = arith.constant 0 : i32
    return %arg0, %c0_i32 : i32, i32
  }
  func.func @transform_2(%arg0: i32) -> (i32, i32) {
    %c0_i32 = arith.constant 0 : i32
    %c0_i32_0 = arith.constant 0 : i32
    %c0_i32_1 = arith.constant 0 : i32
    return %c0_i32, %c0_i32_0 : i32, i32
  }
  func.func @transform_3(%arg0: i32) -> (i32, i32) {
    %c0_i32 = arith.constant 0 : i32
    %c0_i32_0 = arith.constant 0 : i32
    %c0_i32_1 = arith.constant 0 : i32
    return %c0_i32, %c0_i32_0 : i32, i32
  }
  func.func @transform_4(%arg0: i32) -> (i32, i32, i32) {
    %c0_i32 = arith.constant 0 : i32
    %c0_i32_0 = arith.constant 0 : i32
    %c0_i32_1 = arith.constant 0 : i32
    return %arg0, %c0_i32, %c0_i32_0 : i32, i32, i32
  }
  func.func @transform_5(%arg0: i32) -> (i32, i32) {
    %c0_i32 = arith.constant 0 : i32
    %c0_i32_0 = arith.constant 0 : i32
    return %arg0, %c0_i32 : i32, i32
  }
  func.func @transform_6(%arg0: i32) -> (i32, i32) {
    %c0_i32 = arith.constant 0 : i32
    %c0_i32_0 = arith.constant 0 : i32
    %c0_i32_1 = arith.constant 0 : i32
    return %c0_i32, %c0_i32_0 : i32, i32
  }
}

module attributes {stable_mosaic.version = 14 : i64} {
  func.func @_node_body(%arg0: i32, %arg1: memref<2x2048x64xbf16, #tpu.memory_space<vmem>>, %arg2: memref<2048x64xf32, #tpu.memory_space<vmem>>, %arg3: memref<64x64xf32, #tpu.memory_space<vmem>>, %arg4: memref<1x64xf32, #tpu.memory_space<vmem>>, %arg5: memref<1x1x2048xi32, #tpu.memory_space<vmem>>, %arg6: memref<2048x64xf32, #tpu.memory_space<vmem>>, %arg7: memref<512x64xf32, #tpu.memory_space<vmem>>) attributes {dimension_semantics = [#tpu.dimension_semantics<arbitrary>], iteration_bounds = array<i64: 8>, scalar_prefetch = 0 : i64, scratch_operands = 0 : i64, tpu.core_type = #tpu.core_type<tc>, window_params = [{transform_indices = @transform_0, window_bounds = array<i64: 2, 2048, 64>}, {transform_indices = @transform_1, window_bounds = array<i64: 2048, 64>}, {pipeline_mode = #tpu.pipeline_mode<synchronous>, transform_indices = @transform_2, window_bounds = array<i64: 64, 64>}, {pipeline_mode = #tpu.pipeline_mode<synchronous>, transform_indices = @transform_3, window_bounds = array<i64: 1, 64>}, {transform_indices = @transform_4, window_bounds = array<i64: 1, 1, 2048>}, {transform_indices = @transform_5, window_bounds = array<i64: 2048, 64>}, {pipeline_mode = #tpu.pipeline_mode<synchronous>, transform_indices = @transform_6, window_bounds = array<i64: 512, 64>}]} {
    %get3A = arith.constant 0 : index
    %get3A_0 = arith.constant 0 : index
    %get3A_1 = arith.constant 0 : index
    %get3A_2 = vector.load %arg1[%get3A, %get3A_0, %get3A_1] : memref<2x2048x64xbf16, #tpu.memory_space<vmem>>, vector<1x2048x64xbf16>
    %get3A_3 = vector.shape_cast %get3A_2 : vector<1x2048x64xbf16> to vector<2048x64xbf16>
    %convert_element_type3A = arith.extf %get3A_3 : vector<2048x64xbf16> to vector<2048x64xf32>
    %get3A_4 = arith.constant 1 : index
    %get3A_5 = arith.constant 0 : index
    %get3A_6 = arith.constant 0 : index
    %get3A_7 = vector.load %arg1[%get3A_4, %get3A_5, %get3A_6] : memref<2x2048x64xbf16, #tpu.memory_space<vmem>>, vector<1x2048x64xbf16>
    %get3A_8 = vector.shape_cast %get3A_7 : vector<1x2048x64xbf16> to vector<2048x64xbf16>
    %convert_element_type3A_9 = arith.extf %get3A_8 : vector<2048x64xbf16> to vector<2048x64xf32>
    %add3A = arith.addf %convert_element_type3A, %convert_element_type3A_9 : vector<2048x64xf32>
    %get3A_10 = arith.constant 0 : index
    %get3A_11 = arith.constant 0 : index
    %get3A_12 = vector.load %arg2[%get3A_10, %get3A_11] : memref<2048x64xf32, #tpu.memory_space<vmem>>, vector<2048x64xf32>
    %get3A_13 = arith.constant 0 : index
    %get3A_14 = arith.constant 0 : index
    %get3A_15 = vector.load %arg3[%get3A_13, %get3A_14] : memref<64x64xf32, #tpu.memory_space<vmem>>, vector<64x64xf32>
    %dot_general3A = arith.constant dense<0.000000e+00> : vector<2048x64xf32>
    %dot_general3A_16 = tpu.matmul %get3A_12, %get3A_15, %dot_general3A {dimension_numbers = #tpu.dot_dimension_numbers<[1], [0], [0], [1], [0, 0, 1, 1], [], []>, transpose_lhs_hint = false} : vector<2048x64xf32>, vector<64x64xf32>, vector<2048x64xf32> -> vector<2048x64xf32>
    %add3A_17 = arith.addf %add3A, %dot_general3A_16 : vector<2048x64xf32>
    %get3A_18 = arith.constant 0 : index
    %get3A_19 = arith.constant 0 : index
    %get3A_20 = vector.load %arg4[%get3A_18, %get3A_19] : memref<1x64xf32, #tpu.memory_space<vmem>>, vector<1x64xf32>
    %add3A_21 = vector.broadcast %get3A_20 : vector<1x64xf32> to vector<2048x64xf32>
    %add3A_22 = arith.addf %add3A_17, %add3A_21 : vector<2048x64xf32>
    %max3A = arith.constant 0.000000e+00 : f32
    %max3A_23 = vector.broadcast %max3A : f32 to vector<2048x64xf32>
    %max3A_24 = arith.maximumf %add3A_22, %max3A_23 : vector<2048x64xf32>
    %swap3A = arith.constant 0 : index
    %swap3A_25 = arith.constant 0 : index
    %swap3A_26 = vector.load %arg6[%swap3A, %swap3A_25] : memref<2048x64xf32, #tpu.memory_space<vmem>>, vector<2048x64xf32>
    tpu.vector_store %arg6[%swap3A, %swap3A_25], %max3A_24 {strides = array<i32>} : memref<2048x64xf32, #tpu.memory_space<vmem>>, vector<2048x64xf32>,
    %get3A_27 = arith.constant 0 : index
    %get3A_28 = arith.constant 0 : index
    %get3A_29 = arith.constant 0 : index
    %get3A_30 = vector.load %arg5[%get3A_27, %get3A_28, %get3A_29] : memref<1x1x2048xi32, #tpu.memory_space<vmem>>, vector<1x1x2048xi32>
    %get3A_31 = vector.shape_cast %get3A_30 : vector<1x1x2048xi32> to vector<1x2048xi32>
    %iota3A = tpu.iota {dimensions = array<i32: 0>} : vector<512x2048xi32>
    %eq3A = vector.broadcast %get3A_31 : vector<1x2048xi32> to vector<512x2048xi32>
    %eq3A_32 = arith.cmpi eq, %eq3A, %iota3A : vector<512x2048xi32>
    %convert_element_type3A_33 = arith.extui %eq3A_32 : vector<512x2048xi1> to vector<512x2048xi32>
    %convert_element_type3A_34 = arith.sitofp %convert_element_type3A_33 : vector<512x2048xi32> to vector<512x2048xf32>
    %dot_general3A_35 = arith.constant dense<0.000000e+00> : vector<512x64xf32>
    %dot_general3A_36 = tpu.matmul %convert_element_type3A_34, %max3A_24, %dot_general3A_35 {dimension_numbers = #tpu.dot_dimension_numbers<[1], [0], [0], [1], [0, 0, 1, 1], [], []>, transpose_lhs_hint = false} : vector<512x2048xf32>, vector<2048x64xf32>, vector<512x64xf32> -> vector<512x64xf32>
    %eq3A_37 = arith.constant 0 : i32
    %eq3A_38 = arith.cmpi eq, %arg0, %eq3A_37 : i32
    %convert_element_type3A_39 = arith.extui %eq3A_38 : i1 to i32
    %cond3A = arith.constant 0 : i32
    %cond3A_40 = arith.cmpi ne, %convert_element_type3A_39, %cond3A : i32
    scf.if %cond3A_40 {
      %broadcast_in_dim3A = arith.constant 0.000000e+00 : f32
      %broadcast_in_dim3A_48 = vector.broadcast %broadcast_in_dim3A : f32 to vector<512x64xf32>
      %swap3A_49 = arith.constant 0 : index
      %swap3A_50 = arith.constant 0 : index
      %swap3A_51 = vector.load %arg7[%swap3A_49, %swap3A_50] : memref<512x64xf32, #tpu.memory_space<vmem>>, vector<512x64xf32>
      tpu.vector_store %arg7[%swap3A_49, %swap3A_50], %broadcast_in_dim3A_48 {strides = array<i32>} : memref<512x64xf32, #tpu.memory_space<vmem>>, vector<512x64xf32>,
    } else {
    }
    %get3A_41 = arith.constant 0 : index
    %get3A_42 = arith.constant 0 : index
    %get3A_43 = vector.load %arg7[%get3A_41, %get3A_42] : memref<512x64xf32, #tpu.memory_space<vmem>>, vector<512x64xf32>
    %add3A_44 = arith.addf %get3A_43, %dot_general3A_36 : vector<512x64xf32>
    %swap3A_45 = arith.constant 0 : index
    %swap3A_46 = arith.constant 0 : index
    %swap3A_47 = vector.load %arg7[%swap3A_45, %swap3A_46] : memref<512x64xf32, #tpu.memory_space<vmem>>, vector<512x64xf32>
    tpu.vector_store %arg7[%swap3A_45, %swap3A_46], %add3A_44 {strides = array<i32>} : memref<512x64xf32, #tpu.memory_space<vmem>>, vector<512x64xf32>,
    return
  }
  func.func @transform_0(%arg0: i32) -> (i32, i32, i32) {
    %c0_i32 = arith.constant 0 : i32
    %c0_i32_0 = arith.constant 0 : i32
    %c0_i32_1 = arith.constant 0 : i32
    return %c0_i32, %arg0, %c0_i32_0 : i32, i32, i32
  }
  func.func @transform_1(%arg0: i32) -> (i32, i32) {
    %c0_i32 = arith.constant 0 : i32
    %c0_i32_0 = arith.constant 0 : i32
    return %arg0, %c0_i32 : i32, i32
  }
  func.func @transform_2(%arg0: i32) -> (i32, i32) {
    %c0_i32 = arith.constant 0 : i32
    %c0_i32_0 = arith.constant 0 : i32
    %c0_i32_1 = arith.constant 0 : i32
    return %c0_i32, %c0_i32_0 : i32, i32
  }
  func.func @transform_3(%arg0: i32) -> (i32, i32) {
    %c0_i32 = arith.constant 0 : i32
    %c0_i32_0 = arith.constant 0 : i32
    %c0_i32_1 = arith.constant 0 : i32
    return %c0_i32, %c0_i32_0 : i32, i32
  }
  func.func @transform_4(%arg0: i32) -> (i32, i32, i32) {
    %c0_i32 = arith.constant 0 : i32
    %c0_i32_0 = arith.constant 0 : i32
    %c0_i32_1 = arith.constant 0 : i32
    return %arg0, %c0_i32, %c0_i32_0 : i32, i32, i32
  }
  func.func @transform_5(%arg0: i32) -> (i32, i32) {
    %c0_i32 = arith.constant 0 : i32
    %c0_i32_0 = arith.constant 0 : i32
    return %arg0, %c0_i32 : i32, i32
  }
  func.func @transform_6(%arg0: i32) -> (i32, i32) {
    %c0_i32 = arith.constant 0 : i32
    %c0_i32_0 = arith.constant 0 : i32
    %c0_i32_1 = arith.constant 0 : i32
    return %c0_i32, %c0_i32_0 : i32, i32
  }
}

module attributes {stable_mosaic.version = 14 : i64} {
  func.func @_final_body(%arg0: memref<512x128xf32, #tpu.memory_space<vmem>>, %arg1: memref<128x256xf32, #tpu.memory_space<vmem>>, %arg2: memref<1x256xf32, #tpu.memory_space<vmem>>, %arg3: memref<512x256xf32, #tpu.memory_space<vmem>>) attributes {dimension_semantics = [], scalar_prefetch = 0 : i64, scratch_operands = 0 : i64, tpu.core_type = #tpu.core_type<tc>} {
    %get3A = arith.constant 0 : index
    %get3A_0 = arith.constant 0 : index
    %get3A_1 = vector.load %arg0[%get3A, %get3A_0] : memref<512x128xf32, #tpu.memory_space<vmem>>, vector<512x128xf32>
    %get3A_2 = arith.constant 0 : index
    %get3A_3 = arith.constant 0 : index
    %get3A_4 = vector.load %arg1[%get3A_2, %get3A_3] : memref<128x256xf32, #tpu.memory_space<vmem>>, vector<128x256xf32>
    %dot_general3A = arith.constant dense<0.000000e+00> : vector<512x256xf32>
    %dot_general3A_5 = tpu.matmul %get3A_1, %get3A_4, %dot_general3A {dimension_numbers = #tpu.dot_dimension_numbers<[1], [0], [0], [1], [0, 0, 1, 1], [], []>, transpose_lhs_hint = false} : vector<512x128xf32>, vector<128x256xf32>, vector<512x256xf32> -> vector<512x256xf32>
    %get3A_6 = arith.constant 0 : index
    %get3A_7 = arith.constant 0 : index
    %get3A_8 = vector.load %arg2[%get3A_6, %get3A_7] : memref<1x256xf32, #tpu.memory_space<vmem>>, vector<1x256xf32>
    %add3A = vector.broadcast %get3A_8 : vector<1x256xf32> to vector<512x256xf32>
    %add3A_9 = arith.addf %dot_general3A_5, %add3A : vector<512x256xf32>
    %swap3A = arith.constant 0 : index
    %swap3A_10 = arith.constant 0 : index
    %swap3A_11 = vector.load %arg3[%swap3A, %swap3A_10] : memref<512x256xf32, #tpu.memory_space<vmem>>, vector<512x256xf32>
    tpu.vector_store %arg3[%swap3A, %swap3A_10], %add3A_9 {strides = array<i32>} : memref<512x256xf32, #tpu.memory_space<vmem>>, vector<512x256xf32>,
    return
  }
}

</mosaic_0001>

<sc_bundles>
// kernel: kernel.11.cloned.1.call-start
scs
__scs_entry_jumppad:
0x0: {  	(pc) =	sbr.rel $0x88, $3  }
0x1: {  	(tag) =	ssettag $0x0;
	lr =	simm.s32 $0x1  }
0x2: {  	[smem:$0x3F8F] =	sst lr;
	_ =	strace $0xD0000000  }
0x3: {  	_ = 	snop  }
0x4: {  	_ = 	snop  }
0x5: {  	_ = 	snop  }
0x6: {  	_ = 	snop  }
0x7: {  	_ = 	snop  }
__scs_overlays_trampoline_lowered:
0x8: {  	[smem:$0x3F9E] =	sst s0  }
0x9: {  	[smem:$0x3F9F] =	sst s1  }
0xa: {  	[smem:$0x3FA0] =	sst s2  }
0xb: {  	[smem:$0x3FA1] =	sst s3  }
0xc: {  	[smem:$0x3FA2] =	sst s4  }
0xd: {  	[smem:$0x3FA3] =	sst s5  }
0xe: {  	[smem:$0x3FA4] =	sst s6  }
0xf: {  	[smem:$0x3FA5] =	sst s7  }
0x10: {  	[smem:$0x3FA6] =	sst s8  }
0x11: {  	[smem:$0x3FA7] =	sst s9;
	s0 =	simm.s32 @!p0 $0x0  }
0x12: {  	s1 =	sld [smem:$0x3F8D];
	s0 =	simm.s32 @p0 $0x1  }
0x13: {  	[smem:$0x3FA8] =	sst s0;
	s0 =	simm.s32 @!p1 $0x0  }
0x14: {  	s2 =	sld [smem:$0x3F8C];
	s0 =	simm.s32 @p1 $0x1  }
0x15: {  	[smem:$0x3FA9] =	sst s0;
	s0 =	simm.s32 @!p2 $0x0  }
0x16: {  	s3 =	sld [smem:$0x3FDB];
	s0 =	simm.s32 @p2 $0x1  }
0x17: {  	s4 =	simm.s32 $0x1BF5;
	[smem:$0x3FAB] =	sst s0  }
0x18: {  	s0 =	sld [smem:$0x3F8E];
	_ =	swait.ge [sflag:s4], $0x0  }
0x19: {  	s7 =	sld [smem:$0x3F8F]  }
0x1a: {  	s8 =	sadd.s32 $0xFFFFE003, lr  }
0x1b: {  	s9 =	sadd.s32 $0xFFFFFEF7, lr;
	s5 =	simm.s32 $0xFFFFFFFF;
	p2 =	slt.u32 s8, $0xFFFFF086  }
0x1c: {  	p1 =	slt.u32 s9, $0xF7A;
	s5 =	simm.s32 @!p2 $0x0  }
0x1d: {  	s5 =	simm.s32 @p1 $0x1;
	p0 =	seq.s32 s7, s2  }
0x1e: {  	s7 =	smul.u32 @!p0 $0xF7A, s2;
	p2 =	seq.s32 @!p0 s5, $0x0  }
0x1f: {  	s9 =	smul.u32 $0xF7A, s1;
	s8 =	simm.s32 @!p0 $0x1BF5;
	p2 =	por !p2, p0  }
0x20: {  	[sflag:s8] =	ssyncset.s32 @!p0 $0xFFFFF086;
	s6 =	sadd.s32 @!p0 s3, s7;
	s7 =	simm.s32 @!p0 $0x108  }
0x21: {  	s3 =	sadd.s32 s3, s9;
	s6 =	sadd.s32 @!p0 $0x88, s6;
	s7 =	simm.s32 @p2 $0x1082  }
0x22: {  	[simem:s7], [sflag:s8] =	dma.local @!p0 [hbm:s6], $0xF7A  }
0x23: {  	s9 =	sor.u32 $0xD0000000, s2;
	s6 =	simm.s32 $0x108;
	_ =	swait.ge @!p0 [sflag:s8], $0x0  }
0x24: {  	s3 =	sadd.s32 $0x88, s3;
	s6 =	simm.s32 @!p1 $0x1082;
	[sflag:s4] =	ssyncset.s32 $0xFFFFF086  }
0x25: {  	[simem:s6], [sflag:s4] =	dma.local [hbm:s3], $0xF7A  }
0x26: {  	[smem:$0x3F8F] =	sst s1;
	(tag) =	ssettag s2;
	_ =	strace s9  }
0x27: {  	s1 =	sld [smem:$0x3F9F]  }
0x28: {  	s2 =	sld [smem:$0x3FA0]  }
0x29: {  	s4 =	sld [smem:$0x3FA2]  }
0x2a: {  	p0 =	seq.s32 s5, $0x0;
	s5 =	sld [smem:$0x3FA3]  }
0x2b: {  	s6 =	sld [smem:$0x3FA4]  }
0x2c: {  	s7 =	sld [smem:$0x3FA5]  }
0x2d: {  	s3 =	simm.s32 $0x108;
	s8 =	sld [smem:$0x3FA6]  }
0x2e: {  	s3 =	simm.s32 @!p0 $0x1082;
	s9 =	sld [smem:$0x3FA7]  }
0x2f: {  	lr =	sadd.s32 s0, s3;
	s0 =	sld [smem:$0x3F9E]  }
0x30: {  	s3 =	sld [smem:$0x3FA1]  }
0x31: {  	[smem:$0x3FAA] =	sst s10  }
0x32: {  	s10 =	sld [smem:$0x3FA8];
	_ =	sdelay $0x3  }
0x33: {  	p0 =	seq.s32 s10, $0x1;
	s10 =	sld [smem:$0x3FAA];
	_ =	sdelay $0x3  }
0x34: {  	[smem:$0x3FAA] =	sst s10  }
0x35: {  	s10 =	sld [smem:$0x3FA9];
	_ =	sdelay $0x3  }
0x36: {  	p1 =	seq.s32 s10, $0x1;
	s10 =	sld [smem:$0x3FAA];
	_ =	sdelay $0x3  }
0x37: {  	[smem:$0x3FAA] =	sst s10  }
0x38: {  	s10 =	sld [smem:$0x3FAB]  }
0x39: {  	_ = 	snop;
	(pc) =	sbr.ind lr, $3  }
0x3a: {  	_ = 	snop  }
0x3b: {  	_ = 	snop  }
0x3c: {  	p2 =	seq.s32 s10, $0x1;
	s10 =	sld [smem:$0x3FAA]  }
0x3d: {  	_ =	shalt  }
0x3e: {  	_ =	shalt  }
0x3f: {  	_ =	shalt  }
0x40: {  	_ =	shalt  }
0x41: {  	_ =	shalt  }
0x42: {  	_ =	shalt  }
0x43: {  	_ =	shalt  }
0x44: {  	_ =	shalt  }
0x45: {  	_ =	shalt  }
0x46: {  	_ =	shalt  }
0x47: {  	_ =	shalt  }
0x48: {  	_ =	shalt  }
0x49: {  	_ =	shalt  }
0x4a: {  	_ =	shalt  }
0x4b: {  	_ =	shalt  }
0x4c: {  	_ =	shalt  }
0x4d: {  	_ =	shalt  }
0x4e: {  	_ =	shalt  }
0x4f: {  	_ =	shalt  }
0x50: {  	_ =	shalt  }
0x51: {  	_ =	shalt  }
0x52: {  	_ =	shalt  }
0x53: {  	_ =	shalt  }
0x54: {  	_ =	shalt  }
0x55: {  	_ =	shalt  }
0x56: {  	_ =	shalt  }
0x57: {  	_ =	shalt  }
0x58: {  	_ =	shalt  }
0x59: {  	_ =	shalt  }
0x5a: {  	_ =	shalt  }
0x5b: {  	_ =	shalt  }
0x5c: {  	_ =	shalt  }
0x5d: {  	_ =	shalt  }
0x5e: {  	_ =	shalt  }
0x5f: {  	_ =	shalt  }
0x60: {  	_ =	shalt  }
0x61: {  	_ =	shalt  }
0x62: {  	_ =	shalt  }
0x63: {  	_ =	shalt  }
0x64: {  	_ =	shalt  }
0x65: {  	_ =	shalt  }
0x66: {  	_ =	shalt  }
0x67: {  	_ =	shalt  }
0x68: {  	_ =	shalt  }
0x69: {  	_ =	shalt  }
0x6a: {  	_ =	shalt  }
0x6b: {  	_ =	shalt  }
0x6c: {  	_ =	shalt  }
0x6d: {  	_ =	shalt  }
0x6e: {  	_ =	shalt  }
0x6f: {  	_ =	shalt  }
0x70: {  	_ =	shalt  }
0x71: {  	_ =	shalt  }
0x72: {  	_ =	shalt  }
0x73: {  	_ =	shalt  }
0x74: {  	_ =	shalt  }
0x75: {  	_ =	shalt  }
0x76: {  	_ =	shalt  }
0x77: {  	_ =	shalt  }
0x78: {  	_ =	shalt  }
0x79: {  	_ =	shalt  }
0x7a: {  	_ =	shalt  }
0x7b: {  	_ =	shalt  }
0x7c: {  	_ =	shalt  }
0x7d: {  	_ =	shalt  }
0x7e: {  	_ =	shalt  }
0x7f: {  	_ =	shalt  }
0x80: {  	_ =	shalt  }
0x81: {  	_ =	shalt  }
0x82: {  	_ =	shalt  }
0x83: {  	_ =	shalt  }
0x84: {  	_ =	shalt  }
0x85: {  	_ =	shalt  }
0x86: {  	_ =	shalt  }
0x87: {  	_ =	shalt  }
.Lfunc_end0:
.L_simem_size_0:
called_computation_lowered:
.L_overlay_start_0:
0x88: {  	s2 =	sld [smem:$0x3FD9]  }
0x89: {  	s3 =	sld [smem:$0x3FFE];
	_ =	sdelay $0x1  }
0x8a: {  	s1 =	srdreg.scid  }
0x8b: {  	s0 =	sand.u32 $0x1, s1  }
0x8c: {  	s16 =	sshll.u32 s0, $0xA;
	s2 =	sadd.s32 s3, s2  }
0x8d: {  	s2 =	sadd.s32 s2, s16  }
0x8e: {  	[smem:$0x3FB6] =	sst s2  }
0x8f: {  	_ = 	snop  }
0x90: {  	(tm) =	ssettm $0x1  }
0x91: {  	s17 =	sld [smem:$0x3FFB];
	_ =	sdelay $0x3  }
0x92: {  	_ =	strace s17  }
0x93: {  	s2 =	sld [smem:$0x3FFC];
	_ =	sdelay $0x3  }
0x94: {  	_ =	strace s2  }
0x95: {  	s2 =	sld [smem:$0x3FFD];
	_ =	sdelay $0x3  }
0x96: {  	_ =	strace s2  }
0x97: {  	_ =	strace $0x8FFFFFFF  }
0x98: {  	s18 =	sld [smem:$0x3FDB];
	_ =	sdelay $0x1  }
0x99: {  	s19 =	simm.s32 $_scs_section_size  }
0x9a: {  	s4 =	simm.s32 $_size__tile_overlayer_lowered;
	s5 =	simm.s32 $_tile_overlayer_lowered  }
0x9b: {  	s22 =	simm.s32 $0x1BFF;
	s21 =	sshll.u32 s5, $0x1;
	s2 =	sadd.s32 s19, s18  }
0x9c: {  	s6 =	simm.s32 $0x0;
	s20 =	sshll.u32 s4, $0x1;
	s4 =	sadd.s32 s21, s2  }
0x9d: {  	[timem:s6], [sflag:s22] =	dma.local [hbm:s4], s20  }
0x9e: {  	_ =	swait.ge [sflag:s22], s20  }
0x9f: {  	s3 =	ssub.s32 $0x0, s20;
	[sflag:s22] =	ssyncset.done $0x0  }
0xa0: {  	[sflag:s22] =	ssyncadd.s32 s3;
	_ =	sdelay $0x1  }
0xa1: {  	s23 =	simm.s32 $0x1B8B  }
0xa2: {  	_ =	swait.ge [sflag:s23], $0x1  }
0xa3: {  	[sflag:s23] =	ssyncset.done $0x0  }
0xa4: {  	s25 =	simm.s32 $0x1B8E;
	s24 =	sld [smem:$0x3FFE];
	[sflag:s23] =	ssyncadd.s32 $0xFFFFFFFF  }
0xa5: {  	s26 =	simm.s32 $execute0_lowered;
	[smem:$0x3FD2] =	sst s25  }
0xa6: {  	s4 =	sshll.u32 s26, $0x1;
	_ =	strace $0x80000046;
	[dreg:$0x1] =	wrdreg $0xFFFFFFFF  }
0xa7: {  	s28 =	simm.s32 $_size_execute0_lowered;
	s2 =	sadd.s32 s2, s4;
	[dreg:$0x0] =	wrdreg $0x0  }
0xa8: {  	s4 =	sshll.u32 s28, $0x1;
	[dreg:$0x2] =	wrdreg s2  }
0xa9: {  	[dreg:$0x3] =	wrdreg s4  }
0xaa: {  	[dreg:$0x4] =	wrdreg $0xC0  }
0xab: {  	_ =	task [dreg:s6], $0x5FFFF  }
0xac: {  	[dreg:$0x1] =	wrdreg $0xFFFFFFFF  }
0xad: {  	[dreg:$0x0] =	wrdreg $0x60  }
0xae: {  	[dreg:$0x2] =	wrdreg s24  }
0xaf: {  	[dreg:$0x3] =	wrdreg $0x9  }
0xb0: {  	_ =	task.clear_ibuf [dreg:s6], $0x4FFFF;
	_ =	strace $0x90000046  }
0xb1: {  	s29 =	simm.s32 $0x9;
	_ =	strace $0x80000048  }
0xb2: {  	_ =	swait.ge [sflag:s29], $0x1  }
0xb3: {  	[sflag:s29] =	ssyncadd.s32 $0xFFFFFFFF  }
0xb4: {  	_ =	strace $0x90000048  }
0xb5: {  	_ =	sfence  }
0xb6: {  	s30 =	sld [smem:$0x0];
	_ =	sdelay $0x2  }
0xb7: {  	s31 =	sshll.u32 s1, $0xD;
	s1 =	sshrl.u32 s1, $0x2  }
0xb8: {  	s3 =	sand.u32 $0x4000, s31;
	s1 =	sadd.s32 s1, s30  }
0xb9: {  	s0 =	sor.u32 s3, s0;
	s1 =	sshll.u32 s1, $0x11  }
0xba: {  	s0 =	sor.u32 s1, s0  }
0xbb: {  	s0 =	sadd.s32 $0x8F2B, s0  }
0xbc: {  	[sflag:s0] =	ssyncadd.remote.s32 $0x1  }
0xbd: {  	_ =	sfence.sel $0xFFFF  }
0xbe: {  	[dreg:$0x0] =	wrdreg $0xFFFFFFFF;
	(pc) =	sbr.abs _section_cstart, $3  }
0xbf: {  	[dreg:$0x1] =	wrdreg $0xFFFFFFFF  }
0xc0: {  	_ =	task.clear_ibuf [dreg:s6], $0x2FFFF;
	_ =	strace $0x9FFFFFFF  }
0xc1: {  	(tm) =	ssettm $0x7FFFFFFF  }
tec
execute0_lowered:
.L_overlay_start_1:
0x0: {  	(tag) =	ssettag $0x1  }
0x1: {  	s1 =	srdreg.scid  }
0x2: {  	s0 =	stileid.u32;
	s23 =	sand.u32 $0x1, s1  }
0x3: {  	s31 =	sshll.u32 s0, $0xB;
	s2 =	sshll.u32 s23, $0xA  }
0x4: {  	s22 =	rddreg [dreg:$0x0];
	s24 =	sor.u32 s2, s31  }
0x5: {  	s1 =	rddreg [dreg:$0x1];
	s2 =	simm.s32 $0x0;
	s3 =	sshrl.u32 s24, $0x3  }
0x6: {  	[smem:$0x7FF] =	sst s2;
	s3 =	sadd.s32 s3, s22  }
0x7: {  	_ =	strace $0x80000047;
	s4 =	sadd.s32 $0x3A00, s3;
	s3 =	simm.s32 $0x2  }
0x8: {  	[tilespmem:s2], [sflag:$0x2] =	stream.linear.gather [hbm4b:s4+s2], $0x400, $0x38;
	[tilespmem:$0x10400] =	vst v63  }
0x9: {  	_ =	swait.ge [sflag:s3], $0x400  }
0xa: {  	s6 =	simm.s32 $0x80;
	[sflag:s3] =	ssyncset.done $0x0  }
0xb: {  	s7 =	simm.s32 $0x400;
	s5 =	sadd.s32 $0x44A00, s22;
	[sflag:s3] =	ssyncadd.s32 $0xFFFFFC00  }
0xc: {  	[tilespmem:s7], [sflag:$0x1] =	stream.indirect.gather [hbm4b:s5+s6], $0x40, s2, s6, $0xb8;
	[tilespmem:$0x10400] =	vst v63  }
0xd: {  	s8 =	simm.s32 $0x2400  }
0xe: {  	[tilespmem:s8], [sflag:$0x1] =	stream.indirect.gather [hbm4b:s5+s6], $0x40, s6, s6, $0xb8;
	[tilespmem:$0x10400] =	vst v63  }
0xf: {  	s9 =	simm.s32 $0x100;
	s10 =	simm.s32 $0x4400  }
0x10: {  	[tilespmem:s10], [sflag:$0x1] =	stream.indirect.gather [hbm4b:s5+s6], $0x40, s9, s6, $0xb8;
	[tilespmem:$0x10400] =	vst v63  }
0x11: {  	s11 =	simm.s32 $0x180;
	s12 =	simm.s32 $0x6400  }
0x12: {  	[tilespmem:s12], [sflag:$0x1] =	stream.indirect.gather [hbm4b:s5+s6], $0x40, s11, s6, $0xb8;
	[tilespmem:$0x10400] =	vst v63  }
0x13: {  	s13 =	simm.s32 $0x200;
	s14 =	simm.s32 $0x8400  }
0x14: {  	[tilespmem:s14], [sflag:$0x1] =	stream.indirect.gather [hbm4b:s5+s6], $0x40, s13, s6, $0xb8;
	[tilespmem:$0x10400] =	vst v63  }
0x15: {  	s15 =	simm.s32 $0x280;
	s16 =	simm.s32 $0xA400  }
0x16: {  	[tilespmem:s16], [sflag:$0x1] =	stream.indirect.gather [hbm4b:s5+s6], $0x40, s15, s6, $0xb8;
	[tilespmem:$0x10400] =	vst v63  }
0x17: {  	s17 =	simm.s32 $0x300;
	s18 =	simm.s32 $0xC400  }
0x18: {  	[tilespmem:s18], [sflag:$0x1] =	stream.indirect.gather [hbm4b:s5+s6], $0x40, s17, s6, $0xb8;
	[tilespmem:$0x10400] =	vst v63  }
0x19: {  	s19 =	simm.s32 $0x380;
	s20 =	simm.s32 $0xE400;
	s21 =	simm.s32 $0x1  }
0x1a: {  	[tilespmem:s20], [sflag:$0x1] =	stream.indirect.gather [hbm4b:s5+s6], $0x40, s19, s6, $0xb8;
	[tilespmem:$0x10400] =	vst v63  }
0x1b: {  	_ =	swait.ge [sflag:s21], $0x2000  }
0x1c: {  	[sflag:s21] =	ssyncset.done $0x0  }
0x1d: {  	[sflag:s21] =	ssyncadd.s32 $0xFFFFE000  }
0x1e: {  	_ =	swait.ge [sflag:s21], $0x2000  }
0x1f: {  	[sflag:s21] =	ssyncset.done $0x0  }
0x20: {  	[sflag:s21] =	ssyncadd.s32 $0xFFFFE000  }
0x21: {  	_ =	swait.ge [sflag:s21], $0x2000  }
0x22: {  	[sflag:s21] =	ssyncset.done $0x0  }
0x23: {  	[sflag:s21] =	ssyncadd.s32 $0xFFFFE000  }
0x24: {  	_ =	swait.ge [sflag:s21], $0x2000  }
0x25: {  	[sflag:s21] =	ssyncset.done $0x0  }
0x26: {  	[sflag:s21] =	ssyncadd.s32 $0xFFFFE000  }
0x27: {  	_ =	swait.ge [sflag:s21], $0x2000  }
0x28: {  	[sflag:s21] =	ssyncset.done $0x0  }
0x29: {  	[sflag:s21] =	ssyncadd.s32 $0xFFFFE000  }
0x2a: {  	_ =	swait.ge [sflag:s21], $0x2000  }
0x2b: {  	[sflag:s21] =	ssyncset.done $0x0  }
0x2c: {  	s23 =	ssub.s32 $0x2, s23;
	[sflag:s21] =	ssyncadd.s32 $0xFFFFE000  }
0x2d: {  	s25 =	sshrl.u32 s23, $0x1;
	_ =	swait.ge [sflag:s21], $0x2000  }
0x2e: {  	s23 =	ssub.s32 s23, s25;
	[sflag:s21] =	ssyncset.done $0x0  }
0x2f: {  	s23 =	smax.u32 s23, $0x1;
	[sflag:s21] =	ssyncadd.s32 $0xFFFFE000  }
0x30: {  	s24 =	sshll.u32 s24, $0x3;
	p0 =	sne.s32 s23, $0x1;
	_ =	swait.ge [sflag:s21], $0x2000  }
.Ltmp0:
0x31: {  	s22 =	sadd.s32 s24, s22;
	[sflag:s21] =	ssyncset.done $0x0;
	(pc) =	sbr.rel @!p0 .LBB2_2-.Ltmp0, $4  }
0x32: {  	s22 =	sadd.s32 $0x64A00, s22;
	[sflag:s21] =	ssyncadd.s32 $0xFFFFE000  }
0x33: {  	[hbm4b:s22+s2] =	stream.linear.scatter [tilespmem:s7], [sflag:$0x2], $0x10000, $0x38;
	[tilespmem:$0x10400] =	vst v63  }
0x34: {  	_ =	swait.ge [sflag:s3], $0x10000  }
0x35: {  	s23 =	sadd.s32 $0xFFFFFFFF, s23;
	[sflag:s3] =	ssyncset.done $0x0  }
.LBB2_1:
0x36: {  	p0 =	sne.s32 s23, $0x1;
	s23 =	sadd.s32 $0xFFFFFFFF, s23;
	[sflag:s3] =	ssyncadd.s32 $0xFFFF0000  }
0x37: {  	[tilespmem:s2], [sflag:$0x2] =	stream.linear.gather [hbm4b:s4+s2], $0x400, $0x38;
	[tilespmem:$0x10400] =	vst v63  }
0x38: {  	_ =	swait.ge [sflag:s3], $0x400  }
0x39: {  	[sflag:s3] =	ssyncset.done $0x0  }
0x3a: {  	[sflag:s3] =	ssyncadd.s32 $0xFFFFFC00  }
0x3b: {  	[tilespmem:s7], [sflag:$0x1] =	stream.indirect.gather [hbm4b:s5+s6], $0x40, s2, s6, $0xb8;
	[tilespmem:$0x10400] =	vst v63  }
0x3c: {  	_ = 	snop  }
0x3d: {  	[tilespmem:s8], [sflag:$0x1] =	stream.indirect.gather [hbm4b:s5+s6], $0x40, s6, s6, $0xb8;
	[tilespmem:$0x10400] =	vst v63  }
0x3e: {  	_ = 	snop  }
0x3f: {  	[tilespmem:s10], [sflag:$0x1] =	stream.indirect.gather [hbm4b:s5+s6], $0x40, s9, s6, $0xb8;
	[tilespmem:$0x10400] =	vst v63  }
0x40: {  	_ = 	snop  }
0x41: {  	[tilespmem:s12], [sflag:$0x1] =	stream.indirect.gather [hbm4b:s5+s6], $0x40, s11, s6, $0xb8;
	[tilespmem:$0x10400] =	vst v63  }
0x42: {  	_ = 	snop  }
0x43: {  	[tilespmem:s14], [sflag:$0x1] =	stream.indirect.gather [hbm4b:s5+s6], $0x40, s13, s6, $0xb8;
	[tilespmem:$0x10400] =	vst v63  }
0x44: {  	_ = 	snop  }
0x45: {  	[tilespmem:s16], [sflag:$0x1] =	stream.indirect.gather [hbm4b:s5+s6], $0x40, s15, s6, $0xb8;
	[tilespmem:$0x10400] =	vst v63  }
0x46: {  	_ = 	snop  }
0x47: {  	[tilespmem:s18], [sflag:$0x1] =	stream.indirect.gather [hbm4b:s5+s6], $0x40, s17, s6, $0xb8;
	[tilespmem:$0x10400] =	vst v63  }
0x48: {  	_ = 	snop  }
0x49: {  	[tilespmem:s20], [sflag:$0x1] =	stream.indirect.gather [hbm4b:s5+s6], $0x40, s19, s6, $0xb8;
	[tilespmem:$0x10400] =	vst v63  }
0x4a: {  	_ =	swait.ge [sflag:s21], $0x2000  }
0x4b: {  	[sflag:s21] =	ssyncset.done $0x0  }
0x4c: {  	[sflag:s21] =	ssyncadd.s32 $0xFFFFE000  }
0x4d: {  	_ =	swait.ge [sflag:s21], $0x2000  }
0x4e: {  	[sflag:s21] =	ssyncset.done $0x0  }
0x4f: {  	[sflag:s21] =	ssyncadd.s32 $0xFFFFE000  }
0x50: {  	_ =	swait.ge [sflag:s21], $0x2000  }
0x51: {  	[sflag:s21] =	ssyncset.done $0x0  }
0x52: {  	[sflag:s21] =	ssyncadd.s32 $0xFFFFE000  }
0x53: {  	_ =	swait.ge [sflag:s21], $0x2000  }
0x54: {  	[sflag:s21] =	ssyncset.done $0x0  }
0x55: {  	[sflag:s21] =	ssyncadd.s32 $0xFFFFE000  }
0x56: {  	_ =	swait.ge [sflag:s21], $0x2000  }
0x57: {  	[sflag:s21] =	ssyncset.done $0x0  }
0x58: {  	[sflag:s21] =	ssyncadd.s32 $0xFFFFE000  }
0x59: {  	_ =	swait.ge [sflag:s21], $0x2000  }
0x5a: {  	[sflag:s21] =	ssyncset.done $0x0  }
0x5b: {  	[sflag:s21] =	ssyncadd.s32 $0xFFFFE000  }
0x5c: {  	_ =	swait.ge [sflag:s21], $0x2000  }
0x5d: {  	[sflag:s21] =	ssyncset.done $0x0  }
0x5e: {  	[sflag:s21] =	ssyncadd.s32 $0xFFFFE000  }
0x5f: {  	_ =	swait.ge [sflag:s21], $0x2000  }
.Ltmp1:
0x60: {  	[sflag:s21] =	ssyncset.done $0x0;
	(pc) =	sbr.rel @p0 .LBB2_1-.Ltmp1, $4  }
0x61: {  	[sflag:s21] =	ssyncadd.s32 $0xFFFFE000  }
0x62: {  	[hbm4b:s22+s2] =	stream.linear.scatter [tilespmem:s7], [sflag:$0x2], $0x10000, $0x38;
	[tilespmem:$0x10400] =	vst v63  }
0x63: {  	_ =	swait.ge [sflag:s3], $0x10000  }
0x64: {  	[sflag:s3] =	ssyncset.done $0x0  }
.LBB2_2:
0x65: {  	[sflag:s3] =	ssyncadd.s32 $0xFFFF0000  }
0x66: {  	_ =	sfence.sel $0x180000  }
0x67: {  	[bflag:$0x0] =	sbarrier.arrive $0xFFFF  }
0x68: {  	p0 =	sne.s32 s0, $0x0;
	_ =	strace $0x90000047  }
0x69: {  	s0 =	sadd.s32 @!p0 $0x100000, s1;
	[bflag:$0x2] =	sbarrier.arrive $0xFFFF  }
0x6a: {  	[sflag:s0] =	ssyncadd.tile.s32 @!p0 $0x1;
	_ =	shalt  }
.Lfunc_end2:
_tile_overlayer_lowered:
.L_overlay_start_2:
0x6b: {  	(tag) =	ssettag $0x2  }
0x6c: {  	s0 =	rddreg [dreg:$0x0];
	s2 =	stileid.u32  }
0x6d: {  	s1 =	rddreg [dreg:$0x1];
	p0 =	sne.s32 s2, $0x0  }
0x6e: {  	s3 =	rddreg [dreg:$0x2];
	[bflag:$0x3] =	sbarrier.arrive $0xFFFF;
	s2 =	simm.s32 @!p0 $0x1C02  }
0x6f: {  	[timem:s3], [sflag:s2] =	dma.local @!p0 [hbm:s0], s1  }
0x70: {  	s0 =	simm.s32 @!p0 $0x2  }
0x71: {  	_ =	swait.ge @!p0 [sflag:s0], s1  }
0x72: {  	s1 =	ssub.s32 @!p0 $0x0, s1;
	[sflag:s0] =	ssyncset.done @!p0 $0x0  }
0x73: {  	[sflag:s0] =	ssyncadd.s32 @!p0 s1  }
0x74: {  	[bflag:$0x3] =	sbarrier.arrive $0xFFFF  }
0x75: {  	_ =	shalt  }

// kernel: kernel.14.cloned.1.call-start
scs
__scs_entry_jumppad:
0x0: {  	(pc) =	sbr.rel $0x88, $3  }
0x1: {  	(tag) =	ssettag $0x0;
	lr =	simm.s32 $0x1  }
0x2: {  	[smem:$0x3F8F] =	sst lr;
	_ =	strace $0xD0000000  }
0x3: {  	_ = 	snop  }
0x4: {  	_ = 	snop  }
0x5: {  	_ = 	snop  }
0x6: {  	_ = 	snop  }
0x7: {  	_ = 	snop  }
__scs_overlays_trampoline_lowered:
0x8: {  	[smem:$0x3F9E] =	sst s0  }
0x9: {  	[smem:$0x3F9F] =	sst s1  }
0xa: {  	[smem:$0x3FA0] =	sst s2  }
0xb: {  	[smem:$0x3FA1] =	sst s3  }
0xc: {  	[smem:$0x3FA2] =	sst s4  }
0xd: {  	[smem:$0x3FA3] =	sst s5  }
0xe: {  	[smem:$0x3FA4] =	sst s6  }
0xf: {  	[smem:$0x3FA5] =	sst s7  }
0x10: {  	[smem:$0x3FA6] =	sst s8  }
0x11: {  	[smem:$0x3FA7] =	sst s9;
	s0 =	simm.s32 @!p0 $0x0  }
0x12: {  	s1 =	sld [smem:$0x3F8D];
	s0 =	simm.s32 @p0 $0x1  }
0x13: {  	[smem:$0x3FA8] =	sst s0;
	s0 =	simm.s32 @!p1 $0x0  }
0x14: {  	s2 =	sld [smem:$0x3F8C];
	s0 =	simm.s32 @p1 $0x1  }
0x15: {  	[smem:$0x3FA9] =	sst s0;
	s0 =	simm.s32 @!p2 $0x0  }
0x16: {  	s3 =	sld [smem:$0x3FDB];
	s0 =	simm.s32 @p2 $0x1  }
0x17: {  	s4 =	simm.s32 $0x1BF5;
	[smem:$0x3FAB] =	sst s0  }
0x18: {  	s0 =	sld [smem:$0x3F8E];
	_ =	swait.ge [sflag:s4], $0x0  }
0x19: {  	s7 =	sld [smem:$0x3F8F]  }
0x1a: {  	s8 =	sadd.s32 $0xFFFFE003, lr  }
0x1b: {  	s9 =	sadd.s32 $0xFFFFFEF7, lr;
	s5 =	simm.s32 $0xFFFFFFFF;
	p2 =	slt.u32 s8, $0xFFFFF086  }
0x1c: {  	p1 =	slt.u32 s9, $0xF7A;
	s5 =	simm.s32 @!p2 $0x0  }
0x1d: {  	s5 =	simm.s32 @p1 $0x1;
	p0 =	seq.s32 s7, s2  }
0x1e: {  	s7 =	smul.u32 @!p0 $0xF7A, s2;
	p2 =	seq.s32 @!p0 s5, $0x0  }
0x1f: {  	s9 =	smul.u32 $0xF7A, s1;
	s8 =	simm.s32 @!p0 $0x1BF5;
	p2 =	por !p2, p0  }
0x20: {  	[sflag:s8] =	ssyncset.s32 @!p0 $0xFFFFF086;
	s6 =	sadd.s32 @!p0 s3, s7;
	s7 =	simm.s32 @!p0 $0x108  }
0x21: {  	s3 =	sadd.s32 s3, s9;
	s6 =	sadd.s32 @!p0 $0x88, s6;
	s7 =	simm.s32 @p2 $0x1082  }
0x22: {  	[simem:s7], [sflag:s8] =	dma.local @!p0 [hbm:s6], $0xF7A  }
0x23: {  	s9 =	sor.u32 $0xD0000000, s2;
	s6 =	simm.s32 $0x108;
	_ =	swait.ge @!p0 [sflag:s8], $0x0  }
0x24: {  	s3 =	sadd.s32 $0x88, s3;
	s6 =	simm.s32 @!p1 $0x1082;
	[sflag:s4] =	ssyncset.s32 $0xFFFFF086  }
0x25: {  	[simem:s6], [sflag:s4] =	dma.local [hbm:s3], $0xF7A  }
0x26: {  	[smem:$0x3F8F] =	sst s1;
	(tag) =	ssettag s2;
	_ =	strace s9  }
0x27: {  	s1 =	sld [smem:$0x3F9F]  }
0x28: {  	s2 =	sld [smem:$0x3FA0]  }
0x29: {  	s4 =	sld [smem:$0x3FA2]  }
0x2a: {  	p0 =	seq.s32 s5, $0x0;
	s5 =	sld [smem:$0x3FA3]  }
0x2b: {  	s6 =	sld [smem:$0x3FA4]  }
0x2c: {  	s7 =	sld [smem:$0x3FA5]  }
0x2d: {  	s3 =	simm.s32 $0x108;
	s8 =	sld [smem:$0x3FA6]  }
0x2e: {  	s3 =	simm.s32 @!p0 $0x1082;
	s9 =	sld [smem:$0x3FA7]  }
0x2f: {  	lr =	sadd.s32 s0, s3;
	s0 =	sld [smem:$0x3F9E]  }
0x30: {  	s3 =	sld [smem:$0x3FA1]  }
0x31: {  	[smem:$0x3FAA] =	sst s10  }
0x32: {  	s10 =	sld [smem:$0x3FA8];
	_ =	sdelay $0x3  }
0x33: {  	p0 =	seq.s32 s10, $0x1;
	s10 =	sld [smem:$0x3FAA];
	_ =	sdelay $0x3  }
0x34: {  	[smem:$0x3FAA] =	sst s10  }
0x35: {  	s10 =	sld [smem:$0x3FA9];
	_ =	sdelay $0x3  }
0x36: {  	p1 =	seq.s32 s10, $0x1;
	s10 =	sld [smem:$0x3FAA];
	_ =	sdelay $0x3  }
0x37: {  	[smem:$0x3FAA] =	sst s10  }
0x38: {  	s10 =	sld [smem:$0x3FAB]  }
0x39: {  	_ = 	snop;
	(pc) =	sbr.ind lr, $3  }
0x3a: {  	_ = 	snop  }
0x3b: {  	_ = 	snop  }
0x3c: {  	p2 =	seq.s32 s10, $0x1;
	s10 =	sld [smem:$0x3FAA]  }
0x3d: {  	_ =	shalt  }
0x3e: {  	_ =	shalt  }
0x3f: {  	_ =	shalt  }
0x40: {  	_ =	shalt  }
0x41: {  	_ =	shalt  }
0x42: {  	_ =	shalt  }
0x43: {  	_ =	shalt  }
0x44: {  	_ =	shalt  }
0x45: {  	_ =	shalt  }
0x46: {  	_ =	shalt  }
0x47: {  	_ =	shalt  }
0x48: {  	_ =	shalt  }
0x49: {  	_ =	shalt  }
0x4a: {  	_ =	shalt  }
0x4b: {  	_ =	shalt  }
0x4c: {  	_ =	shalt  }
0x4d: {  	_ =	shalt  }
0x4e: {  	_ =	shalt  }
0x4f: {  	_ =	shalt  }
0x50: {  	_ =	shalt  }
0x51: {  	_ =	shalt  }
0x52: {  	_ =	shalt  }
0x53: {  	_ =	shalt  }
0x54: {  	_ =	shalt  }
0x55: {  	_ =	shalt  }
0x56: {  	_ =	shalt  }
0x57: {  	_ =	shalt  }
0x58: {  	_ =	shalt  }
0x59: {  	_ =	shalt  }
0x5a: {  	_ =	shalt  }
0x5b: {  	_ =	shalt  }
0x5c: {  	_ =	shalt  }
0x5d: {  	_ =	shalt  }
0x5e: {  	_ =	shalt  }
0x5f: {  	_ =	shalt  }
0x60: {  	_ =	shalt  }
0x61: {  	_ =	shalt  }
0x62: {  	_ =	shalt  }
0x63: {  	_ =	shalt  }
0x64: {  	_ =	shalt  }
0x65: {  	_ =	shalt  }
0x66: {  	_ =	shalt  }
0x67: {  	_ =	shalt  }
0x68: {  	_ =	shalt  }
0x69: {  	_ =	shalt  }
0x6a: {  	_ =	shalt  }
0x6b: {  	_ =	shalt  }
0x6c: {  	_ =	shalt  }
0x6d: {  	_ =	shalt  }
0x6e: {  	_ =	shalt  }
0x6f: {  	_ =	shalt  }
0x70: {  	_ =	shalt  }
0x71: {  	_ =	shalt  }
0x72: {  	_ =	shalt  }
0x73: {  	_ =	shalt  }
0x74: {  	_ =	shalt  }
0x75: {  	_ =	shalt  }
0x76: {  	_ =	shalt  }
0x77: {  	_ =	shalt  }
0x78: {  	_ =	shalt  }
0x79: {  	_ =	shalt  }
0x7a: {  	_ =	shalt  }
0x7b: {  	_ =	shalt  }
0x7c: {  	_ =	shalt  }
0x7d: {  	_ =	shalt  }
0x7e: {  	_ =	shalt  }
0x7f: {  	_ =	shalt  }
0x80: {  	_ =	shalt  }
0x81: {  	_ =	shalt  }
0x82: {  	_ =	shalt  }
0x83: {  	_ =	shalt  }
0x84: {  	_ =	shalt  }
0x85: {  	_ =	shalt  }
0x86: {  	_ =	shalt  }
0x87: {  	_ =	shalt  }
.Lfunc_end0:
.L_simem_size_0:
called_computation.1_lowered:
.L_overlay_start_0:
0x88: {  	s2 =	sld [smem:$0x3FD9]  }
0x89: {  	s3 =	sld [smem:$0x3FFE];
	_ =	sdelay $0x1  }
0x8a: {  	s1 =	srdreg.scid  }
0x8b: {  	s0 =	sand.u32 $0x1, s1  }
0x8c: {  	s17 =	sshll.u32 s0, $0xA;
	s2 =	sadd.s32 s3, s2  }
0x8d: {  	s2 =	sadd.s32 s2, s17  }
0x8e: {  	[smem:$0x3FB6] =	sst s2  }
0x8f: {  	_ = 	snop  }
0x90: {  	s2 =	sld [smem:$0x3FD0];
	(tm) =	ssettm $0x1  }
0x91: {  	s18 =	sld [smem:$0x3FFB];
	_ =	sdelay $0x3  }
0x92: {  	_ =	strace s18  }
0x93: {  	s3 =	sld [smem:$0x3FFC];
	_ =	sdelay $0x3  }
0x94: {  	_ =	strace s3  }
0x95: {  	s3 =	sld [smem:$0x3FFD];
	_ =	sdelay $0x3  }
0x96: {  	_ =	strace s3  }
0x97: {  	_ =	strace $0x8FFFFFFF  }
0x98: {  	s19 =	sld [smem:$0x3FDB];
	_ =	sdelay $0x1  }
0x99: {  	s4 =	simm.s32 $_scs_section_size  }
0x9a: {  	s5 =	simm.s32 $_size__tile_overlayer_lowered;
	s6 =	simm.s32 $_tile_overlayer_lowered  }
0x9b: {  	s22 =	simm.s32 $0x1BFF;
	s21 =	sshll.u32 s6, $0x1;
	s3 =	sadd.s32 s4, s19  }
0x9c: {  	s7 =	simm.s32 $0x0;
	s20 =	sshll.u32 s5, $0x1;
	s5 =	sadd.s32 s21, s3  }
0x9d: {  	[timem:s7], [sflag:s22] =	dma.local [hbm:s5], s20  }
0x9e: {  	_ =	swait.ge [sflag:s22], s20  }
0x9f: {  	s4 =	ssub.s32 $0x0, s20;
	[sflag:s22] =	ssyncset.done $0x0  }
0xa0: {  	[sflag:s22] =	ssyncadd.s32 s4;
	_ =	sdelay $0x1  }
0xa1: {  	s23 =	simm.s32 $0x1B8B  }
0xa2: {  	_ =	swait.ge [sflag:s23], $0x1  }
0xa3: {  	[sflag:s23] =	ssyncset.done $0x0  }
0xa4: {  	s25 =	simm.s32 $0x1B8E;
	s24 =	sld [smem:$0x3FFE];
	[sflag:s23] =	ssyncadd.s32 $0xFFFFFFFF  }
0xa5: {  	s26 =	simm.s32 $execute0_lowered;
	[smem:$0x3FD2] =	sst s25  }
0xa6: {  	s5 =	sshll.u32 s26, $0x1;
	_ =	strace $0x80000049;
	[dreg:$0x1] =	wrdreg $0xFFFFFFFF  }
0xa7: {  	s28 =	simm.s32 $_size_execute0_lowered;
	s3 =	sadd.s32 s3, s5;
	[dreg:$0x0] =	wrdreg $0x0  }
0xa8: {  	s5 =	sshll.u32 s28, $0x1;
	[dreg:$0x2] =	wrdreg s3  }
0xa9: {  	[dreg:$0x3] =	wrdreg s5  }
0xaa: {  	[dreg:$0x4] =	wrdreg $0xC0  }
0xab: {  	_ =	task [dreg:s7], $0x5FFFF  }
0xac: {  	[dreg:$0x1] =	wrdreg $0xFFFFFFFF  }
0xad: {  	[dreg:$0x0] =	wrdreg $0x60  }
0xae: {  	[dreg:$0x2] =	wrdreg s24  }
0xaf: {  	[dreg:$0x3] =	wrdreg s2  }
0xb0: {  	[dreg:$0x4] =	wrdreg $0x84000  }
0xb1: {  	[dreg:$0x5] =	wrdreg $0x9  }
0xb2: {  	_ =	task.clear_ibuf [dreg:s7], $0x6FFFF;
	_ =	strace $0x90000049  }
0xb3: {  	s29 =	simm.s32 $0x9;
	_ =	strace $0x8000004B  }
0xb4: {  	_ =	swait.ge [sflag:s29], $0x1  }
0xb5: {  	[sflag:s29] =	ssyncadd.s32 $0xFFFFFFFF  }
0xb6: {  	_ =	strace $0x9000004B  }
0xb7: {  	_ =	sfence  }
0xb8: {  	s30 =	sld [smem:$0x0];
	_ =	sdelay $0x2  }
0xb9: {  	s31 =	sshll.u32 s1, $0xD;
	s1 =	sshrl.u32 s1, $0x2  }
0xba: {  	s3 =	sand.u32 $0x4000, s31;
	s1 =	sadd.s32 s1, s30  }
0xbb: {  	s0 =	sor.u32 s3, s0;
	s1 =	sshll.u32 s1, $0x11  }
0xbc: {  	s0 =	sor.u32 s1, s0  }
0xbd: {  	s0 =	sadd.s32 $0x8F2B, s0  }
0xbe: {  	[sflag:s0] =	ssyncadd.remote.s32 $0x1  }
0xbf: {  	_ =	sfence.sel $0xFFFF  }
0xc0: {  	[dreg:$0x0] =	wrdreg $0xFFFFFFFF;
	(pc) =	sbr.abs _section_cstart, $3  }
0xc1: {  	[dreg:$0x1] =	wrdreg $0xFFFFFFFF  }
0xc2: {  	_ =	task.clear_ibuf [dreg:s7], $0x2FFFF;
	_ =	strace $0x9FFFFFFF  }
0xc3: {  	(tm) =	ssettm $0x7FFFFFFF  }
tec
execute0_lowered:
.L_overlay_start_1:
0x0: {  	(tag) =	ssettag $0x1  }
0x1: {  	s1 =	srdreg.scid  }
0x2: {  	s28 =	rddreg [dreg:$0x0];
	s0 =	stileid.u32;
	s29 =	sand.u32 $0x1, s1  }
0x3: {  	s6 =	rddreg [dreg:$0x1];
	s4 =	sshll.u32 s0, $0xB;
	s5 =	sshll.u32 s29, $0xA  }
0x4: {  	s2 =	rddreg [dreg:$0x2];
	s3 =	simm.s32 $0x0;
	s5 =	sor.u32 s5, s4  }
0x5: {  	[smem:$0x7FF] =	sst s3;
	s4 =	sshll.u32 s5, $0x2  }
0x6: {  	s1 =	rddreg [dreg:$0x3];
	_ =	strace $0x8000004A;
	s4 =	sadd.s32 s4, s28  }
0x7: {  	s7 =	sshrl.u32 s5, $0x3;
	s5 =	simm.s32 $0x400;
	s4 =	sadd.s32 $0x44A00, s4  }
0x8: {  	[tilespmem:s5], [sflag:$0x1] =	stream.linear.gather [hbm4b:s4+s3], $0x8000, $0x38;
	[tilespmem:$0x10400] =	vst v63  }
0x9: {  	s30 =	sshll.u32 s0, $0x10;
	s7 =	sadd.s32 s6, s7;
	s6 =	simm.s32 $0x3  }
0xa: {  	[tilespmem:s3], [sflag:$0x3] =	stream.linear.gather [hbm4b:s7+s3], $0x400, $0x38;
	[tilespmem:$0x10400] =	vst v63  }
0xb: {  	s8 =	sadd.s32 $0xA4A00, s28;
	s9 =	sshrl.u32 s30, $0x1;
	_ =	swait.ge [sflag:s6], $0x400  }
0xc: {  	s31 =	sshll.u32 s0, $0x6;
	s10 =	sadd.s32 s9, s2;
	[sflag:s6] =	ssyncset.done $0x0  }
0xd: {  	s9 =	sor.u32 $0x1C03, s31;
	s10 =	sshrl.u32 s10, $0x3;
	[sflag:s6] =	ssyncadd.s32 $0xFFFFFC00  }
0xe: {  	[spmem:s10], [sflag:s9] =	dma.local [hbm:s8], $0x1000  }
0xf: {  	_ =	swait.ge [sflag:s6], $0x1000  }
0x10: {  	[sflag:s6] =	ssyncset.done $0x0  }
0x11: {  	[sflag:s6] =	ssyncadd.s32 $0xFFFFF000  }
0x12: {  	s11 =	simm.s32 $0x1;
	[bflag:$0x0] =	sbarrier.arrive $0xFFFF  }
0x13: {  	_ =	swait.ge [sflag:s11], $0x8000  }
0x14: {  	[sflag:s11] =	ssyncset.done $0x0  }
0x15: {  	s12 =	simm.s32 $0x80;
	[sflag:s11] =	ssyncadd.s32 $0xFFFF8000  }
0x16: {  	[spmem:s2] =	stream.indirect.scatter.add.bf16 [tilespmem:s5], [sflag:$0x2], $0x20, s3, s12, $0xb8;
	[tilespmem:$0x10400] =	vst v63  }
0x17: {  	s13 =	simm.s32 $0x1400  }
0x18: {  	[spmem:s2] =	stream.indirect.scatter.add.bf16 [tilespmem:s13], [sflag:$0x2], $0x20, s12, s12, $0xb8;
	[tilespmem:$0x10400] =	vst v63  }
0x19: {  	s14 =	simm.s32 $0x100;
	s15 =	simm.s32 $0x2400  }
0x1a: {  	[spmem:s2] =	stream.indirect.scatter.add.bf16 [tilespmem:s15], [sflag:$0x2], $0x20, s14, s12, $0xb8;
	[tilespmem:$0x10400] =	vst v63  }
0x1b: {  	s16 =	simm.s32 $0x180;
	s17 =	simm.s32 $0x3400  }
0x1c: {  	[spmem:s2] =	stream.indirect.scatter.add.bf16 [tilespmem:s17], [sflag:$0x2], $0x20, s16, s12, $0xb8;
	[tilespmem:$0x10400] =	vst v63  }
0x1d: {  	s18 =	simm.s32 $0x200;
	s19 =	simm.s32 $0x4400  }
0x1e: {  	[spmem:s2] =	stream.indirect.scatter.add.bf16 [tilespmem:s19], [sflag:$0x2], $0x20, s18, s12, $0xb8;
	[tilespmem:$0x10400] =	vst v63  }
0x1f: {  	s20 =	simm.s32 $0x280;
	s21 =	simm.s32 $0x5400  }
0x20: {  	[spmem:s2] =	stream.indirect.scatter.add.bf16 [tilespmem:s21], [sflag:$0x2], $0x20, s20, s12, $0xb8;
	[tilespmem:$0x10400] =	vst v63  }
0x21: {  	s22 =	simm.s32 $0x300;
	s23 =	simm.s32 $0x6400  }
0x22: {  	[spmem:s2] =	stream.indirect.scatter.add.bf16 [tilespmem:s23], [sflag:$0x2], $0x20, s22, s12, $0xb8;
	[tilespmem:$0x10400] =	vst v63  }
0x23: {  	s24 =	simm.s32 $0x380;
	s25 =	simm.s32 $0x7400;
	s26 =	simm.s32 $0x2  }
0x24: {  	[spmem:s2] =	stream.indirect.scatter.add.bf16 [tilespmem:s25], [sflag:$0x2], $0x20, s24, s12, $0xb8;
	[tilespmem:$0x10400] =	vst v63  }
0x25: {  	_ =	swait.ge [sflag:s26], $0x1000  }
0x26: {  	[sflag:s26] =	ssyncset.done $0x0  }
0x27: {  	[sflag:s26] =	ssyncadd.s32 $0xFFFFF000  }
0x28: {  	_ =	swait.ge [sflag:s26], $0x1000  }
0x29: {  	[sflag:s26] =	ssyncset.done $0x0  }
0x2a: {  	[sflag:s26] =	ssyncadd.s32 $0xFFFFF000  }
0x2b: {  	_ =	swait.ge [sflag:s26], $0x1000  }
0x2c: {  	[sflag:s26] =	ssyncset.done $0x0  }
0x2d: {  	[sflag:s26] =	ssyncadd.s32 $0xFFFFF000  }
0x2e: {  	_ =	swait.ge [sflag:s26], $0x1000  }
0x2f: {  	[sflag:s26] =	ssyncset.done $0x0  }
0x30: {  	[sflag:s26] =	ssyncadd.s32 $0xFFFFF000  }
0x31: {  	_ =	swait.ge [sflag:s26], $0x1000  }
0x32: {  	[sflag:s26] =	ssyncset.done $0x0  }
0x33: {  	[sflag:s26] =	ssyncadd.s32 $0xFFFFF000  }
0x34: {  	_ =	swait.ge [sflag:s26], $0x1000  }
0x35: {  	[sflag:s26] =	ssyncset.done $0x0  }
0x36: {  	[sflag:s26] =	ssyncadd.s32 $0xFFFFF000  }
0x37: {  	s31 =	sshll.u32 s29, $0x14;
	s29 =	ssub.s32 $0x2, s29;
	_ =	swait.ge [sflag:s26], $0x1000  }
0x38: {  	s30 =	sor.u32 s30, s31;
	s31 =	sshrl.u32 s29, $0x1;
	[sflag:s26] =	ssyncset.done $0x0  }
0x39: {  	s29 =	ssub.s32 s29, s31;
	[sflag:s26] =	ssyncadd.s32 $0xFFFFF000  }
0x3a: {  	s29 =	smax.u32 s29, $0x1;
	_ =	swait.ge [sflag:s26], $0x1000  }
0x3b: {  	s30 =	sshrl.u32 s30, $0x4;
	p0 =	sne.s32 s29, $0x1;
	[sflag:s26] =	ssyncset.done $0x0  }
.Ltmp0:
0x3c: {  	s28 =	sadd.s32 s30, s28;
	[sflag:s26] =	ssyncadd.s32 $0xFFFFF000;
	(pc) =	sbr.rel @!p0 .LBB2_2-.Ltmp0, $4  }
0x3d: {  	s28 =	sadd.s32 $0x64A00, s28;
	[bflag:$0x0] =	sbarrier.arrive $0xFFFF  }
0x3e: {  	[hbm:s28], [sflag:s9] =	dma.local [spmem:s10], $0x1000  }
0x3f: {  	_ =	swait.ge [sflag:s6], $0x1000  }
0x40: {  	s29 =	sadd.s32 $0xFFFFFFFF, s29;
	[sflag:s6] =	ssyncset.done $0x0  }
.LBB2_1:
0x41: {  	p0 =	sne.s32 s29, $0x1;
	s29 =	sadd.s32 $0xFFFFFFFF, s29;
	[sflag:s6] =	ssyncadd.s32 $0xFFFFF000  }
0x42: {  	[tilespmem:s5], [sflag:$0x1] =	stream.linear.gather [hbm4b:s4+s3], $0x8000, $0x38;
	[tilespmem:$0x10400] =	vst v63  }
0x43: {  	_ = 	snop  }
0x44: {  	[tilespmem:s3], [sflag:$0x3] =	stream.linear.gather [hbm4b:s7+s3], $0x400, $0x38;
	[tilespmem:$0x10400] =	vst v63  }
0x45: {  	_ =	swait.ge [sflag:s6], $0x400  }
0x46: {  	[sflag:s6] =	ssyncset.done $0x0  }
0x47: {  	[sflag:s6] =	ssyncadd.s32 $0xFFFFFC00  }
0x48: {  	[spmem:s10], [sflag:s9] =	dma.local [hbm:s8], $0x1000  }
0x49: {  	_ =	swait.ge [sflag:s6], $0x1000  }
0x4a: {  	[sflag:s6] =	ssyncset.done $0x0  }
0x4b: {  	[sflag:s6] =	ssyncadd.s32 $0xFFFFF000  }
0x4c: {  	[bflag:$0x0] =	sbarrier.arrive $0xFFFF  }
0x4d: {  	_ =	swait.ge [sflag:s11], $0x8000  }
0x4e: {  	[sflag:s11] =	ssyncset.done $0x0  }
0x4f: {  	[sflag:s11] =	ssyncadd.s32 $0xFFFF8000  }
0x50: {  	[spmem:s2] =	stream.indirect.scatter.add.bf16 [tilespmem:s5], [sflag:$0x2], $0x20, s3, s12, $0xb8;
	[tilespmem:$0x10400] =	vst v63  }
0x51: {  	_ = 	snop  }
0x52: {  	[spmem:s2] =	stream.indirect.scatter.add.bf16 [tilespmem:s13], [sflag:$0x2], $0x20, s12, s12, $0xb8;
	[tilespmem:$0x10400] =	vst v63  }
0x53: {  	_ = 	snop  }
0x54: {  	[spmem:s2] =	stream.indirect.scatter.add.bf16 [tilespmem:s15], [sflag:$0x2], $0x20, s14, s12, $0xb8;
	[tilespmem:$0x10400] =	vst v63  }
0x55: {  	_ = 	snop  }
0x56: {  	[spmem:s2] =	stream.indirect.scatter.add.bf16 [tilespmem:s17], [sflag:$0x2], $0x20, s16, s12, $0xb8;
	[tilespmem:$0x10400] =	vst v63  }
0x57: {  	_ = 	snop  }
0x58: {  	[spmem:s2] =	stream.indirect.scatter.add.bf16 [tilespmem:s19], [sflag:$0x2], $0x20, s18, s12, $0xb8;
	[tilespmem:$0x10400] =	vst v63  }
0x59: {  	_ = 	snop  }
0x5a: {  	[spmem:s2] =	stream.indirect.scatter.add.bf16 [tilespmem:s21], [sflag:$0x2], $0x20, s20, s12, $0xb8;
	[tilespmem:$0x10400] =	vst v63  }
0x5b: {  	_ = 	snop  }
0x5c: {  	[spmem:s2] =	stream.indirect.scatter.add.bf16 [tilespmem:s23], [sflag:$0x2], $0x20, s22, s12, $0xb8;
	[tilespmem:$0x10400] =	vst v63  }
0x5d: {  	_ = 	snop  }
0x5e: {  	[spmem:s2] =	stream.indirect.scatter.add.bf16 [tilespmem:s25], [sflag:$0x2], $0x20, s24, s12, $0xb8;
	[tilespmem:$0x10400] =	vst v63  }
0x5f: {  	_ =	swait.ge [sflag:s26], $0x1000  }
0x60: {  	[sflag:s26] =	ssyncset.done $0x0  }
0x61: {  	[sflag:s26] =	ssyncadd.s32 $0xFFFFF000  }
0x62: {  	_ =	swait.ge [sflag:s26], $0x1000  }
0x63: {  	[sflag:s26] =	ssyncset.done $0x0  }
0x64: {  	[sflag:s26] =	ssyncadd.s32 $0xFFFFF000  }
0x65: {  	_ =	swait.ge [sflag:s26], $0x1000  }
0x66: {  	[sflag:s26] =	ssyncset.done $0x0  }
0x67: {  	[sflag:s26] =	ssyncadd.s32 $0xFFFFF000  }
0x68: {  	_ =	swait.ge [sflag:s26], $0x1000  }
0x69: {  	[sflag:s26] =	ssyncset.done $0x0  }
0x6a: {  	[sflag:s26] =	ssyncadd.s32 $0xFFFFF000  }
0x6b: {  	_ =	swait.ge [sflag:s26], $0x1000  }
0x6c: {  	[sflag:s26] =	ssyncset.done $0x0  }
0x6d: {  	[sflag:s26] =	ssyncadd.s32 $0xFFFFF000  }
0x6e: {  	_ =	swait.ge [sflag:s26], $0x1000  }
0x6f: {  	[sflag:s26] =	ssyncset.done $0x0  }
0x70: {  	[sflag:s26] =	ssyncadd.s32 $0xFFFFF000  }
0x71: {  	_ =	swait.ge [sflag:s26], $0x1000  }
0x72: {  	[sflag:s26] =	ssyncset.done $0x0  }
0x73: {  	[sflag:s26] =	ssyncadd.s32 $0xFFFFF000  }
0x74: {  	_ =	swait.ge [sflag:s26], $0x1000  }
0x75: {  	[sflag:s26] =	ssyncset.done $0x0  }
.Ltmp1:
0x76: {  	[sflag:s26] =	ssyncadd.s32 $0xFFFFF000;
	(pc) =	sbr.rel @p0 .LBB2_1-.Ltmp1, $4  }
0x77: {  	[bflag:$0x0] =	sbarrier.arrive $0xFFFF  }
0x78: {  	[hbm:s28], [sflag:s9] =	dma.local [spmem:s10], $0x1000  }
0x79: {  	_ =	swait.ge [sflag:s6], $0x1000  }
0x7a: {  	[sflag:s6] =	ssyncset.done $0x0  }
.LBB2_2:
0x7b: {  	[sflag:s6] =	ssyncadd.s32 $0xFFFFF000  }
0x7c: {  	_ =	sfence.sel $0x180000  }
0x7d: {  	[bflag:$0x0] =	sbarrier.arrive $0xFFFF  }
0x7e: {  	p0 =	sne.s32 s0, $0x0;
	_ =	strace $0x9000004A  }
0x7f: {  	s0 =	sadd.s32 @!p0 $0x100000, s1;
	[bflag:$0x2] =	sbarrier.arrive $0xFFFF  }
0x80: {  	[sflag:s0] =	ssyncadd.tile.s32 @!p0 $0x1;
	_ =	shalt  }
.Lfunc_end2:
_tile_overlayer_lowered:
.L_overlay_start_2:
0x81: {  	(tag) =	ssettag $0x2  }
0x82: {  	s0 =	rddreg [dreg:$0x0];
	s2 =	stileid.u32  }
0x83: {  	s1 =	rddreg [dreg:$0x1];
	p0 =	sne.s32 s2, $0x0  }
0x84: {  	s3 =	rddreg [dreg:$0x2];
	[bflag:$0x3] =	sbarrier.arrive $0xFFFF;
	s2 =	simm.s32 @!p0 $0x1C03  }
0x85: {  	[timem:s3], [sflag:s2] =	dma.local @!p0 [hbm:s0], s1  }
0x86: {  	s0 =	simm.s32 @!p0 $0x3  }
0x87: {  	_ =	swait.ge @!p0 [sflag:s0], s1  }
0x88: {  	s1 =	ssub.s32 @!p0 $0x0, s1;
	[sflag:s0] =	ssyncset.done @!p0 $0x0  }
0x89: {  	[sflag:s0] =	ssyncadd.s32 @!p0 s1  }
0x8a: {  	[bflag:$0x3] =	sbarrier.arrive $0xFFFF  }
0x8b: {  	_ =	shalt  }

// kernel: kernel.17.cloned.1.call-start
scs
__scs_entry_jumppad:
0x0: {  	(pc) =	sbr.rel $0x88, $3  }
0x1: {  	(tag) =	ssettag $0x0;
	lr =	simm.s32 $0x1  }
0x2: {  	[smem:$0x3F8F] =	sst lr;
	_ =	strace $0xD0000000  }
0x3: {  	_ = 	snop  }
0x4: {  	_ = 	snop  }
0x5: {  	_ = 	snop  }
0x6: {  	_ = 	snop  }
0x7: {  	_ = 	snop  }
__scs_overlays_trampoline_lowered:
0x8: {  	[smem:$0x3F9E] =	sst s0  }
0x9: {  	[smem:$0x3F9F] =	sst s1  }
0xa: {  	[smem:$0x3FA0] =	sst s2  }
0xb: {  	[smem:$0x3FA1] =	sst s3  }
0xc: {  	[smem:$0x3FA2] =	sst s4  }
0xd: {  	[smem:$0x3FA3] =	sst s5  }
0xe: {  	[smem:$0x3FA4] =	sst s6  }
0xf: {  	[smem:$0x3FA5] =	sst s7  }
0x10: {  	[smem:$0x3FA6] =	sst s8  }
0x11: {  	[smem:$0x3FA7] =	sst s9;
	s0 =	simm.s32 @!p0 $0x0  }
0x12: {  	s1 =	sld [smem:$0x3F8D];
	s0 =	simm.s32 @p0 $0x1  }
0x13: {  	[smem:$0x3FA8] =	sst s0;
	s0 =	simm.s32 @!p1 $0x0  }
0x14: {  	s2 =	sld [smem:$0x3F8C];
	s0 =	simm.s32 @p1 $0x1  }
0x15: {  	[smem:$0x3FA9] =	sst s0;
	s0 =	simm.s32 @!p2 $0x0  }
0x16: {  	s3 =	sld [smem:$0x3FDB];
	s0 =	simm.s32 @p2 $0x1  }
0x17: {  	s4 =	simm.s32 $0x1BF5;
	[smem:$0x3FAB] =	sst s0  }
0x18: {  	s0 =	sld [smem:$0x3F8E];
	_ =	swait.ge [sflag:s4], $0x0  }
0x19: {  	s7 =	sld [smem:$0x3F8F]  }
0x1a: {  	s8 =	sadd.s32 $0xFFFFE003, lr  }
0x1b: {  	s9 =	sadd.s32 $0xFFFFFEF7, lr;
	s5 =	simm.s32 $0xFFFFFFFF;
	p2 =	slt.u32 s8, $0xFFFFF086  }
0x1c: {  	p1 =	slt.u32 s9, $0xF7A;
	s5 =	simm.s32 @!p2 $0x0  }
0x1d: {  	s5 =	simm.s32 @p1 $0x1;
	p0 =	seq.s32 s7, s2  }
0x1e: {  	s7 =	smul.u32 @!p0 $0xF7A, s2;
	p2 =	seq.s32 @!p0 s5, $0x0  }
0x1f: {  	s9 =	smul.u32 $0xF7A, s1;
	s8 =	simm.s32 @!p0 $0x1BF5;
	p2 =	por !p2, p0  }
0x20: {  	[sflag:s8] =	ssyncset.s32 @!p0 $0xFFFFF086;
	s6 =	sadd.s32 @!p0 s3, s7;
	s7 =	simm.s32 @!p0 $0x108  }
0x21: {  	s3 =	sadd.s32 s3, s9;
	s6 =	sadd.s32 @!p0 $0x88, s6;
	s7 =	simm.s32 @p2 $0x1082  }
0x22: {  	[simem:s7], [sflag:s8] =	dma.local @!p0 [hbm:s6], $0xF7A  }
0x23: {  	s9 =	sor.u32 $0xD0000000, s2;
	s6 =	simm.s32 $0x108;
	_ =	swait.ge @!p0 [sflag:s8], $0x0  }
0x24: {  	s3 =	sadd.s32 $0x88, s3;
	s6 =	simm.s32 @!p1 $0x1082;
	[sflag:s4] =	ssyncset.s32 $0xFFFFF086  }
0x25: {  	[simem:s6], [sflag:s4] =	dma.local [hbm:s3], $0xF7A  }
0x26: {  	[smem:$0x3F8F] =	sst s1;
	(tag) =	ssettag s2;
	_ =	strace s9  }
0x27: {  	s1 =	sld [smem:$0x3F9F]  }
0x28: {  	s2 =	sld [smem:$0x3FA0]  }
0x29: {  	s4 =	sld [smem:$0x3FA2]  }
0x2a: {  	p0 =	seq.s32 s5, $0x0;
	s5 =	sld [smem:$0x3FA3]  }
0x2b: {  	s6 =	sld [smem:$0x3FA4]  }
0x2c: {  	s7 =	sld [smem:$0x3FA5]  }
0x2d: {  	s3 =	simm.s32 $0x108;
	s8 =	sld [smem:$0x3FA6]  }
0x2e: {  	s3 =	simm.s32 @!p0 $0x1082;
	s9 =	sld [smem:$0x3FA7]  }
0x2f: {  	lr =	sadd.s32 s0, s3;
	s0 =	sld [smem:$0x3F9E]  }
0x30: {  	s3 =	sld [smem:$0x3FA1]  }
0x31: {  	[smem:$0x3FAA] =	sst s10  }
0x32: {  	s10 =	sld [smem:$0x3FA8];
	_ =	sdelay $0x3  }
0x33: {  	p0 =	seq.s32 s10, $0x1;
	s10 =	sld [smem:$0x3FAA];
	_ =	sdelay $0x3  }
0x34: {  	[smem:$0x3FAA] =	sst s10  }
0x35: {  	s10 =	sld [smem:$0x3FA9];
	_ =	sdelay $0x3  }
0x36: {  	p1 =	seq.s32 s10, $0x1;
	s10 =	sld [smem:$0x3FAA];
	_ =	sdelay $0x3  }
0x37: {  	[smem:$0x3FAA] =	sst s10  }
0x38: {  	s10 =	sld [smem:$0x3FAB]  }
0x39: {  	_ = 	snop;
	(pc) =	sbr.ind lr, $3  }
0x3a: {  	_ = 	snop  }
0x3b: {  	_ = 	snop  }
0x3c: {  	p2 =	seq.s32 s10, $0x1;
	s10 =	sld [smem:$0x3FAA]  }
0x3d: {  	_ =	shalt  }
0x3e: {  	_ =	shalt  }
0x3f: {  	_ =	shalt  }
0x40: {  	_ =	shalt  }
0x41: {  	_ =	shalt  }
0x42: {  	_ =	shalt  }
0x43: {  	_ =	shalt  }
0x44: {  	_ =	shalt  }
0x45: {  	_ =	shalt  }
0x46: {  	_ =	shalt  }
0x47: {  	_ =	shalt  }
0x48: {  	_ =	shalt  }
0x49: {  	_ =	shalt  }
0x4a: {  	_ =	shalt  }
0x4b: {  	_ =	shalt  }
0x4c: {  	_ =	shalt  }
0x4d: {  	_ =	shalt  }
0x4e: {  	_ =	shalt  }
0x4f: {  	_ =	shalt  }
0x50: {  	_ =	shalt  }
0x51: {  	_ =	shalt  }
0x52: {  	_ =	shalt  }
0x53: {  	_ =	shalt  }
0x54: {  	_ =	shalt  }
0x55: {  	_ =	shalt  }
0x56: {  	_ =	shalt  }
0x57: {  	_ =	shalt  }
0x58: {  	_ =	shalt  }
0x59: {  	_ =	shalt  }
0x5a: {  	_ =	shalt  }
0x5b: {  	_ =	shalt  }
0x5c: {  	_ =	shalt  }
0x5d: {  	_ =	shalt  }
0x5e: {  	_ =	shalt  }
0x5f: {  	_ =	shalt  }
0x60: {  	_ =	shalt  }
0x61: {  	_ =	shalt  }
0x62: {  	_ =	shalt  }
0x63: {  	_ =	shalt  }
0x64: {  	_ =	shalt  }
0x65: {  	_ =	shalt  }
0x66: {  	_ =	shalt  }
0x67: {  	_ =	shalt  }
0x68: {  	_ =	shalt  }
0x69: {  	_ =	shalt  }
0x6a: {  	_ =	shalt  }
0x6b: {  	_ =	shalt  }
0x6c: {  	_ =	shalt  }
0x6d: {  	_ =	shalt  }
0x6e: {  	_ =	shalt  }
0x6f: {  	_ =	shalt  }
0x70: {  	_ =	shalt  }
0x71: {  	_ =	shalt  }
0x72: {  	_ =	shalt  }
0x73: {  	_ =	shalt  }
0x74: {  	_ =	shalt  }
0x75: {  	_ =	shalt  }
0x76: {  	_ =	shalt  }
0x77: {  	_ =	shalt  }
0x78: {  	_ =	shalt  }
0x79: {  	_ =	shalt  }
0x7a: {  	_ =	shalt  }
0x7b: {  	_ =	shalt  }
0x7c: {  	_ =	shalt  }
0x7d: {  	_ =	shalt  }
0x7e: {  	_ =	shalt  }
0x7f: {  	_ =	shalt  }
0x80: {  	_ =	shalt  }
0x81: {  	_ =	shalt  }
0x82: {  	_ =	shalt  }
0x83: {  	_ =	shalt  }
0x84: {  	_ =	shalt  }
0x85: {  	_ =	shalt  }
0x86: {  	_ =	shalt  }
0x87: {  	_ =	shalt  }
.Lfunc_end0:
.L_simem_size_0:
called_computation.2_lowered:
.L_overlay_start_0:
0x88: {  	s2 =	sld [smem:$0x3FD9]  }
0x89: {  	s3 =	sld [smem:$0x3FFE];
	_ =	sdelay $0x1  }
0x8a: {  	s1 =	srdreg.scid  }
0x8b: {  	s0 =	sand.u32 $0x1, s1  }
0x8c: {  	s16 =	sshll.u32 s0, $0xA;
	s2 =	sadd.s32 s3, s2  }
0x8d: {  	s2 =	sadd.s32 s2, s16  }
0x8e: {  	[smem:$0x3FB6] =	sst s2  }
0x8f: {  	_ = 	snop  }
0x90: {  	(tm) =	ssettm $0x1  }
0x91: {  	s17 =	sld [smem:$0x3FFB];
	_ =	sdelay $0x3  }
0x92: {  	_ =	strace s17  }
0x93: {  	s2 =	sld [smem:$0x3FFC];
	_ =	sdelay $0x3  }
0x94: {  	_ =	strace s2  }
0x95: {  	s2 =	sld [smem:$0x3FFD];
	_ =	sdelay $0x3  }
0x96: {  	_ =	strace s2  }
0x97: {  	_ =	strace $0x8FFFFFFF  }
0x98: {  	s18 =	sld [smem:$0x3FDB];
	_ =	sdelay $0x1  }
0x99: {  	s19 =	simm.s32 $_scs_section_size  }
0x9a: {  	s4 =	simm.s32 $_size__tile_overlayer_lowered;
	s5 =	simm.s32 $_tile_overlayer_lowered  }
0x9b: {  	s22 =	simm.s32 $0x1BFF;
	s21 =	sshll.u32 s5, $0x1;
	s2 =	sadd.s32 s19, s18  }
0x9c: {  	s6 =	simm.s32 $0x0;
	s20 =	sshll.u32 s4, $0x1;
	s4 =	sadd.s32 s21, s2  }
0x9d: {  	[timem:s6], [sflag:s22] =	dma.local [hbm:s4], s20  }
0x9e: {  	_ =	swait.ge [sflag:s22], s20  }
0x9f: {  	s3 =	ssub.s32 $0x0, s20;
	[sflag:s22] =	ssyncset.done $0x0  }
0xa0: {  	[sflag:s22] =	ssyncadd.s32 s3;
	_ =	sdelay $0x1  }
0xa1: {  	s23 =	simm.s32 $0x1B8B  }
0xa2: {  	_ =	swait.ge [sflag:s23], $0x1  }
0xa3: {  	[sflag:s23] =	ssyncset.done $0x0  }
0xa4: {  	s25 =	simm.s32 $0x1B8E;
	s24 =	sld [smem:$0x3FFE];
	[sflag:s23] =	ssyncadd.s32 $0xFFFFFFFF  }
0xa5: {  	s26 =	simm.s32 $execute0_lowered;
	[smem:$0x3FD2] =	sst s25  }
0xa6: {  	s4 =	sshll.u32 s26, $0x1;
	_ =	strace $0x8000004C;
	[dreg:$0x1] =	wrdreg $0xFFFFFFFF  }
0xa7: {  	s28 =	simm.s32 $_size_execute0_lowered;
	s2 =	sadd.s32 s2, s4;
	[dreg:$0x0] =	wrdreg $0x0  }
0xa8: {  	s4 =	sshll.u32 s28, $0x1;
	[dreg:$0x2] =	wrdreg s2  }
0xa9: {  	[dreg:$0x3] =	wrdreg s4  }
0xaa: {  	[dreg:$0x4] =	wrdreg $0xC0  }
0xab: {  	_ =	task [dreg:s6], $0x5FFFF  }
0xac: {  	[dreg:$0x1] =	wrdreg $0xFFFFFFFF  }
0xad: {  	[dreg:$0x0] =	wrdreg $0x60  }
0xae: {  	[dreg:$0x2] =	wrdreg s24  }
0xaf: {  	[dreg:$0x3] =	wrdreg $0x9  }
0xb0: {  	_ =	task.clear_ibuf [dreg:s6], $0x4FFFF;
	_ =	strace $0x9000004C  }
0xb1: {  	s29 =	simm.s32 $0x9;
	_ =	strace $0x8000004E  }
0xb2: {  	_ =	swait.ge [sflag:s29], $0x1  }
0xb3: {  	[sflag:s29] =	ssyncadd.s32 $0xFFFFFFFF  }
0xb4: {  	_ =	strace $0x9000004E  }
0xb5: {  	_ =	sfence  }
0xb6: {  	s30 =	sld [smem:$0x0];
	_ =	sdelay $0x2  }
0xb7: {  	s31 =	sshll.u32 s1, $0xD;
	s1 =	sshrl.u32 s1, $0x2  }
0xb8: {  	s3 =	sand.u32 $0x4000, s31;
	s1 =	sadd.s32 s1, s30  }
0xb9: {  	s0 =	sor.u32 s3, s0;
	s1 =	sshll.u32 s1, $0x11  }
0xba: {  	s0 =	sor.u32 s1, s0  }
0xbb: {  	s0 =	sadd.s32 $0x8F2B, s0  }
0xbc: {  	[sflag:s0] =	ssyncadd.remote.s32 $0x1  }
0xbd: {  	_ =	sfence.sel $0xFFFF  }
0xbe: {  	[dreg:$0x0] =	wrdreg $0xFFFFFFFF;
	(pc) =	sbr.abs _section_cstart, $3  }
0xbf: {  	[dreg:$0x1] =	wrdreg $0xFFFFFFFF  }
0xc0: {  	_ =	task.clear_ibuf [dreg:s6], $0x2FFFF;
	_ =	strace $0x9FFFFFFF  }
0xc1: {  	(tm) =	ssettm $0x7FFFFFFF  }
tec
execute0_lowered:
.L_overlay_start_1:
0x0: {  	(tag) =	ssettag $0x1  }
0x1: {  	s1 =	srdreg.scid  }
0x2: {  	s0 =	stileid.u32;
	s23 =	sand.u32 $0x1, s1  }
0x3: {  	s31 =	sshll.u32 s0, $0xB;
	s2 =	sshll.u32 s23, $0xA  }
0x4: {  	s22 =	rddreg [dreg:$0x0];
	s24 =	sor.u32 s2, s31  }
0x5: {  	s1 =	rddreg [dreg:$0x1];
	s2 =	simm.s32 $0x0;
	s3 =	sshrl.u32 s24, $0x3  }
0x6: {  	[smem:$0x7FF] =	sst s2;
	s3 =	sadd.s32 s3, s22  }
0x7: {  	_ =	strace $0x8000004D;
	s4 =	sadd.s32 $0x3A00, s3;
	s3 =	simm.s32 $0x2  }
0x8: {  	[tilespmem:s2], [sflag:$0x2] =	stream.linear.gather [hbm4b:s4+s2], $0x400, $0x38;
	[tilespmem:$0x10400] =	vst v63  }
0x9: {  	_ =	swait.ge [sflag:s3], $0x400  }
0xa: {  	s6 =	simm.s32 $0x80;
	[sflag:s3] =	ssyncset.done $0x0  }
0xb: {  	s7 =	simm.s32 $0x400;
	s5 =	sadd.s32 $0x44A00, s22;
	[sflag:s3] =	ssyncadd.s32 $0xFFFFFC00  }
0xc: {  	[tilespmem:s7], [sflag:$0x1] =	stream.indirect.gather [hbm4b:s5+s6], $0x40, s2, s6, $0xb8;
	[tilespmem:$0x10400] =	vst v63  }
0xd: {  	s8 =	simm.s32 $0x2400  }
0xe: {  	[tilespmem:s8], [sflag:$0x1] =	stream.indirect.gather [hbm4b:s5+s6], $0x40, s6, s6, $0xb8;
	[tilespmem:$0x10400] =	vst v63  }
0xf: {  	s9 =	simm.s32 $0x100;
	s10 =	simm.s32 $0x4400  }
0x10: {  	[tilespmem:s10], [sflag:$0x1] =	stream.indirect.gather [hbm4b:s5+s6], $0x40, s9, s6, $0xb8;
	[tilespmem:$0x10400] =	vst v63  }
0x11: {  	s11 =	simm.s32 $0x180;
	s12 =	simm.s32 $0x6400  }
0x12: {  	[tilespmem:s12], [sflag:$0x1] =	stream.indirect.gather [hbm4b:s5+s6], $0x40, s11, s6, $0xb8;
	[tilespmem:$0x10400] =	vst v63  }
0x13: {  	s13 =	simm.s32 $0x200;
	s14 =	simm.s32 $0x8400  }
0x14: {  	[tilespmem:s14], [sflag:$0x1] =	stream.indirect.gather [hbm4b:s5+s6], $0x40, s13, s6, $0xb8;
	[tilespmem:$0x10400] =	vst v63  }
0x15: {  	s15 =	simm.s32 $0x280;
	s16 =	simm.s32 $0xA400  }
0x16: {  	[tilespmem:s16], [sflag:$0x1] =	stream.indirect.gather [hbm4b:s5+s6], $0x40, s15, s6, $0xb8;
	[tilespmem:$0x10400] =	vst v63  }
0x17: {  	s17 =	simm.s32 $0x300;
	s18 =	simm.s32 $0xC400  }
0x18: {  	[tilespmem:s18], [sflag:$0x1] =	stream.indirect.gather [hbm4b:s5+s6], $0x40, s17, s6, $0xb8;
	[tilespmem:$0x10400] =	vst v63  }
0x19: {  	s19 =	simm.s32 $0x380;
	s20 =	simm.s32 $0xE400;
	s21 =	simm.s32 $0x1  }
0x1a: {  	[tilespmem:s20], [sflag:$0x1] =	stream.indirect.gather [hbm4b:s5+s6], $0x40, s19, s6, $0xb8;
	[tilespmem:$0x10400] =	vst v63  }
0x1b: {  	_ =	swait.ge [sflag:s21], $0x2000  }
0x1c: {  	[sflag:s21] =	ssyncset.done $0x0  }
0x1d: {  	[sflag:s21] =	ssyncadd.s32 $0xFFFFE000  }
0x1e: {  	_ =	swait.ge [sflag:s21], $0x2000  }
0x1f: {  	[sflag:s21] =	ssyncset.done $0x0  }
0x20: {  	[sflag:s21] =	ssyncadd.s32 $0xFFFFE000  }
0x21: {  	_ =	swait.ge [sflag:s21], $0x2000  }
0x22: {  	[sflag:s21] =	ssyncset.done $0x0  }
0x23: {  	[sflag:s21] =	ssyncadd.s32 $0xFFFFE000  }
0x24: {  	_ =	swait.ge [sflag:s21], $0x2000  }
0x25: {  	[sflag:s21] =	ssyncset.done $0x0  }
0x26: {  	[sflag:s21] =	ssyncadd.s32 $0xFFFFE000  }
0x27: {  	_ =	swait.ge [sflag:s21], $0x2000  }
0x28: {  	[sflag:s21] =	ssyncset.done $0x0  }
0x29: {  	[sflag:s21] =	ssyncadd.s32 $0xFFFFE000  }
0x2a: {  	_ =	swait.ge [sflag:s21], $0x2000  }
0x2b: {  	[sflag:s21] =	ssyncset.done $0x0  }
0x2c: {  	s23 =	ssub.s32 $0x2, s23;
	[sflag:s21] =	ssyncadd.s32 $0xFFFFE000  }
0x2d: {  	s25 =	sshrl.u32 s23, $0x1;
	_ =	swait.ge [sflag:s21], $0x2000  }
0x2e: {  	s23 =	ssub.s32 s23, s25;
	[sflag:s21] =	ssyncset.done $0x0  }
0x2f: {  	s23 =	smax.u32 s23, $0x1;
	[sflag:s21] =	ssyncadd.s32 $0xFFFFE000  }
0x30: {  	s24 =	sshll.u32 s24, $0x3;
	p0 =	sne.s32 s23, $0x1;
	_ =	swait.ge [sflag:s21], $0x2000  }
.Ltmp0:
0x31: {  	s22 =	sadd.s32 s24, s22;
	[sflag:s21] =	ssyncset.done $0x0;
	(pc) =	sbr.rel @!p0 .LBB2_2-.Ltmp0, $4  }
0x32: {  	s22 =	sadd.s32 $0x64A00, s22;
	[sflag:s21] =	ssyncadd.s32 $0xFFFFE000  }
0x33: {  	[hbm4b:s22+s2] =	stream.linear.scatter [tilespmem:s7], [sflag:$0x2], $0x10000, $0x38;
	[tilespmem:$0x10400] =	vst v63  }
0x34: {  	_ =	swait.ge [sflag:s3], $0x10000  }
0x35: {  	s23 =	sadd.s32 $0xFFFFFFFF, s23;
	[sflag:s3] =	ssyncset.done $0x0  }
.LBB2_1:
0x36: {  	p0 =	sne.s32 s23, $0x1;
	s23 =	sadd.s32 $0xFFFFFFFF, s23;
	[sflag:s3] =	ssyncadd.s32 $0xFFFF0000  }
0x37: {  	[tilespmem:s2], [sflag:$0x2] =	stream.linear.gather [hbm4b:s4+s2], $0x400, $0x38;
	[tilespmem:$0x10400] =	vst v63  }
0x38: {  	_ =	swait.ge [sflag:s3], $0x400  }
0x39: {  	[sflag:s3] =	ssyncset.done $0x0  }
0x3a: {  	[sflag:s3] =	ssyncadd.s32 $0xFFFFFC00  }
0x3b: {  	[tilespmem:s7], [sflag:$0x1] =	stream.indirect.gather [hbm4b:s5+s6], $0x40, s2, s6, $0xb8;
	[tilespmem:$0x10400] =	vst v63  }
0x3c: {  	_ = 	snop  }
0x3d: {  	[tilespmem:s8], [sflag:$0x1] =	stream.indirect.gather [hbm4b:s5+s6], $0x40, s6, s6, $0xb8;
	[tilespmem:$0x10400] =	vst v63  }
0x3e: {  	_ = 	snop  }
0x3f: {  	[tilespmem:s10], [sflag:$0x1] =	stream.indirect.gather [hbm4b:s5+s6], $0x40, s9, s6, $0xb8;
	[tilespmem:$0x10400] =	vst v63  }
0x40: {  	_ = 	snop  }
0x41: {  	[tilespmem:s12], [sflag:$0x1] =	stream.indirect.gather [hbm4b:s5+s6], $0x40, s11, s6, $0xb8;
	[tilespmem:$0x10400] =	vst v63  }
0x42: {  	_ = 	snop  }
0x43: {  	[tilespmem:s14], [sflag:$0x1] =	stream.indirect.gather [hbm4b:s5+s6], $0x40, s13, s6, $0xb8;
	[tilespmem:$0x10400] =	vst v63  }
0x44: {  	_ = 	snop  }
0x45: {  	[tilespmem:s16], [sflag:$0x1] =	stream.indirect.gather [hbm4b:s5+s6], $0x40, s15, s6, $0xb8;
	[tilespmem:$0x10400] =	vst v63  }
0x46: {  	_ = 	snop  }
0x47: {  	[tilespmem:s18], [sflag:$0x1] =	stream.indirect.gather [hbm4b:s5+s6], $0x40, s17, s6, $0xb8;
	[tilespmem:$0x10400] =	vst v63  }
0x48: {  	_ = 	snop  }
0x49: {  	[tilespmem:s20], [sflag:$0x1] =	stream.indirect.gather [hbm4b:s5+s6], $0x40, s19, s6, $0xb8;
	[tilespmem:$0x10400] =	vst v63  }
0x4a: {  	_ =	swait.ge [sflag:s21], $0x2000  }
0x4b: {  	[sflag:s21] =	ssyncset.done $0x0  }
0x4c: {  	[sflag:s21] =	ssyncadd.s32 $0xFFFFE000  }
0x4d: {  	_ =	swait.ge [sflag:s21], $0x2000  }
0x4e: {  	[sflag:s21] =	ssyncset.done $0x0  }
0x4f: {  	[sflag:s21] =	ssyncadd.s32 $0xFFFFE000  }
0x50: {  	_ =	swait.ge [sflag:s21], $0x2000  }
0x51: {  	[sflag:s21] =	ssyncset.done $0x0  }
0x52: {  	[sflag:s21] =	ssyncadd.s32 $0xFFFFE000  }
0x53: {  	_ =	swait.ge [sflag:s21], $0x2000  }
0x54: {  	[sflag:s21] =	ssyncset.done $0x0  }
0x55: {  	[sflag:s21] =	ssyncadd.s32 $0xFFFFE000  }
0x56: {  	_ =	swait.ge [sflag:s21], $0x2000  }
0x57: {  	[sflag:s21] =	ssyncset.done $0x0  }
0x58: {  	[sflag:s21] =	ssyncadd.s32 $0xFFFFE000  }
0x59: {  	_ =	swait.ge [sflag:s21], $0x2000  }
0x5a: {  	[sflag:s21] =	ssyncset.done $0x0  }
0x5b: {  	[sflag:s21] =	ssyncadd.s32 $0xFFFFE000  }
0x5c: {  	_ =	swait.ge [sflag:s21], $0x2000  }
0x5d: {  	[sflag:s21] =	ssyncset.done $0x0  }
0x5e: {  	[sflag:s21] =	ssyncadd.s32 $0xFFFFE000  }
0x5f: {  	_ =	swait.ge [sflag:s21], $0x2000  }
.Ltmp1:
0x60: {  	[sflag:s21] =	ssyncset.done $0x0;
	(pc) =	sbr.rel @p0 .LBB2_1-.Ltmp1, $4  }
0x61: {  	[sflag:s21] =	ssyncadd.s32 $0xFFFFE000  }
0x62: {  	[hbm4b:s22+s2] =	stream.linear.scatter [tilespmem:s7], [sflag:$0x2], $0x10000, $0x38;
	[tilespmem:$0x10400] =	vst v63  }
0x63: {  	_ =	swait.ge [sflag:s3], $0x10000  }
0x64: {  	[sflag:s3] =	ssyncset.done $0x0  }
.LBB2_2:
0x65: {  	[sflag:s3] =	ssyncadd.s32 $0xFFFF0000  }
0x66: {  	_ =	sfence.sel $0x180000  }
0x67: {  	[bflag:$0x0] =	sbarrier.arrive $0xFFFF  }
0x68: {  	p0 =	sne.s32 s0, $0x0;
	_ =	strace $0x9000004D  }
0x69: {  	s0 =	sadd.s32 @!p0 $0x100000, s1;
	[bflag:$0x2] =	sbarrier.arrive $0xFFFF  }
0x6a: {  	[sflag:s0] =	ssyncadd.tile.s32 @!p0 $0x1;
	_ =	shalt  }
.Lfunc_end2:
_tile_overlayer_lowered:
.L_overlay_start_2:
0x6b: {  	(tag) =	ssettag $0x2  }
0x6c: {  	s0 =	rddreg [dreg:$0x0];
	s2 =	stileid.u32  }
0x6d: {  	s1 =	rddreg [dreg:$0x1];
	p0 =	sne.s32 s2, $0x0  }
0x6e: {  	s3 =	rddreg [dreg:$0x2];
	[bflag:$0x3] =	sbarrier.arrive $0xFFFF;
	s2 =	simm.s32 @!p0 $0x1C02  }
0x6f: {  	[timem:s3], [sflag:s2] =	dma.local @!p0 [hbm:s0], s1  }
0x70: {  	s0 =	simm.s32 @!p0 $0x2  }
0x71: {  	_ =	swait.ge @!p0 [sflag:s0], s1  }
0x72: {  	s1 =	ssub.s32 @!p0 $0x0, s1;
	[sflag:s0] =	ssyncset.done @!p0 $0x0  }
0x73: {  	[sflag:s0] =	ssyncadd.s32 @!p0 s1  }
0x74: {  	[bflag:$0x3] =	sbarrier.arrive $0xFFFF  }
0x75: {  	_ =	shalt  }

// kernel: kernel.20.cloned.1.call-start
scs
__scs_entry_jumppad:
0x0: {  	(pc) =	sbr.rel $0x88, $3  }
0x1: {  	(tag) =	ssettag $0x0;
	lr =	simm.s32 $0x1  }
0x2: {  	[smem:$0x3F8F] =	sst lr;
	_ =	strace $0xD0000000  }
0x3: {  	_ = 	snop  }
0x4: {  	_ = 	snop  }
0x5: {  	_ = 	snop  }
0x6: {  	_ = 	snop  }
0x7: {  	_ = 	snop  }
__scs_overlays_trampoline_lowered:
0x8: {  	[smem:$0x3F9E] =	sst s0  }
0x9: {  	[smem:$0x3F9F] =	sst s1  }
0xa: {  	[smem:$0x3FA0] =	sst s2  }
0xb: {  	[smem:$0x3FA1] =	sst s3  }
0xc: {  	[smem:$0x3FA2] =	sst s4  }
0xd: {  	[smem:$0x3FA3] =	sst s5  }
0xe: {  	[smem:$0x3FA4] =	sst s6  }
0xf: {  	[smem:$0x3FA5] =	sst s7  }
0x10: {  	[smem:$0x3FA6] =	sst s8  }
0x11: {  	[smem:$0x3FA7] =	sst s9;
	s0 =	simm.s32 @!p0 $0x0  }
0x12: {  	s1 =	sld [smem:$0x3F8D];
	s0 =	simm.s32 @p0 $0x1  }
0x13: {  	[smem:$0x3FA8] =	sst s0;
	s0 =	simm.s32 @!p1 $0x0  }
0x14: {  	s2 =	sld [smem:$0x3F8C];
	s0 =	simm.s32 @p1 $0x1  }
0x15: {  	[smem:$0x3FA9] =	sst s0;
	s0 =	simm.s32 @!p2 $0x0  }
0x16: {  	s3 =	sld [smem:$0x3FDB];
	s0 =	simm.s32 @p2 $0x1  }
0x17: {  	s4 =	simm.s32 $0x1BF5;
	[smem:$0x3FAB] =	sst s0  }
0x18: {  	s0 =	sld [smem:$0x3F8E];
	_ =	swait.ge [sflag:s4], $0x0  }
0x19: {  	s7 =	sld [smem:$0x3F8F]  }
0x1a: {  	s8 =	sadd.s32 $0xFFFFE003, lr  }
0x1b: {  	s9 =	sadd.s32 $0xFFFFFEF7, lr;
	s5 =	simm.s32 $0xFFFFFFFF;
	p2 =	slt.u32 s8, $0xFFFFF086  }
0x1c: {  	p1 =	slt.u32 s9, $0xF7A;
	s5 =	simm.s32 @!p2 $0x0  }
0x1d: {  	s5 =	simm.s32 @p1 $0x1;
	p0 =	seq.s32 s7, s2  }
0x1e: {  	s7 =	smul.u32 @!p0 $0xF7A, s2;
	p2 =	seq.s32 @!p0 s5, $0x0  }
0x1f: {  	s9 =	smul.u32 $0xF7A, s1;
	s8 =	simm.s32 @!p0 $0x1BF5;
	p2 =	por !p2, p0  }
0x20: {  	[sflag:s8] =	ssyncset.s32 @!p0 $0xFFFFF086;
	s6 =	sadd.s32 @!p0 s3, s7;
	s7 =	simm.s32 @!p0 $0x108  }
0x21: {  	s3 =	sadd.s32 s3, s9;
	s6 =	sadd.s32 @!p0 $0x88, s6;
	s7 =	simm.s32 @p2 $0x1082  }
0x22: {  	[simem:s7], [sflag:s8] =	dma.local @!p0 [hbm:s6], $0xF7A  }
0x23: {  	s9 =	sor.u32 $0xD0000000, s2;
	s6 =	simm.s32 $0x108;
	_ =	swait.ge @!p0 [sflag:s8], $0x0  }
0x24: {  	s3 =	sadd.s32 $0x88, s3;
	s6 =	simm.s32 @!p1 $0x1082;
	[sflag:s4] =	ssyncset.s32 $0xFFFFF086  }
0x25: {  	[simem:s6], [sflag:s4] =	dma.local [hbm:s3], $0xF7A  }
0x26: {  	[smem:$0x3F8F] =	sst s1;
	(tag) =	ssettag s2;
	_ =	strace s9  }
0x27: {  	s1 =	sld [smem:$0x3F9F]  }
0x28: {  	s2 =	sld [smem:$0x3FA0]  }
0x29: {  	s4 =	sld [smem:$0x3FA2]  }
0x2a: {  	p0 =	seq.s32 s5, $0x0;
	s5 =	sld [smem:$0x3FA3]  }
0x2b: {  	s6 =	sld [smem:$0x3FA4]  }
0x2c: {  	s7 =	sld [smem:$0x3FA5]  }
0x2d: {  	s3 =	simm.s32 $0x108;
	s8 =	sld [smem:$0x3FA6]  }
0x2e: {  	s3 =	simm.s32 @!p0 $0x1082;
	s9 =	sld [smem:$0x3FA7]  }
0x2f: {  	lr =	sadd.s32 s0, s3;
	s0 =	sld [smem:$0x3F9E]  }
0x30: {  	s3 =	sld [smem:$0x3FA1]  }
0x31: {  	[smem:$0x3FAA] =	sst s10  }
0x32: {  	s10 =	sld [smem:$0x3FA8];
	_ =	sdelay $0x3  }
0x33: {  	p0 =	seq.s32 s10, $0x1;
	s10 =	sld [smem:$0x3FAA];
	_ =	sdelay $0x3  }
0x34: {  	[smem:$0x3FAA] =	sst s10  }
0x35: {  	s10 =	sld [smem:$0x3FA9];
	_ =	sdelay $0x3  }
0x36: {  	p1 =	seq.s32 s10, $0x1;
	s10 =	sld [smem:$0x3FAA];
	_ =	sdelay $0x3  }
0x37: {  	[smem:$0x3FAA] =	sst s10  }
0x38: {  	s10 =	sld [smem:$0x3FAB]  }
0x39: {  	_ = 	snop;
	(pc) =	sbr.ind lr, $3  }
0x3a: {  	_ = 	snop  }
0x3b: {  	_ = 	snop  }
0x3c: {  	p2 =	seq.s32 s10, $0x1;
	s10 =	sld [smem:$0x3FAA]  }
0x3d: {  	_ =	shalt  }
0x3e: {  	_ =	shalt  }
0x3f: {  	_ =	shalt  }
0x40: {  	_ =	shalt  }
0x41: {  	_ =	shalt  }
0x42: {  	_ =	shalt  }
0x43: {  	_ =	shalt  }
0x44: {  	_ =	shalt  }
0x45: {  	_ =	shalt  }
0x46: {  	_ =	shalt  }
0x47: {  	_ =	shalt  }
0x48: {  	_ =	shalt  }
0x49: {  	_ =	shalt  }
0x4a: {  	_ =	shalt  }
0x4b: {  	_ =	shalt  }
0x4c: {  	_ =	shalt  }
0x4d: {  	_ =	shalt  }
0x4e: {  	_ =	shalt  }
0x4f: {  	_ =	shalt  }
0x50: {  	_ =	shalt  }
0x51: {  	_ =	shalt  }
0x52: {  	_ =	shalt  }
0x53: {  	_ =	shalt  }
0x54: {  	_ =	shalt  }
0x55: {  	_ =	shalt  }
0x56: {  	_ =	shalt  }
0x57: {  	_ =	shalt  }
0x58: {  	_ =	shalt  }
0x59: {  	_ =	shalt  }
0x5a: {  	_ =	shalt  }
0x5b: {  	_ =	shalt  }
0x5c: {  	_ =	shalt  }
0x5d: {  	_ =	shalt  }
0x5e: {  	_ =	shalt  }
0x5f: {  	_ =	shalt  }
0x60: {  	_ =	shalt  }
0x61: {  	_ =	shalt  }
0x62: {  	_ =	shalt  }
0x63: {  	_ =	shalt  }
0x64: {  	_ =	shalt  }
0x65: {  	_ =	shalt  }
0x66: {  	_ =	shalt  }
0x67: {  	_ =	shalt  }
0x68: {  	_ =	shalt  }
0x69: {  	_ =	shalt  }
0x6a: {  	_ =	shalt  }
0x6b: {  	_ =	shalt  }
0x6c: {  	_ =	shalt  }
0x6d: {  	_ =	shalt  }
0x6e: {  	_ =	shalt  }
0x6f: {  	_ =	shalt  }
0x70: {  	_ =	shalt  }
0x71: {  	_ =	shalt  }
0x72: {  	_ =	shalt  }
0x73: {  	_ =	shalt  }
0x74: {  	_ =	shalt  }
0x75: {  	_ =	shalt  }
0x76: {  	_ =	shalt  }
0x77: {  	_ =	shalt  }
0x78: {  	_ =	shalt  }
0x79: {  	_ =	shalt  }
0x7a: {  	_ =	shalt  }
0x7b: {  	_ =	shalt  }
0x7c: {  	_ =	shalt  }
0x7d: {  	_ =	shalt  }
0x7e: {  	_ =	shalt  }
0x7f: {  	_ =	shalt  }
0x80: {  	_ =	shalt  }
0x81: {  	_ =	shalt  }
0x82: {  	_ =	shalt  }
0x83: {  	_ =	shalt  }
0x84: {  	_ =	shalt  }
0x85: {  	_ =	shalt  }
0x86: {  	_ =	shalt  }
0x87: {  	_ =	shalt  }
.Lfunc_end0:
.L_simem_size_0:
called_computation.3_lowered:
.L_overlay_start_0:
0x88: {  	s2 =	sld [smem:$0x3FD9]  }
0x89: {  	s3 =	sld [smem:$0x3FFE];
	_ =	sdelay $0x1  }
0x8a: {  	s1 =	srdreg.scid  }
0x8b: {  	s0 =	sand.u32 $0x1, s1  }
0x8c: {  	s17 =	sshll.u32 s0, $0xA;
	s2 =	sadd.s32 s3, s2  }
0x8d: {  	s2 =	sadd.s32 s2, s17  }
0x8e: {  	[smem:$0x3FB6] =	sst s2  }
0x8f: {  	_ = 	snop  }
0x90: {  	s2 =	sld [smem:$0x3FD0];
	(tm) =	ssettm $0x1  }
0x91: {  	s18 =	sld [smem:$0x3FFB];
	_ =	sdelay $0x3  }
0x92: {  	_ =	strace s18  }
0x93: {  	s3 =	sld [smem:$0x3FFC];
	_ =	sdelay $0x3  }
0x94: {  	_ =	strace s3  }
0x95: {  	s3 =	sld [smem:$0x3FFD];
	_ =	sdelay $0x3  }
0x96: {  	_ =	strace s3  }
0x97: {  	_ =	strace $0x8FFFFFFF  }
0x98: {  	s19 =	sld [smem:$0x3FDB];
	_ =	sdelay $0x1  }
0x99: {  	s4 =	simm.s32 $_scs_section_size  }
0x9a: {  	s5 =	simm.s32 $_size__tile_overlayer_lowered;
	s6 =	simm.s32 $_tile_overlayer_lowered  }
0x9b: {  	s22 =	simm.s32 $0x1BFF;
	s21 =	sshll.u32 s6, $0x1;
	s3 =	sadd.s32 s4, s19  }
0x9c: {  	s7 =	simm.s32 $0x0;
	s20 =	sshll.u32 s5, $0x1;
	s5 =	sadd.s32 s21, s3  }
0x9d: {  	[timem:s7], [sflag:s22] =	dma.local [hbm:s5], s20  }
0x9e: {  	_ =	swait.ge [sflag:s22], s20  }
0x9f: {  	s4 =	ssub.s32 $0x0, s20;
	[sflag:s22] =	ssyncset.done $0x0  }
0xa0: {  	[sflag:s22] =	ssyncadd.s32 s4;
	_ =	sdelay $0x1  }
0xa1: {  	s23 =	simm.s32 $0x1B8B  }
0xa2: {  	_ =	swait.ge [sflag:s23], $0x1  }
0xa3: {  	[sflag:s23] =	ssyncset.done $0x0  }
0xa4: {  	s25 =	simm.s32 $0x1B8E;
	s24 =	sld [smem:$0x3FFE];
	[sflag:s23] =	ssyncadd.s32 $0xFFFFFFFF  }
0xa5: {  	s26 =	simm.s32 $execute0_lowered;
	[smem:$0x3FD2] =	sst s25  }
0xa6: {  	s5 =	sshll.u32 s26, $0x1;
	_ =	strace $0x8000004F;
	[dreg:$0x1] =	wrdreg $0xFFFFFFFF  }
0xa7: {  	s28 =	simm.s32 $_size_execute0_lowered;
	s3 =	sadd.s32 s3, s5;
	[dreg:$0x0] =	wrdreg $0x0  }
0xa8: {  	s5 =	sshll.u32 s28, $0x1;
	[dreg:$0x2] =	wrdreg s3  }
0xa9: {  	[dreg:$0x3] =	wrdreg s5  }
0xaa: {  	[dreg:$0x4] =	wrdreg $0xC0  }
0xab: {  	_ =	task [dreg:s7], $0x5FFFF  }
0xac: {  	[dreg:$0x1] =	wrdreg $0xFFFFFFFF  }
0xad: {  	[dreg:$0x0] =	wrdreg $0x60  }
0xae: {  	[dreg:$0x2] =	wrdreg s24  }
0xaf: {  	[dreg:$0x3] =	wrdreg s2  }
0xb0: {  	[dreg:$0x4] =	wrdreg $0x84000  }
0xb1: {  	[dreg:$0x5] =	wrdreg $0x9  }
0xb2: {  	_ =	task.clear_ibuf [dreg:s7], $0x6FFFF;
	_ =	strace $0x9000004F  }
0xb3: {  	s29 =	simm.s32 $0x9;
	_ =	strace $0x80000051  }
0xb4: {  	_ =	swait.ge [sflag:s29], $0x1  }
0xb5: {  	[sflag:s29] =	ssyncadd.s32 $0xFFFFFFFF  }
0xb6: {  	_ =	strace $0x90000051  }
0xb7: {  	_ =	sfence  }
0xb8: {  	s30 =	sld [smem:$0x0];
	_ =	sdelay $0x2  }
0xb9: {  	s31 =	sshll.u32 s1, $0xD;
	s1 =	sshrl.u32 s1, $0x2  }
0xba: {  	s3 =	sand.u32 $0x4000, s31;
	s1 =	sadd.s32 s1, s30  }
0xbb: {  	s0 =	sor.u32 s3, s0;
	s1 =	sshll.u32 s1, $0x11  }
0xbc: {  	s0 =	sor.u32 s1, s0  }
0xbd: {  	s0 =	sadd.s32 $0x8F2B, s0  }
0xbe: {  	[sflag:s0] =	ssyncadd.remote.s32 $0x1  }
0xbf: {  	_ =	sfence.sel $0xFFFF  }
0xc0: {  	[dreg:$0x0] =	wrdreg $0xFFFFFFFF;
	(pc) =	sbr.abs _section_cstart, $3  }
0xc1: {  	[dreg:$0x1] =	wrdreg $0xFFFFFFFF  }
0xc2: {  	_ =	task.clear_ibuf [dreg:s7], $0x2FFFF;
	_ =	strace $0x9FFFFFFF  }
0xc3: {  	(tm) =	ssettm $0x7FFFFFFF  }
tec
execute0_lowered:
.L_overlay_start_1:
0x0: {  	(tag) =	ssettag $0x1  }
0x1: {  	s1 =	srdreg.scid  }
0x2: {  	s28 =	rddreg [dreg:$0x0];
	s0 =	stileid.u32;
	s29 =	sand.u32 $0x1, s1  }
0x3: {  	s6 =	rddreg [dreg:$0x1];
	s4 =	sshll.u32 s0, $0xB;
	s5 =	sshll.u32 s29, $0xA  }
0x4: {  	s2 =	rddreg [dreg:$0x2];
	s3 =	simm.s32 $0x0;
	s5 =	sor.u32 s5, s4  }
0x5: {  	[smem:$0x7FF] =	sst s3;
	s4 =	sshll.u32 s5, $0x2  }
0x6: {  	s1 =	rddreg [dreg:$0x3];
	_ =	strace $0x80000050;
	s4 =	sadd.s32 s4, s28  }
0x7: {  	s7 =	sshrl.u32 s5, $0x3;
	s5 =	simm.s32 $0x400;
	s4 =	sadd.s32 $0x44A00, s4  }
0x8: {  	[tilespmem:s5], [sflag:$0x1] =	stream.linear.gather [hbm4b:s4+s3], $0x8000, $0x38;
	[tilespmem:$0x10400] =	vst v63  }
0x9: {  	s30 =	sshll.u32 s0, $0x10;
	s7 =	sadd.s32 s6, s7;
	s6 =	simm.s32 $0x3  }
0xa: {  	[tilespmem:s3], [sflag:$0x3] =	stream.linear.gather [hbm4b:s7+s3], $0x400, $0x38;
	[tilespmem:$0x10400] =	vst v63  }
0xb: {  	s8 =	sadd.s32 $0xA4A00, s28;
	s9 =	sshrl.u32 s30, $0x1;
	_ =	swait.ge [sflag:s6], $0x400  }
0xc: {  	s31 =	sshll.u32 s0, $0x6;
	s10 =	sadd.s32 s9, s2;
	[sflag:s6] =	ssyncset.done $0x0  }
0xd: {  	s9 =	sor.u32 $0x1C03, s31;
	s10 =	sshrl.u32 s10, $0x3;
	[sflag:s6] =	ssyncadd.s32 $0xFFFFFC00  }
0xe: {  	[spmem:s10], [sflag:s9] =	dma.local [hbm:s8], $0x1000  }
0xf: {  	_ =	swait.ge [sflag:s6], $0x1000  }
0x10: {  	[sflag:s6] =	ssyncset.done $0x0  }
0x11: {  	[sflag:s6] =	ssyncadd.s32 $0xFFFFF000  }
0x12: {  	s11 =	simm.s32 $0x1;
	[bflag:$0x0] =	sbarrier.arrive $0xFFFF  }
0x13: {  	_ =	swait.ge [sflag:s11], $0x8000  }
0x14: {  	[sflag:s11] =	ssyncset.done $0x0  }
0x15: {  	s12 =	simm.s32 $0x80;
	[sflag:s11] =	ssyncadd.s32 $0xFFFF8000  }
0x16: {  	[spmem:s2] =	stream.indirect.scatter.add.bf16 [tilespmem:s5], [sflag:$0x2], $0x20, s3, s12, $0xb8;
	[tilespmem:$0x10400] =	vst v63  }
0x17: {  	s13 =	simm.s32 $0x1400  }
0x18: {  	[spmem:s2] =	stream.indirect.scatter.add.bf16 [tilespmem:s13], [sflag:$0x2], $0x20, s12, s12, $0xb8;
	[tilespmem:$0x10400] =	vst v63  }
0x19: {  	s14 =	simm.s32 $0x100;
	s15 =	simm.s32 $0x2400  }
0x1a: {  	[spmem:s2] =	stream.indirect.scatter.add.bf16 [tilespmem:s15], [sflag:$0x2], $0x20, s14, s12, $0xb8;
	[tilespmem:$0x10400] =	vst v63  }
0x1b: {  	s16 =	simm.s32 $0x180;
	s17 =	simm.s32 $0x3400  }
0x1c: {  	[spmem:s2] =	stream.indirect.scatter.add.bf16 [tilespmem:s17], [sflag:$0x2], $0x20, s16, s12, $0xb8;
	[tilespmem:$0x10400] =	vst v63  }
0x1d: {  	s18 =	simm.s32 $0x200;
	s19 =	simm.s32 $0x4400  }
0x1e: {  	[spmem:s2] =	stream.indirect.scatter.add.bf16 [tilespmem:s19], [sflag:$0x2], $0x20, s18, s12, $0xb8;
	[tilespmem:$0x10400] =	vst v63  }
0x1f: {  	s20 =	simm.s32 $0x280;
	s21 =	simm.s32 $0x5400  }
0x20: {  	[spmem:s2] =	stream.indirect.scatter.add.bf16 [tilespmem:s21], [sflag:$0x2], $0x20, s20, s12, $0xb8;
	[tilespmem:$0x10400] =	vst v63  }
0x21: {  	s22 =	simm.s32 $0x300;
	s23 =	simm.s32 $0x6400  }
0x22: {  	[spmem:s2] =	stream.indirect.scatter.add.bf16 [tilespmem:s23], [sflag:$0x2], $0x20, s22, s12, $0xb8;
	[tilespmem:$0x10400] =	vst v63  }
0x23: {  	s24 =	simm.s32 $0x380;
	s25 =	simm.s32 $0x7400;
	s26 =	simm.s32 $0x2  }
0x24: {  	[spmem:s2] =	stream.indirect.scatter.add.bf16 [tilespmem:s25], [sflag:$0x2], $0x20, s24, s12, $0xb8;
	[tilespmem:$0x10400] =	vst v63  }
0x25: {  	_ =	swait.ge [sflag:s26], $0x1000  }
0x26: {  	[sflag:s26] =	ssyncset.done $0x0  }
0x27: {  	[sflag:s26] =	ssyncadd.s32 $0xFFFFF000  }
0x28: {  	_ =	swait.ge [sflag:s26], $0x1000  }
0x29: {  	[sflag:s26] =	ssyncset.done $0x0  }
0x2a: {  	[sflag:s26] =	ssyncadd.s32 $0xFFFFF000  }
0x2b: {  	_ =	swait.ge [sflag:s26], $0x1000  }
0x2c: {  	[sflag:s26] =	ssyncset.done $0x0  }
0x2d: {  	[sflag:s26] =	ssyncadd.s32 $0xFFFFF000  }
0x2e: {  	_ =	swait.ge [sflag:s26], $0x1000  }
0x2f: {  	[sflag:s26] =	ssyncset.done $0x0  }
0x30: {  	[sflag:s26] =	ssyncadd.s32 $0xFFFFF000  }
0x31: {  	_ =	swait.ge [sflag:s26], $0x1000  }
0x32: {  	[sflag:s26] =	ssyncset.done $0x0  }
0x33: {  	[sflag:s26] =	ssyncadd.s32 $0xFFFFF000  }
0x34: {  	_ =	swait.ge [sflag:s26], $0x1000  }
0x35: {  	[sflag:s26] =	ssyncset.done $0x0  }
0x36: {  	[sflag:s26] =	ssyncadd.s32 $0xFFFFF000  }
0x37: {  	s31 =	sshll.u32 s29, $0x14;
	s29 =	ssub.s32 $0x2, s29;
	_ =	swait.ge [sflag:s26], $0x1000  }
0x38: {  	s30 =	sor.u32 s30, s31;
	s31 =	sshrl.u32 s29, $0x1;
	[sflag:s26] =	ssyncset.done $0x0  }
0x39: {  	s29 =	ssub.s32 s29, s31;
	[sflag:s26] =	ssyncadd.s32 $0xFFFFF000  }
0x3a: {  	s29 =	smax.u32 s29, $0x1;
	_ =	swait.ge [sflag:s26], $0x1000  }
0x3b: {  	s30 =	sshrl.u32 s30, $0x4;
	p0 =	sne.s32 s29, $0x1;
	[sflag:s26] =	ssyncset.done $0x0  }
.Ltmp0:
0x3c: {  	s28 =	sadd.s32 s30, s28;
	[sflag:s26] =	ssyncadd.s32 $0xFFFFF000;
	(pc) =	sbr.rel @!p0 .LBB2_2-.Ltmp0, $4  }
0x3d: {  	s28 =	sadd.s32 $0x64A00, s28;
	[bflag:$0x0] =	sbarrier.arrive $0xFFFF  }
0x3e: {  	[hbm:s28], [sflag:s9] =	dma.local [spmem:s10], $0x1000  }
0x3f: {  	_ =	swait.ge [sflag:s6], $0x1000  }
0x40: {  	s29 =	sadd.s32 $0xFFFFFFFF, s29;
	[sflag:s6] =	ssyncset.done $0x0  }
.LBB2_1:
0x41: {  	p0 =	sne.s32 s29, $0x1;
	s29 =	sadd.s32 $0xFFFFFFFF, s29;
	[sflag:s6] =	ssyncadd.s32 $0xFFFFF000  }
0x42: {  	[tilespmem:s5], [sflag:$0x1] =	stream.linear.gather [hbm4b:s4+s3], $0x8000, $0x38;
	[tilespmem:$0x10400] =	vst v63  }
0x43: {  	_ = 	snop  }
0x44: {  	[tilespmem:s3], [sflag:$0x3] =	stream.linear.gather [hbm4b:s7+s3], $0x400, $0x38;
	[tilespmem:$0x10400] =	vst v63  }
0x45: {  	_ =	swait.ge [sflag:s6], $0x400  }
0x46: {  	[sflag:s6] =	ssyncset.done $0x0  }
0x47: {  	[sflag:s6] =	ssyncadd.s32 $0xFFFFFC00  }
0x48: {  	[spmem:s10], [sflag:s9] =	dma.local [hbm:s8], $0x1000  }
0x49: {  	_ =	swait.ge [sflag:s6], $0x1000  }
0x4a: {  	[sflag:s6] =	ssyncset.done $0x0  }
0x4b: {  	[sflag:s6] =	ssyncadd.s32 $0xFFFFF000  }
0x4c: {  	[bflag:$0x0] =	sbarrier.arrive $0xFFFF  }
0x4d: {  	_ =	swait.ge [sflag:s11], $0x8000  }
0x4e: {  	[sflag:s11] =	ssyncset.done $0x0  }
0x4f: {  	[sflag:s11] =	ssyncadd.s32 $0xFFFF8000  }
0x50: {  	[spmem:s2] =	stream.indirect.scatter.add.bf16 [tilespmem:s5], [sflag:$0x2], $0x20, s3, s12, $0xb8;
	[tilespmem:$0x10400] =	vst v63  }
0x51: {  	_ = 	snop  }
0x52: {  	[spmem:s2] =	stream.indirect.scatter.add.bf16 [tilespmem:s13], [sflag:$0x2], $0x20, s12, s12, $0xb8;
	[tilespmem:$0x10400] =	vst v63  }
0x53: {  	_ = 	snop  }
0x54: {  	[spmem:s2] =	stream.indirect.scatter.add.bf16 [tilespmem:s15], [sflag:$0x2], $0x20, s14, s12, $0xb8;
	[tilespmem:$0x10400] =	vst v63  }
0x55: {  	_ = 	snop  }
0x56: {  	[spmem:s2] =	stream.indirect.scatter.add.bf16 [tilespmem:s17], [sflag:$0x2], $0x20, s16, s12, $0xb8;
	[tilespmem:$0x10400] =	vst v63  }
0x57: {  	_ = 	snop  }
0x58: {  	[spmem:s2] =	stream.indirect.scatter.add.bf16 [tilespmem:s19], [sflag:$0x2], $0x20, s18, s12, $0xb8;
	[tilespmem:$0x10400] =	vst v63  }
0x59: {  	_ = 	snop  }
0x5a: {  	[spmem:s2] =	stream.indirect.scatter.add.bf16 [tilespmem:s21], [sflag:$0x2], $0x20, s20, s12, $0xb8;
	[tilespmem:$0x10400] =	vst v63  }
0x5b: {  	_ = 	snop  }
0x5c: {  	[spmem:s2] =	stream.indirect.scatter.add.bf16 [tilespmem:s23], [sflag:$0x2], $0x20, s22, s12, $0xb8;
	[tilespmem:$0x10400] =	vst v63  }
0x5d: {  	_ = 	snop  }
0x5e: {  	[spmem:s2] =	stream.indirect.scatter.add.bf16 [tilespmem:s25], [sflag:$0x2], $0x20, s24, s12, $0xb8;
	[tilespmem:$0x10400] =	vst v63  }
0x5f: {  	_ =	swait.ge [sflag:s26], $0x1000  }
0x60: {  	[sflag:s26] =	ssyncset.done $0x0  }
0x61: {  	[sflag:s26] =	ssyncadd.s32 $0xFFFFF000  }
0x62: {  	_ =	swait.ge [sflag:s26], $0x1000  }
0x63: {  	[sflag:s26] =	ssyncset.done $0x0  }
0x64: {  	[sflag:s26] =	ssyncadd.s32 $0xFFFFF000  }
0x65: {  	_ =	swait.ge [sflag:s26], $0x1000  }
0x66: {  	[sflag:s26] =	ssyncset.done $0x0  }
0x67: {  	[sflag:s26] =	ssyncadd.s32 $0xFFFFF000  }
0x68: {  	_ =	swait.ge [sflag:s26], $0x1000  }
0x69: {  	[sflag:s26] =	ssyncset.done $0x0  }
0x6a: {  	[sflag:s26] =	ssyncadd.s32 $0xFFFFF000  }
0x6b: {  	_ =	swait.ge [sflag:s26], $0x1000  }
0x6c: {  	[sflag:s26] =	ssyncset.done $0x0  }
0x6d: {  	[sflag:s26] =	ssyncadd.s32 $0xFFFFF000  }
0x6e: {  	_ =	swait.ge [sflag:s26], $0x1000  }
0x6f: {  	[sflag:s26] =	ssyncset.done $0x0  }
0x70: {  	[sflag:s26] =	ssyncadd.s32 $0xFFFFF000  }
0x71: {  	_ =	swait.ge [sflag:s26], $0x1000  }
0x72: {  	[sflag:s26] =	ssyncset.done $0x0  }
0x73: {  	[sflag:s26] =	ssyncadd.s32 $0xFFFFF000  }
0x74: {  	_ =	swait.ge [sflag:s26], $0x1000  }
0x75: {  	[sflag:s26] =	ssyncset.done $0x0  }
.Ltmp1:
0x76: {  	[sflag:s26] =	ssyncadd.s32 $0xFFFFF000;
	(pc) =	sbr.rel @p0 .LBB2_1-.Ltmp1, $4  }
0x77: {  	[bflag:$0x0] =	sbarrier.arrive $0xFFFF  }
0x78: {  	[hbm:s28], [sflag:s9] =	dma.local [spmem:s10], $0x1000  }
0x79: {  	_ =	swait.ge [sflag:s6], $0x1000  }
0x7a: {  	[sflag:s6] =	ssyncset.done $0x0  }
.LBB2_2:
0x7b: {  	[sflag:s6] =	ssyncadd.s32 $0xFFFFF000  }
0x7c: {  	_ =	sfence.sel $0x180000  }
0x7d: {  	[bflag:$0x0] =	sbarrier.arrive $0xFFFF  }
0x7e: {  	p0 =	sne.s32 s0, $0x0;
	_ =	strace $0x90000050  }
0x7f: {  	s0 =	sadd.s32 @!p0 $0x100000, s1;
	[bflag:$0x2] =	sbarrier.arrive $0xFFFF  }
0x80: {  	[sflag:s0] =	ssyncadd.tile.s32 @!p0 $0x1;
	_ =	shalt  }
.Lfunc_end2:
_tile_overlayer_lowered:
.L_overlay_start_2:
0x81: {  	(tag) =	ssettag $0x2  }
0x82: {  	s0 =	rddreg [dreg:$0x0];
	s2 =	stileid.u32  }
0x83: {  	s1 =	rddreg [dreg:$0x1];
	p0 =	sne.s32 s2, $0x0  }
0x84: {  	s3 =	rddreg [dreg:$0x2];
	[bflag:$0x3] =	sbarrier.arrive $0xFFFF;
	s2 =	simm.s32 @!p0 $0x1C03  }
0x85: {  	[timem:s3], [sflag:s2] =	dma.local @!p0 [hbm:s0], s1  }
0x86: {  	s0 =	simm.s32 @!p0 $0x3  }
0x87: {  	_ =	swait.ge @!p0 [sflag:s0], s1  }
0x88: {  	s1 =	ssub.s32 @!p0 $0x0, s1;
	[sflag:s0] =	ssyncset.done @!p0 $0x0  }
0x89: {  	[sflag:s0] =	ssyncadd.s32 @!p0 s1  }
0x8a: {  	[bflag:$0x3] =	sbarrier.arrive $0xFFFF  }
0x8b: {  	_ =	shalt  }

</sc_bundles>
